<compile_context>
chip_gen: v7x
topology: tpu7x:2x2x1
jax: 0.10.2.dev20260603
libtpu: 0.0.44.dev20260713+nightly
codegen_flags: <defaults>
</compile_context>

<pallas_src>
import functools

import jax
import jax.numpy as jnp
from jax import lax
from jax.experimental import pallas as pl
from jax.experimental.pallas import tpu as pltpu
from jax.experimental.pallas import tpu_sc as plsc

N = 10000
D = 128
H = 128
E = 320000

NC = 2
NS = 16
NW = NC * NS
CH = 128
ROWS = 320
NP2 = NW * ROWS
SB = 4096
SBP = SB + 16
EP = 79 * SB
ECAP = EP + SBP


def _sc_mesh():
    return plsc.VectorSubcoreMesh(core_axis_name="c", subcore_axis_name="s")


_SC_PARAMS = pltpu.CompilerParams(needs_layout_passes=False)


def _k0_compact(src, dst):

    @functools.partial(
        pl.kernel,
        out_type=(
            jax.ShapeDtypeStruct((NW * ECAP,), jnp.int32),
            jax.ShapeDtypeStruct((NW * ECAP,), jnp.int32),
            jax.ShapeDtypeStruct((NW * 16,), jnp.int32),
        ),
        mesh=_sc_mesh(),
        compiler_params=_SC_PARAMS,
        scratch_types=[
            pltpu.VMEM((SB,), jnp.int32),
            pltpu.VMEM((SB,), jnp.int32),
            pltpu.VMEM((SBP + 16,), jnp.int32),
            pltpu.VMEM((SBP + 16,), jnp.int32),
            pltpu.VMEM((16,), jnp.int32),
        ],
    )
    def k(src_hbm, dst_hbm, sc_hbm, dl_hbm, cnt_hbm, vd, vs, stgs, stgd, cvec):
        c = lax.axis_index("c")
        s = lax.axis_index("s")
        w = s * NC + c
        lo = w * ROWS
        hi = lo + ROWS
        zi = jnp.zeros((16,), jnp.int32)

        def fz(i, _):
            stgs[pl.ds(i * 16, 16)] = zi
            stgd[pl.ds(i * 16, 16)] = zi
            return 0

        lax.fori_loop(0, (SBP + 16) // 16, fz, 0)

        def outer(b, carry):
            big_o, r = carry
            pltpu.sync_copy(dst_hbm.at[pl.ds(b * SB, SB)], vd)
            pltpu.sync_copy(src_hbm.at[pl.ds(b * SB, SB)], vs)

            def scan(i, o):
                x = vd[pl.ds(i * 16, 16)]
                y = vs[pl.ds(i * 16, 16)]
                lov = jnp.full((16,), lo, jnp.int32)
                hiv = jnp.full((16,), hi, jnp.int32)
                m = (x >= lov) & (x < hiv)
                mi = m.astype(jnp.int32)
                pref = plsc.cumsum(mi)
                dumpv = jnp.full((16,), SBP, jnp.int32)
                ov = jnp.full((16,), o, jnp.int32)
                onev = jnp.full((16,), 1, jnp.int32)
                pos = jnp.where(m, pref + ov - onev, dumpv)
                plsc.store_scatter(stgd, [pos], x - lov)
                plsc.store_scatter(stgs, [pos], y)
                return o + jnp.sum(mi)

            o = lax.fori_loop(0, SB // 16, scan, r)
            ofs = pl.multiple_of(w * ECAP + big_o, 16)
            pltpu.sync_copy(stgs.at[pl.ds(0, SBP)], sc_hbm.at[pl.ds(ofs, SBP)])
            pltpu.sync_copy(stgd.at[pl.ds(0, SBP)], dl_hbm.at[pl.ds(ofs, SBP)])
            fl = pl.multiple_of((o // 16) * 16, 16)
            vts = stgs[pl.ds(fl, 16)]
            vtd = stgd[pl.ds(fl, 16)]
            stgs[pl.ds(0, 16)] = vts
            stgd[pl.ds(0, 16)] = vtd
            return big_o + fl, o - fl

        big_o, r = lax.fori_loop(0, EP // SB, outer, (0, 0))
        ofs = pl.multiple_of(w * ECAP + big_o, 16)
        pltpu.sync_copy(stgs.at[pl.ds(0, SBP)], sc_hbm.at[pl.ds(ofs, SBP)])
        pltpu.sync_copy(stgd.at[pl.ds(0, SBP)], dl_hbm.at[pl.ds(ofs, SBP)])
        cvec[...] = jnp.full((16,), big_o + r, jnp.int32)
        pltpu.sync_copy(cvec, cnt_hbm.at[pl.ds(w * 16, 16)])

    return k(src, dst)


def _k1_degree(dl_c, counts):

    @functools.partial(
        pl.kernel,
        out_type=jax.ShapeDtypeStruct((NP2,), jnp.float32),
        mesh=_sc_mesh(),
        compiler_params=_SC_PARAMS,
        scratch_types=[
            pltpu.VMEM((CH,), jnp.int32),
            pltpu.VMEM((ROWS + 16,), jnp.float32),
            pltpu.VMEM((16,), jnp.int32),
        ],
    )
    def k(dl_hbm, cnt_hbm, deg_hbm, dl, acc, cnts):
        c = lax.axis_index("c")
        s = lax.axis_index("s")
        w = s * NC + c
        z = jnp.zeros((16,), jnp.float32)

        def fz(i, _):
            acc[pl.ds(i * 16, 16)] = z
            return 0

        lax.fori_loop(0, (ROWS + 16) // 16, fz, 0)
        pltpu.sync_copy(cnt_hbm.at[pl.ds(w * 16, 16)], cnts)
        count = jnp.sum(cnts[...]) // 16
        iota = lax.broadcasted_iota(jnp.int32, (16,), 0)
        lane0 = iota == 0
        one = jnp.where(lane0, 1.0, 0.0).astype(jnp.float32)

        def chunk(i, _):
            pltpu.sync_copy(dl_hbm.at[pl.ds(w * ECAP + i * CH, CH)], dl)
            rem = count - i * CH

            def edge(j, _):
                @pl.when(j < rem)
                def _():
                    rb = plsc.load_gather(dl, [jnp.full((16,), j, jnp.int32)])
                    ix = jnp.where(lane0, rb, ROWS)
                    plsc.addupdate_scatter(acc, [ix], one)
                return 0

            lax.fori_loop(0, CH, edge, 0)
            return 0

        lax.fori_loop(0, pl.cdiv(count, CH), chunk, 0)
        pltpu.sync_copy(acc.at[pl.ds(0, ROWS)], deg_hbm.at[pl.ds(w * ROWS, ROWS)])

    return k(dl_c, counts)


def _k2_scatter(g, sc_c, dl_c, counts):

    @functools.partial(
        pl.kernel,
        out_type=jax.ShapeDtypeStruct((NP2 * D,), jnp.float32),
        mesh=_sc_mesh(),
        compiler_params=_SC_PARAMS,
        scratch_types=[
            pltpu.VMEM((CH,), jnp.int32),
            pltpu.VMEM((CH,), jnp.int32),
            pltpu.VMEM((CH, D), jnp.float32),
            pltpu.VMEM((ROWS * D,), jnp.float32),
            pltpu.VMEM((16,), jnp.int32),
            pltpu.SemaphoreType.DMA,
        ],
    )
    def k(g_hbm, sc_hbm, dl_hbm, cnt_hbm, out_hbm, sidx, dl, rows, acc, cnts,
          sem):
        c = lax.axis_index("c")
        s = lax.axis_index("s")
        w = s * NC + c
        z = jnp.zeros((16,), jnp.float32)

        def fz(i, _):
            acc[pl.ds(i * 16, 16)] = z
            return 0

        lax.fori_loop(0, ROWS * D // 16, fz, 0)
        pltpu.sync_copy(cnt_hbm.at[pl.ds(w * 16, 16)], cnts)
        count = jnp.sum(cnts[...]) // 16
        iota = lax.broadcasted_iota(jnp.int32, (16,), 0)

        def chunk_full(i, _):
            pltpu.sync_copy(sc_hbm.at[pl.ds(w * ECAP + i * CH, CH)], sidx)
            pltpu.sync_copy(dl_hbm.at[pl.ds(w * ECAP + i * CH, CH)], dl)
            pltpu.async_copy(g_hbm.at[sidx], rows, sem).wait()

            def edge(j, _):
                rb = plsc.load_gather(dl, [jnp.full((16,), j, jnp.int32)])
                base = rb * D + iota
                for kk in range(D // 16):
                    v = rows[j, pl.ds(kk * 16, 16)]
                    plsc.addupdate_scatter(acc, [base + kk * 16], v)
                return 0

            lax.fori_loop(0, CH, edge, 0)
            return 0

        nfull = count // CH
        lax.fori_loop(0, nfull, chunk_full, 0)
        rem = count - nfull * CH

        @pl.when(rem > 0)
        def _():
            pltpu.sync_copy(sc_hbm.at[pl.ds(w * ECAP + nfull * CH, CH)], sidx)
            pltpu.sync_copy(dl_hbm.at[pl.ds(w * ECAP + nfull * CH, CH)], dl)
            pltpu.async_copy(g_hbm.at[sidx], rows, sem).wait()

            def edge(j, _):
                @pl.when(j < rem)
                def _():
                    rb = plsc.load_gather(dl, [jnp.full((16,), j, jnp.int32)])
                    base = rb * D + iota
                    for kk in range(D // 16):
                        v = rows[j, pl.ds(kk * 16, 16)]
                        plsc.addupdate_scatter(acc, [base + kk * 16], v)
                return 0

            lax.fori_loop(0, CH, edge, 0)
        pltpu.sync_copy(acc, out_hbm.at[pl.ds(w * ROWS * D, ROWS * D)])

    return k(g, sc_c, dl_c, counts)


BLK = 400


def _dinv(d_ref):
    return lax.rsqrt(d_ref[:, :1] + 1.0)


def _tc_a(x, W1, dg):
    def body(x_ref, w_ref, d_ref, g_ref):
        g_ref[...] = jnp.dot(x_ref[...], w_ref[...],
                             preferred_element_type=jnp.float32) * _dinv(d_ref)

    return pl.pallas_call(
        body,
        grid=(N // BLK,),
        in_specs=[
            pl.BlockSpec((BLK, D), lambda i: (i, 0)),
            pl.BlockSpec((D, H), lambda i: (0, 0)),
            pl.BlockSpec((BLK, 8), lambda i: (i, 0)),
        ],
        out_specs=pl.BlockSpec((BLK, H), lambda i: (i, 0)),
        out_shape=jax.ShapeDtypeStruct((N, H), jnp.float32),
    )(x, W1, dg)


def _tc_b(a1, g1, dg, W2, b1):
    def body(a_ref, g1_ref, d_ref, w_ref, b_ref, g2_ref):
        dinv = _dinv(d_ref)
        zv = (a_ref[...] + g1_ref[...]) * dinv + b_ref[...]
        zv = jnp.maximum(zv, 0.0)
        g2_ref[...] = jnp.dot(zv, w_ref[...],
                              preferred_element_type=jnp.float32) * dinv

    return pl.pallas_call(
        body,
        grid=(N // BLK,),
        in_specs=[
            pl.BlockSpec((BLK, H), lambda i: (i, 0)),
            pl.BlockSpec((BLK, H), lambda i: (i, 0)),
            pl.BlockSpec((BLK, 8), lambda i: (i, 0)),
            pl.BlockSpec((H, H), lambda i: (0, 0)),
            pl.BlockSpec((1, H), lambda i: (0, 0)),
        ],
        out_specs=pl.BlockSpec((BLK, H), lambda i: (i, 0)),
        out_shape=jax.ShapeDtypeStruct((N, H), jnp.float32),
    )(a1, g1, dg, W2, b1)


def _tc_c(a2, g2, dg, b2):
    def body(a_ref, g2_ref, d_ref, b_ref, o_ref):
        o_ref[...] = (a_ref[...] + g2_ref[...]) * _dinv(d_ref) + b_ref[...]

    return pl.pallas_call(
        body,
        grid=(N // BLK,),
        in_specs=[
            pl.BlockSpec((BLK, H), lambda i: (i, 0)),
            pl.BlockSpec((BLK, H), lambda i: (i, 0)),
            pl.BlockSpec((BLK, 8), lambda i: (i, 0)),
            pl.BlockSpec((1, H), lambda i: (0, 0)),
        ],
        out_specs=pl.BlockSpec((BLK, H), lambda i: (i, 0)),
        out_shape=jax.ShapeDtypeStruct((N, H), jnp.float32),
    )(a2, g2, dg, b2)


def _pad_rows(g):
    return jnp.pad(g, ((0, NP2 - N), (0, 0)))


@jax.jit
def _run(x, edge_index, W1, b1, W2, b2):
    src = edge_index[0].astype(jnp.int32)
    dst = edge_index[1].astype(jnp.int32)
    pad = EP - E
    src = jnp.concatenate([src, jnp.full((pad,), N, jnp.int32)])
    dst = jnp.concatenate([dst, jnp.full((pad,), N, jnp.int32)])

    sc_c, dl_c, counts = _k0_compact(src, dst)
    deg = _k1_degree(dl_c, counts)
    dg = jnp.broadcast_to(deg[:N, None], (N, 8))

    b1r = b1.reshape(1, H)
    b2r = b2.reshape(1, H)

    g1 = _tc_a(x, W1, dg)
    acc1 = _k2_scatter(_pad_rows(g1), sc_c, dl_c, counts).reshape(NP2, D)
    g2 = _tc_b(acc1[:N], g1, dg, W2, b1r)
    acc2 = _k2_scatter(_pad_rows(g2), sc_c, dl_c, counts).reshape(NP2, D)
    return _tc_c(acc2[:N], g2, dg, b2r)


def kernel(x, edge_index, W1, b1, W2, b2):
    return _run(x, edge_index, W1, b1, W2, b2)

# --- scband reference (transcript-rebuilt; emitter-appended) ---
"""Pipeline reference for scband-hierarchical-cluster-model-23759759081514 (READ-ONLY COPY).

The authoritative reference and input builder live on the scoring server;
editing this copy changes nothing except your own understanding.
"""

import jax, jax.numpy as jnp
import numpy as np

N = 10000
E = 320000
D = 128
H = 128


def setup_inputs(seed: int = 0) -> dict:
    key = jax.random.key(seed)
    k1, k2, k3, k4 = jax.random.split(key, 4)
    x = jax.random.normal(k1, (N, D), dtype=jnp.float32)
    edge_index = jax.random.randint(k2, (2, E), 0, N).astype(jnp.int64)
    # GCN layer parameters (num_layers=2): in->hidden, hidden->hidden
    W1 = jax.random.normal(k3, (D, H), dtype=jnp.float32) * (1.0 / np.sqrt(D))
    b1 = jnp.zeros((H,), dtype=jnp.float32)
    W2 = jax.random.normal(k4, (H, H), dtype=jnp.float32) * (1.0 / np.sqrt(H))
    b2 = jnp.zeros((H,), dtype=jnp.float32)
    return {"x": x, "edge_index": edge_index, "W1": W1, "b1": b1, "W2": W2, "b2": b2}


def _gcn_layer(h, W, b, src, dst, norm, n_nodes):
    h = h @ W
    msg = h[src] * norm[:, None]          # gather + scale
    out = jnp.zeros((n_nodes, h.shape[1]), h.dtype).at[dst].add(msg)  # scatter-add
    return out + b


def reference(x, edge_index, W1, b1, W2, b2):
    # HierarchicalClusterModel.forward with gnn_type='gcn':
    # node_embeddings, _ = self.gnn(x, edge_index, edge_attr); return node_embeddings
    # Canonical GCN (symmetric normalization with self-loops), dropout disabled (eval mode).
    n_nodes = x.shape[0]
    loop = jnp.arange(n_nodes, dtype=edge_index.dtype)
    src = jnp.concatenate([edge_index[0], loop])
    dst = jnp.concatenate([edge_index[1], loop])
    deg = jnp.zeros((n_nodes,), jnp.float32).at[dst].add(1.0)
    dinv = jnp.where(deg > 0, deg ** -0.5, 0.0)
    norm = dinv[src] * dinv[dst]
    h = _gcn_layer(x, W1, b1, src, dst, norm, n_nodes)
    h = jax.nn.relu(h)
    h = _gcn_layer(h, W2, b2, src, dst, norm, n_nodes)
    return h

if __name__ == "__main__":
    import jax
    _d = setup_inputs()
    print(jax.jit(kernel)(*tuple(_d.values())))

</pallas_src>

<mosaic_0001>
#map = affine_map<(d0, d1) -> (0, 0)>
#map1 = affine_map<(d0, d1) -> (0)>
module attributes {stable_mosaic.version = 14 : i64} {
  func.func @k(%arg0: i32, %arg1: i32, %arg2: memref<10240x128xf32, #tpu.memory_space<hbm>>, %arg3: memref<10486272xi32, #tpu.memory_space<hbm>>, %arg4: memref<10486272xi32, #tpu.memory_space<hbm>>, %arg5: memref<512xi32, #tpu.memory_space<hbm>>, %arg6: memref<1310720xf32, #tpu.memory_space<hbm>>, %arg7: memref<128xi32, #tpu.memory_space<vmem>>, %arg8: memref<128xi32, #tpu.memory_space<vmem>>, %arg9: memref<128x128xf32, #tpu.memory_space<vmem>>, %arg10: memref<40960xf32, #tpu.memory_space<vmem>>, %arg11: memref<16xi32, #tpu.memory_space<vmem>>, %arg12: memref<!tpu.dma_semaphore, #tpu.memory_space<semaphore_mem>>) attributes {dimension_semantics = [#tpu.dimension_semantics<core_parallel>, #tpu.dimension_semantics<subcore_parallel>], iteration_bounds = array<i64: 2, 16>, scalar_prefetch = 0 : i64, scratch_operands = 6 : i64, tpu.core_type = #tpu.core_type<sc_vector_subcore>, window_params = [{transform_indices = #map}, {transform_indices = #map1}, {transform_indices = #map1}, {transform_indices = #map1}, {transform_indices = #map1}]} {
    %mul3A = arith.constant 2 : i32
    %mul3A_0 = arith.muli %arg1, %mul3A : i32
    %add3A = arith.addi %mul3A_0, %arg0 : i32
    %broadcast_in_dim3A = arith.constant 0.000000e+00 : f32
    %broadcast_in_dim3A_1 = vector.broadcast %broadcast_in_dim3A : f32 to vector<16xf32>
    %scan3A = arith.constant 0 : i32
    %scan3A_2 = arith.constant 0 : i32
    %scan3A_3 = arith.constant 2560 : i32
    %scan3A_4 = arith.addi %scan3A_2, %scan3A_3 : i32
    %scan3A_5 = arith.constant 1 : i32
    %scan3A_6 = scf.for %scan3A_74 = %scan3A_2 to %scan3A_4 step %scan3A_5 iter_args(%scan3A_75 = %scan3A) -> (i32)  : i32 {
      %mul3A_76 = arith.constant 16 : i32
      %mul3A_77 = arith.muli %scan3A_74, %mul3A_76 : i32
      %swap3A = arith.index_cast %mul3A_77 : i32 to index
      %swap3A_78 = tpu.vector_load %arg10[%swap3A] {strides = array<i32>} : memref<40960xf32, #tpu.memory_space<vmem>>, vector<16xf32>,
      tpu.vector_store %arg10[%swap3A], %broadcast_in_dim3A_1 {strides = array<i32>} : memref<40960xf32, #tpu.memory_space<vmem>>, vector<16xf32>,
      %scan3A_79 = arith.constant 0 : i32
      scf.yield %scan3A_79 : i32
    }
    %scan3A_7 = arith.constant 2560 : i32
    %mul3A_8 = arith.constant 16 : i32
    %mul3A_9 = arith.muli %add3A, %mul3A_8 : i32
    "tpu.region"() ({
      %run_scoped3A = tpu.sem_alloc : memref<!tpu.dma_semaphore, #tpu.memory_space<semaphore_mem>>
      %dma_start3A = tpu.memref_slice %arg5[%mul3A_9] : memref<512xi32, #tpu.memory_space<hbm>> -> memref<16xi32, #tpu.memory_space<hbm>>
      %dma_start3A_74 = tpu.memref_slice %arg5[%mul3A_9] : memref<512xi32, #tpu.memory_space<hbm>> -> memref<16xi32, #tpu.memory_space<hbm>>
      tpu.enqueue_dma source(%dma_start3A_74 : memref<16xi32, #tpu.memory_space<hbm>>) target(%arg11 : memref<16xi32, #tpu.memory_space<vmem>>) target_semaphore(%run_scoped3A : memref<!tpu.dma_semaphore, #tpu.memory_space<semaphore_mem>>)
      %dma_wait3A = tpu.memref_slice %arg5[%mul3A_9] : memref<512xi32, #tpu.memory_space<hbm>> -> memref<16xi32, #tpu.memory_space<hbm>>
      %dma_wait3A_75 = tpu.memref_slice %arg5[%mul3A_9] : memref<512xi32, #tpu.memory_space<hbm>> -> memref<16xi32, #tpu.memory_space<hbm>>
      tpu.wait_dma2 semaphore(%run_scoped3A : memref<!tpu.dma_semaphore, #tpu.memory_space<semaphore_mem>>) src(%dma_wait3A_75 : memref<16xi32, #tpu.memory_space<hbm>>) dst(%arg11 : memref<16xi32, #tpu.memory_space<vmem>>)
      tpu.yield
    }) : () -> ()
    %get3A = arith.constant 0 : index
    %get3A_10 = tpu.vector_load %arg11[%get3A] {strides = array<i32>} : memref<16xi32, #tpu.memory_space<vmem>>, vector<16xi32>,
    %reduce_sum3A = arith.constant true
    %reduce_sum3A_11 = vector.broadcast %reduce_sum3A : i1 to vector<16xi1>
    %reduce_sum3A_12 = tpu.scan <sum>, %get3A_10 masked %reduce_sum3A_11 : vector<16xi32>, vector<16xi1> -> vector<16xi32>
    %reduce_sum3A_13 = vector.extract %reduce_sum3A_12[15] : i32 from vector<16xi32>
    %jit3A = arith.constant 16 : i32
    %div3A = arith.divsi %reduce_sum3A_13, %jit3A : i32
    %sign3A = arith.constant 0 : i32
    %sign3A_14 = arith.cmpi sgt, %reduce_sum3A_13, %sign3A : i32
    %sign3A_15 = arith.extui %sign3A_14 : i1 to i32
    %sign3A_16 = arith.constant 0 : i32
    %sign3A_17 = arith.cmpi slt, %reduce_sum3A_13, %sign3A_16 : i32
    %sign3A_18 = arith.extui %sign3A_17 : i1 to i32
    %sign3A_19 = arith.subi %sign3A_15, %sign3A_18 : i32
    %sign3A_20 = arith.constant 0 : i32
    %sign3A_21 = arith.cmpi sgt, %jit3A, %sign3A_20 : i32
    %sign3A_22 = arith.extui %sign3A_21 : i1 to i32
    %sign3A_23 = arith.constant 0 : i32
    %sign3A_24 = arith.cmpi slt, %jit3A, %sign3A_23 : i32
    %sign3A_25 = arith.extui %sign3A_24 : i1 to i32
    %sign3A_26 = arith.subi %sign3A_22, %sign3A_25 : i32
    %ne3A = arith.cmpi ne, %sign3A_19, %sign3A_26 : i32
    %rem3A = arith.remsi %reduce_sum3A_13, %jit3A : i32
    %ne3A_27 = arith.constant 0 : i32
    %ne3A_28 = arith.cmpi ne, %rem3A, %ne3A_27 : i32
    %and3A = arith.andi %ne3A, %ne3A_28 : i1
    %sub3A = arith.constant 1 : i32
    %sub3A_29 = arith.subi %div3A, %sub3A : i32
    %select_n3A = arith.select %and3A, %sub3A_29, %div3A : i32
    %iota3A = tpu.iota {dimensions = array<i32: 0>} : vector<16xi32>
    %jit3A_30 = arith.constant 128 : i32
    %div3A_31 = arith.divsi %select_n3A, %jit3A_30 : i32
    %sign3A_32 = arith.constant 0 : i32
    %sign3A_33 = arith.cmpi sgt, %select_n3A, %sign3A_32 : i32
    %sign3A_34 = arith.extui %sign3A_33 : i1 to i32
    %sign3A_35 = arith.constant 0 : i32
    %sign3A_36 = arith.cmpi slt, %select_n3A, %sign3A_35 : i32
    %sign3A_37 = arith.extui %sign3A_36 : i1 to i32
    %sign3A_38 = arith.subi %sign3A_34, %sign3A_37 : i32
    %sign3A_39 = arith.constant 0 : i32
    %sign3A_40 = arith.cmpi sgt, %jit3A_30, %sign3A_39 : i32
    %sign3A_41 = arith.extui %sign3A_40 : i1 to i32
    %sign3A_42 = arith.constant 0 : i32
    %sign3A_43 = arith.cmpi slt, %jit3A_30, %sign3A_42 : i32
    %sign3A_44 = arith.extui %sign3A_43 : i1 to i32
    %sign3A_45 = arith.subi %sign3A_41, %sign3A_44 : i32
    %ne3A_46 = arith.cmpi ne, %sign3A_38, %sign3A_45 : i32
    %rem3A_47 = arith.remsi %select_n3A, %jit3A_30 : i32
    %ne3A_48 = arith.constant 0 : i32
    %ne3A_49 = arith.cmpi ne, %rem3A_47, %ne3A_48 : i32
    %and3A_50 = arith.andi %ne3A_46, %ne3A_49 : i1
    %sub3A_51 = arith.constant 1 : i32
    %sub3A_52 = arith.subi %div3A_31, %sub3A_51 : i32
    %select_n3A_53 = arith.select %and3A_50, %sub3A_52, %div3A_31 : i32
    %while3A = arith.constant 0 : i32
    %while3A_54 = arith.constant 0 : i32
    %while3A_55 = arith.subi %select_n3A_53, %while3A : i32
    %while3A_56 = arith.addi %while3A, %while3A_55 : i32
    %while3A_57 = arith.constant 1 : i32
    %while3A_58 = arith.divsi %while3A_55, %while3A_57 : i32
    %while3A_59 = arith.muli %while3A_58, %while3A_57 : i32
    %while3A_60 = arith.addi %while3A, %while3A_59 : i32
    %while3A_61 = arith.constant 1 : i32
    %while3A_62 = scf.for %while3A_74 = %while3A to %while3A_60 step %while3A_61 iter_args(%while3A_75 = %while3A_54) -> (i32)  : i32 {
      %mul3A_76 = arith.constant 327696 : i32
      %mul3A_77 = arith.muli %add3A, %mul3A_76 : i32
      %mul3A_78 = arith.constant 128 : i32
      %mul3A_79 = arith.muli %while3A_74, %mul3A_78 : i32
      %add3A_80 = arith.addi %mul3A_77, %mul3A_79 : i32
      "tpu.region"() ({
        %run_scoped3A = tpu.sem_alloc : memref<!tpu.dma_semaphore, #tpu.memory_space<semaphore_mem>>
        %dma_start3A_98 = tpu.memref_slice %arg3[%add3A_80] : memref<10486272xi32, #tpu.memory_space<hbm>> -> memref<128xi32, #tpu.memory_space<hbm>>
        %dma_start3A_99 = tpu.memref_slice %arg3[%add3A_80] : memref<10486272xi32, #tpu.memory_space<hbm>> -> memref<128xi32, #tpu.memory_space<hbm>>
        tpu.enqueue_dma source(%dma_start3A_99 : memref<128xi32, #tpu.memory_space<hbm>>) target(%arg7 : memref<128xi32, #tpu.memory_space<vmem>>) target_semaphore(%run_scoped3A : memref<!tpu.dma_semaphore, #tpu.memory_space<semaphore_mem>>)
        %dma_wait3A_100 = tpu.memref_slice %arg3[%add3A_80] : memref<10486272xi32, #tpu.memory_space<hbm>> -> memref<128xi32, #tpu.memory_space<hbm>>
        %dma_wait3A_101 = tpu.memref_slice %arg3[%add3A_80] : memref<10486272xi32, #tpu.memory_space<hbm>> -> memref<128xi32, #tpu.memory_space<hbm>>
        tpu.wait_dma2 semaphore(%run_scoped3A : memref<!tpu.dma_semaphore, #tpu.memory_space<semaphore_mem>>) src(%dma_wait3A_101 : memref<128xi32, #tpu.memory_space<hbm>>) dst(%arg7 : memref<128xi32, #tpu.memory_space<vmem>>)
        tpu.yield
      }) : () -> ()
      %mul3A_81 = arith.constant 327696 : i32
      %mul3A_82 = arith.muli %add3A, %mul3A_81 : i32
      %mul3A_83 = arith.constant 128 : i32
      %mul3A_84 = arith.muli %while3A_74, %mul3A_83 : i32
      %add3A_85 = arith.addi %mul3A_82, %mul3A_84 : i32
      "tpu.region"() ({
        %run_scoped3A = tpu.sem_alloc : memref<!tpu.dma_semaphore, #tpu.memory_space<semaphore_mem>>
        %dma_start3A_98 = tpu.memref_slice %arg4[%add3A_85] : memref<10486272xi32, #tpu.memory_space<hbm>> -> memref<128xi32, #tpu.memory_space<hbm>>
        %dma_start3A_99 = tpu.memref_slice %arg4[%add3A_85] : memref<10486272xi32, #tpu.memory_space<hbm>> -> memref<128xi32, #tpu.memory_space<hbm>>
        tpu.enqueue_dma source(%dma_start3A_99 : memref<128xi32, #tpu.memory_space<hbm>>) target(%arg8 : memref<128xi32, #tpu.memory_space<vmem>>) target_semaphore(%run_scoped3A : memref<!tpu.dma_semaphore, #tpu.memory_space<semaphore_mem>>)
        %dma_wait3A_100 = tpu.memref_slice %arg4[%add3A_85] : memref<10486272xi32, #tpu.memory_space<hbm>> -> memref<128xi32, #tpu.memory_space<hbm>>
        %dma_wait3A_101 = tpu.memref_slice %arg4[%add3A_85] : memref<10486272xi32, #tpu.memory_space<hbm>> -> memref<128xi32, #tpu.memory_space<hbm>>
        tpu.wait_dma2 semaphore(%run_scoped3A : memref<!tpu.dma_semaphore, #tpu.memory_space<semaphore_mem>>) src(%dma_wait3A_101 : memref<128xi32, #tpu.memory_space<hbm>>) dst(%arg8 : memref<128xi32, #tpu.memory_space<vmem>>)
        tpu.yield
      }) : () -> ()
      %dma_start3A = arith.constant 0 : i32
      %dma_start3A_86 = arith.constant 0 : i32
      %dma_start3A_87 = tpu.memref_slice %arg2[%dma_start3A, %dma_start3A_86] : memref<10240x128xf32, #tpu.memory_space<hbm>> -> memref<10240x128xf32, #tpu.memory_space<hbm>>
      tpu.enqueue_indirect_dma source(%dma_start3A_87 : memref<10240x128xf32, #tpu.memory_space<hbm>>) target(%arg9 : memref<128x128xf32, #tpu.memory_space<vmem>>) offsets(%arg7 : memref<128xi32, #tpu.memory_space<vmem>>) semaphore(%arg12 : memref<!tpu.dma_semaphore, #tpu.memory_space<semaphore_mem>>)
      %dma_wait3A = arith.constant 0 : i32
      %dma_wait3A_88 = arith.constant 0 : i32
      %dma_wait3A_89 = tpu.memref_slice %arg2[%dma_wait3A, %dma_wait3A_88] : memref<10240x128xf32, #tpu.memory_space<hbm>> -> memref<10240x128xf32, #tpu.memory_space<hbm>>
      tpu.wait_indirect_dma semaphore(%arg12 : memref<!tpu.dma_semaphore, #tpu.memory_space<semaphore_mem>>) src(%dma_wait3A_89 : memref<10240x128xf32, #tpu.memory_space<hbm>>) dst(%arg9 : memref<128x128xf32, #tpu.memory_space<vmem>>)
      %scan3A_90 = arith.constant 0 : i32
      %scan3A_91 = arith.constant 0 : i32
      %scan3A_92 = arith.constant 128 : i32
      %scan3A_93 = arith.addi %scan3A_91, %scan3A_92 : i32
      %scan3A_94 = arith.constant 1 : i32
      %scan3A_95 = scf.for %scan3A_98 = %scan3A_91 to %scan3A_93 step %scan3A_94 iter_args(%scan3A_99 = %scan3A_90) -> (i32)  : i32 {
        %broadcast_in_dim3A_100 = vector.broadcast %scan3A_98 : i32 to vector<16xi32>
        %gather3A = tpu.vector_load_idx %arg8[%broadcast_in_dim3A_100] : memref<128xi32, #tpu.memory_space<vmem>>[vector<16xi32>], vector<16xi32>,
        %mul3A_101 = arith.constant 128 : i32
        %mul3A_102 = vector.broadcast %mul3A_101 : i32 to vector<16xi32>
        %mul3A_103 = arith.muli %gather3A, %mul3A_102 : vector<16xi32>
        %add3A_104 = arith.addi %mul3A_103, %iota3A : vector<16xi32>
        %get3A_105 = arith.index_cast %scan3A_98 : i32 to index
        %get3A_106 = arith.constant 0 : index
        %get3A_107 = tpu.vector_load %arg9[%get3A_105, %get3A_106] {strides = array<i32>} : memref<128x128xf32, #tpu.memory_space<vmem>>, vector<16xf32>,
        %add3A_108 = arith.constant 0 : i32
        %add3A_109 = vector.broadcast %add3A_108 : i32 to vector<16xi32>
        %add3A_110 = arith.addi %add3A_104, %add3A_109 : vector<16xi32>
        tpu.vector_store_idx %arg10[%add3A_110], %get3A_107 {add = true} : memref<40960xf32, #tpu.memory_space<vmem>>[vector<16xi32>], vector<16xf32>,
        %get3A_111 = arith.index_cast %scan3A_98 : i32 to index
        %get3A_112 = arith.constant 16 : index
        %get3A_113 = tpu.vector_load %arg9[%get3A_111, %get3A_112] {strides = array<i32>} : memref<128x128xf32, #tpu.memory_space<vmem>>, vector<16xf32>,
        %add3A_114 = arith.constant 16 : i32
        %add3A_115 = vector.broadcast %add3A_114 : i32 to vector<16xi32>
        %add3A_116 = arith.addi %add3A_104, %add3A_115 : vector<16xi32>
        tpu.vector_store_idx %arg10[%add3A_116], %get3A_113 {add = true} : memref<40960xf32, #tpu.memory_space<vmem>>[vector<16xi32>], vector<16xf32>,
        %get3A_117 = arith.index_cast %scan3A_98 : i32 to index
        %get3A_118 = arith.constant 32 : index
        %get3A_119 = tpu.vector_load %arg9[%get3A_117, %get3A_118] {strides = array<i32>} : memref<128x128xf32, #tpu.memory_space<vmem>>, vector<16xf32>,
        %add3A_120 = arith.constant 32 : i32
        %add3A_121 = vector.broadcast %add3A_120 : i32 to vector<16xi32>
        %add3A_122 = arith.addi %add3A_104, %add3A_121 : vector<16xi32>
        tpu.vector_store_idx %arg10[%add3A_122], %get3A_119 {add = true} : memref<40960xf32, #tpu.memory_space<vmem>>[vector<16xi32>], vector<16xf32>,
        %get3A_123 = arith.index_cast %scan3A_98 : i32 to index
        %get3A_124 = arith.constant 48 : index
        %get3A_125 = tpu.vector_load %arg9[%get3A_123, %get3A_124] {strides = array<i32>} : memref<128x128xf32, #tpu.memory_space<vmem>>, vector<16xf32>,
        %add3A_126 = arith.constant 48 : i32
        %add3A_127 = vector.broadcast %add3A_126 : i32 to vector<16xi32>
        %add3A_128 = arith.addi %add3A_104, %add3A_127 : vector<16xi32>
        tpu.vector_store_idx %arg10[%add3A_128], %get3A_125 {add = true} : memref<40960xf32, #tpu.memory_space<vmem>>[vector<16xi32>], vector<16xf32>,
        %get3A_129 = arith.index_cast %scan3A_98 : i32 to index
        %get3A_130 = arith.constant 64 : index
        %get3A_131 = tpu.vector_load %arg9[%get3A_129, %get3A_130] {strides = array<i32>} : memref<128x128xf32, #tpu.memory_space<vmem>>, vector<16xf32>,
        %add3A_132 = arith.constant 64 : i32
        %add3A_133 = vector.broadcast %add3A_132 : i32 to vector<16xi32>
        %add3A_134 = arith.addi %add3A_104, %add3A_133 : vector<16xi32>
        tpu.vector_store_idx %arg10[%add3A_134], %get3A_131 {add = true} : memref<40960xf32, #tpu.memory_space<vmem>>[vector<16xi32>], vector<16xf32>,
        %get3A_135 = arith.index_cast %scan3A_98 : i32 to index
        %get3A_136 = arith.constant 80 : index
        %get3A_137 = tpu.vector_load %arg9[%get3A_135, %get3A_136] {strides = array<i32>} : memref<128x128xf32, #tpu.memory_space<vmem>>, vector<16xf32>,
        %add3A_138 = arith.constant 80 : i32
        %add3A_139 = vector.broadcast %add3A_138 : i32 to vector<16xi32>
        %add3A_140 = arith.addi %add3A_104, %add3A_139 : vector<16xi32>
        tpu.vector_store_idx %arg10[%add3A_140], %get3A_137 {add = true} : memref<40960xf32, #tpu.memory_space<vmem>>[vector<16xi32>], vector<16xf32>,
        %get3A_141 = arith.index_cast %scan3A_98 : i32 to index
        %get3A_142 = arith.constant 96 : index
        %get3A_143 = tpu.vector_load %arg9[%get3A_141, %get3A_142] {strides = array<i32>} : memref<128x128xf32, #tpu.memory_space<vmem>>, vector<16xf32>,
        %add3A_144 = arith.constant 96 : i32
        %add3A_145 = vector.broadcast %add3A_144 : i32 to vector<16xi32>
        %add3A_146 = arith.addi %add3A_104, %add3A_145 : vector<16xi32>
        tpu.vector_store_idx %arg10[%add3A_146], %get3A_143 {add = true} : memref<40960xf32, #tpu.memory_space<vmem>>[vector<16xi32>], vector<16xf32>,
        %get3A_147 = arith.index_cast %scan3A_98 : i32 to index
        %get3A_148 = arith.constant 112 : index
        %get3A_149 = tpu.vector_load %arg9[%get3A_147, %get3A_148] {strides = array<i32>} : memref<128x128xf32, #tpu.memory_space<vmem>>, vector<16xf32>,
        %add3A_150 = arith.constant 112 : i32
        %add3A_151 = vector.broadcast %add3A_150 : i32 to vector<16xi32>
        %add3A_152 = arith.addi %add3A_104, %add3A_151 : vector<16xi32>
        tpu.vector_store_idx %arg10[%add3A_152], %get3A_149 {add = true} : memref<40960xf32, #tpu.memory_space<vmem>>[vector<16xi32>], vector<16xf32>,
        %scan3A_153 = arith.constant 0 : i32
        scf.yield %scan3A_153 : i32
      }
      %scan3A_96 = arith.constant 128 : i32
      %while3A_97 = arith.constant 0 : i32
      scf.yield %while3A_97 : i32
    }
    %while3A_63 = arith.constant 1 : i32
    %while3A_64 = scf.for %while3A_74 = %while3A_60 to %while3A_56 step %while3A_63 iter_args(%while3A_75 = %while3A_62) -> (i32)  : i32 {
      %mul3A_76 = arith.constant 327696 : i32
      %mul3A_77 = arith.muli %add3A, %mul3A_76 : i32
      %mul3A_78 = arith.constant 128 : i32
      %mul3A_79 = arith.muli %while3A_74, %mul3A_78 : i32
      %add3A_80 = arith.addi %mul3A_77, %mul3A_79 : i32
      "tpu.region"() ({
        %run_scoped3A = tpu.sem_alloc : memref<!tpu.dma_semaphore, #tpu.memory_space<semaphore_mem>>
        %dma_start3A_98 = tpu.memref_slice %arg3[%add3A_80] : memref<10486272xi32, #tpu.memory_space<hbm>> -> memref<128xi32, #tpu.memory_space<hbm>>
        %dma_start3A_99 = tpu.memref_slice %arg3[%add3A_80] : memref<10486272xi32, #tpu.memory_space<hbm>> -> memref<128xi32, #tpu.memory_space<hbm>>
        tpu.enqueue_dma source(%dma_start3A_99 : memref<128xi32, #tpu.memory_space<hbm>>) target(%arg7 : memref<128xi32, #tpu.memory_space<vmem>>) target_semaphore(%run_scoped3A : memref<!tpu.dma_semaphore, #tpu.memory_space<semaphore_mem>>)
        %dma_wait3A_100 = tpu.memref_slice %arg3[%add3A_80] : memref<10486272xi32, #tpu.memory_space<hbm>> -> memref<128xi32, #tpu.memory_space<hbm>>
        %dma_wait3A_101 = tpu.memref_slice %arg3[%add3A_80] : memref<10486272xi32, #tpu.memory_space<hbm>> -> memref<128xi32, #tpu.memory_space<hbm>>
        tpu.wait_dma2 semaphore(%run_scoped3A : memref<!tpu.dma_semaphore, #tpu.memory_space<semaphore_mem>>) src(%dma_wait3A_101 : memref<128xi32, #tpu.memory_space<hbm>>) dst(%arg7 : memref<128xi32, #tpu.memory_space<vmem>>)
        tpu.yield
      }) : () -> ()
      %mul3A_81 = arith.constant 327696 : i32
      %mul3A_82 = arith.muli %add3A, %mul3A_81 : i32
      %mul3A_83 = arith.constant 128 : i32
      %mul3A_84 = arith.muli %while3A_74, %mul3A_83 : i32
      %add3A_85 = arith.addi %mul3A_82, %mul3A_84 : i32
      "tpu.region"() ({
        %run_scoped3A = tpu.sem_alloc : memref<!tpu.dma_semaphore, #tpu.memory_space<semaphore_mem>>
        %dma_start3A_98 = tpu.memref_slice %arg4[%add3A_85] : memref<10486272xi32, #tpu.memory_space<hbm>> -> memref<128xi32, #tpu.memory_space<hbm>>
        %dma_start3A_99 = tpu.memref_slice %arg4[%add3A_85] : memref<10486272xi32, #tpu.memory_space<hbm>> -> memref<128xi32, #tpu.memory_space<hbm>>
        tpu.enqueue_dma source(%dma_start3A_99 : memref<128xi32, #tpu.memory_space<hbm>>) target(%arg8 : memref<128xi32, #tpu.memory_space<vmem>>) target_semaphore(%run_scoped3A : memref<!tpu.dma_semaphore, #tpu.memory_space<semaphore_mem>>)
        %dma_wait3A_100 = tpu.memref_slice %arg4[%add3A_85] : memref<10486272xi32, #tpu.memory_space<hbm>> -> memref<128xi32, #tpu.memory_space<hbm>>
        %dma_wait3A_101 = tpu.memref_slice %arg4[%add3A_85] : memref<10486272xi32, #tpu.memory_space<hbm>> -> memref<128xi32, #tpu.memory_space<hbm>>
        tpu.wait_dma2 semaphore(%run_scoped3A : memref<!tpu.dma_semaphore, #tpu.memory_space<semaphore_mem>>) src(%dma_wait3A_101 : memref<128xi32, #tpu.memory_space<hbm>>) dst(%arg8 : memref<128xi32, #tpu.memory_space<vmem>>)
        tpu.yield
      }) : () -> ()
      %dma_start3A = arith.constant 0 : i32
      %dma_start3A_86 = arith.constant 0 : i32
      %dma_start3A_87 = tpu.memref_slice %arg2[%dma_start3A, %dma_start3A_86] : memref<10240x128xf32, #tpu.memory_space<hbm>> -> memref<10240x128xf32, #tpu.memory_space<hbm>>
      tpu.enqueue_indirect_dma source(%dma_start3A_87 : memref<10240x128xf32, #tpu.memory_space<hbm>>) target(%arg9 : memref<128x128xf32, #tpu.memory_space<vmem>>) offsets(%arg7 : memref<128xi32, #tpu.memory_space<vmem>>) semaphore(%arg12 : memref<!tpu.dma_semaphore, #tpu.memory_space<semaphore_mem>>)
      %dma_wait3A = arith.constant 0 : i32
      %dma_wait3A_88 = arith.constant 0 : i32
      %dma_wait3A_89 = tpu.memref_slice %arg2[%dma_wait3A, %dma_wait3A_88] : memref<10240x128xf32, #tpu.memory_space<hbm>> -> memref<10240x128xf32, #tpu.memory_space<hbm>>
      tpu.wait_indirect_dma semaphore(%arg12 : memref<!tpu.dma_semaphore, #tpu.memory_space<semaphore_mem>>) src(%dma_wait3A_89 : memref<10240x128xf32, #tpu.memory_space<hbm>>) dst(%arg9 : memref<128x128xf32, #tpu.memory_space<vmem>>)
      %scan3A_90 = arith.constant 0 : i32
      %scan3A_91 = arith.constant 0 : i32
      %scan3A_92 = arith.constant 128 : i32
      %scan3A_93 = arith.addi %scan3A_91, %scan3A_92 : i32
      %scan3A_94 = arith.constant 1 : i32
      %scan3A_95 = scf.for %scan3A_98 = %scan3A_91 to %scan3A_93 step %scan3A_94 iter_args(%scan3A_99 = %scan3A_90) -> (i32)  : i32 {
        %broadcast_in_dim3A_100 = vector.broadcast %scan3A_98 : i32 to vector<16xi32>
        %gather3A = tpu.vector_load_idx %arg8[%broadcast_in_dim3A_100] : memref<128xi32, #tpu.memory_space<vmem>>[vector<16xi32>], vector<16xi32>,
        %mul3A_101 = arith.constant 128 : i32
        %mul3A_102 = vector.broadcast %mul3A_101 : i32 to vector<16xi32>
        %mul3A_103 = arith.muli %gather3A, %mul3A_102 : vector<16xi32>
        %add3A_104 = arith.addi %mul3A_103, %iota3A : vector<16xi32>
        %get3A_105 = arith.index_cast %scan3A_98 : i32 to index
        %get3A_106 = arith.constant 0 : index
        %get3A_107 = tpu.vector_load %arg9[%get3A_105, %get3A_106] {strides = array<i32>} : memref<128x128xf32, #tpu.memory_space<vmem>>, vector<16xf32>,
        %add3A_108 = arith.constant 0 : i32
        %add3A_109 = vector.broadcast %add3A_108 : i32 to vector<16xi32>
        %add3A_110 = arith.addi %add3A_104, %add3A_109 : vector<16xi32>
        tpu.vector_store_idx %arg10[%add3A_110], %get3A_107 {add = true} : memref<40960xf32, #tpu.memory_space<vmem>>[vector<16xi32>], vector<16xf32>,
        %get3A_111 = arith.index_cast %scan3A_98 : i32 to index
        %get3A_112 = arith.constant 16 : index
        %get3A_113 = tpu.vector_load %arg9[%get3A_111, %get3A_112] {strides = array<i32>} : memref<128x128xf32, #tpu.memory_space<vmem>>, vector<16xf32>,
        %add3A_114 = arith.constant 16 : i32
        %add3A_115 = vector.broadcast %add3A_114 : i32 to vector<16xi32>
        %add3A_116 = arith.addi %add3A_104, %add3A_115 : vector<16xi32>
        tpu.vector_store_idx %arg10[%add3A_116], %get3A_113 {add = true} : memref<40960xf32, #tpu.memory_space<vmem>>[vector<16xi32>], vector<16xf32>,
        %get3A_117 = arith.index_cast %scan3A_98 : i32 to index
        %get3A_118 = arith.constant 32 : index
        %get3A_119 = tpu.vector_load %arg9[%get3A_117, %get3A_118] {strides = array<i32>} : memref<128x128xf32, #tpu.memory_space<vmem>>, vector<16xf32>,
        %add3A_120 = arith.constant 32 : i32
        %add3A_121 = vector.broadcast %add3A_120 : i32 to vector<16xi32>
        %add3A_122 = arith.addi %add3A_104, %add3A_121 : vector<16xi32>
        tpu.vector_store_idx %arg10[%add3A_122], %get3A_119 {add = true} : memref<40960xf32, #tpu.memory_space<vmem>>[vector<16xi32>], vector<16xf32>,
        %get3A_123 = arith.index_cast %scan3A_98 : i32 to index
        %get3A_124 = arith.constant 48 : index
        %get3A_125 = tpu.vector_load %arg9[%get3A_123, %get3A_124] {strides = array<i32>} : memref<128x128xf32, #tpu.memory_space<vmem>>, vector<16xf32>,
        %add3A_126 = arith.constant 48 : i32
        %add3A_127 = vector.broadcast %add3A_126 : i32 to vector<16xi32>
        %add3A_128 = arith.addi %add3A_104, %add3A_127 : vector<16xi32>
        tpu.vector_store_idx %arg10[%add3A_128], %get3A_125 {add = true} : memref<40960xf32, #tpu.memory_space<vmem>>[vector<16xi32>], vector<16xf32>,
        %get3A_129 = arith.index_cast %scan3A_98 : i32 to index
        %get3A_130 = arith.constant 64 : index
        %get3A_131 = tpu.vector_load %arg9[%get3A_129, %get3A_130] {strides = array<i32>} : memref<128x128xf32, #tpu.memory_space<vmem>>, vector<16xf32>,
        %add3A_132 = arith.constant 64 : i32
        %add3A_133 = vector.broadcast %add3A_132 : i32 to vector<16xi32>
        %add3A_134 = arith.addi %add3A_104, %add3A_133 : vector<16xi32>
        tpu.vector_store_idx %arg10[%add3A_134], %get3A_131 {add = true} : memref<40960xf32, #tpu.memory_space<vmem>>[vector<16xi32>], vector<16xf32>,
        %get3A_135 = arith.index_cast %scan3A_98 : i32 to index
        %get3A_136 = arith.constant 80 : index
        %get3A_137 = tpu.vector_load %arg9[%get3A_135, %get3A_136] {strides = array<i32>} : memref<128x128xf32, #tpu.memory_space<vmem>>, vector<16xf32>,
        %add3A_138 = arith.constant 80 : i32
        %add3A_139 = vector.broadcast %add3A_138 : i32 to vector<16xi32>
        %add3A_140 = arith.addi %add3A_104, %add3A_139 : vector<16xi32>
        tpu.vector_store_idx %arg10[%add3A_140], %get3A_137 {add = true} : memref<40960xf32, #tpu.memory_space<vmem>>[vector<16xi32>], vector<16xf32>,
        %get3A_141 = arith.index_cast %scan3A_98 : i32 to index
        %get3A_142 = arith.constant 96 : index
        %get3A_143 = tpu.vector_load %arg9[%get3A_141, %get3A_142] {strides = array<i32>} : memref<128x128xf32, #tpu.memory_space<vmem>>, vector<16xf32>,
        %add3A_144 = arith.constant 96 : i32
        %add3A_145 = vector.broadcast %add3A_144 : i32 to vector<16xi32>
        %add3A_146 = arith.addi %add3A_104, %add3A_145 : vector<16xi32>
        tpu.vector_store_idx %arg10[%add3A_146], %get3A_143 {add = true} : memref<40960xf32, #tpu.memory_space<vmem>>[vector<16xi32>], vector<16xf32>,
        %get3A_147 = arith.index_cast %scan3A_98 : i32 to index
        %get3A_148 = arith.constant 112 : index
        %get3A_149 = tpu.vector_load %arg9[%get3A_147, %get3A_148] {strides = array<i32>} : memref<128x128xf32, #tpu.memory_space<vmem>>, vector<16xf32>,
        %add3A_150 = arith.constant 112 : i32
        %add3A_151 = vector.broadcast %add3A_150 : i32 to vector<16xi32>
        %add3A_152 = arith.addi %add3A_104, %add3A_151 : vector<16xi32>
        tpu.vector_store_idx %arg10[%add3A_152], %get3A_149 {add = true} : memref<40960xf32, #tpu.memory_space<vmem>>[vector<16xi32>], vector<16xf32>,
        %scan3A_153 = arith.constant 0 : i32
        scf.yield %scan3A_153 : i32
      }
      %scan3A_96 = arith.constant 128 : i32
      %while3A_97 = arith.constant 0 : i32
      scf.yield %while3A_97 : i32
    }
    %mul3A_65 = arith.constant 128 : i32
    %mul3A_66 = arith.muli %select_n3A_53, %mul3A_65 : i32
    %sub3A_67 = arith.subi %select_n3A, %mul3A_66 : i32
    %gt3A = arith.constant 0 : i32
    %gt3A_68 = arith.cmpi sgt, %sub3A_67, %gt3A : i32
    %convert_element_type3A = arith.extui %gt3A_68 : i1 to i32
    %cond3A = arith.constant 0 : i32
    %cond3A_69 = arith.cmpi ne, %convert_element_type3A, %cond3A : i32
    scf.if %cond3A_69 {
      %mul3A_74 = arith.constant 327696 : i32
      %mul3A_75 = arith.muli %add3A, %mul3A_74 : i32
      %mul3A_76 = arith.constant 128 : i32
      %mul3A_77 = arith.muli %select_n3A_53, %mul3A_76 : i32
      %add3A_78 = arith.addi %mul3A_75, %mul3A_77 : i32
      "tpu.region"() ({
        %run_scoped3A = tpu.sem_alloc : memref<!tpu.dma_semaphore, #tpu.memory_space<semaphore_mem>>
        %dma_start3A_95 = tpu.memref_slice %arg3[%add3A_78] : memref<10486272xi32, #tpu.memory_space<hbm>> -> memref<128xi32, #tpu.memory_space<hbm>>
        %dma_start3A_96 = tpu.memref_slice %arg3[%add3A_78] : memref<10486272xi32, #tpu.memory_space<hbm>> -> memref<128xi32, #tpu.memory_space<hbm>>
        tpu.enqueue_dma source(%dma_start3A_96 : memref<128xi32, #tpu.memory_space<hbm>>) target(%arg7 : memref<128xi32, #tpu.memory_space<vmem>>) target_semaphore(%run_scoped3A : memref<!tpu.dma_semaphore, #tpu.memory_space<semaphore_mem>>)
        %dma_wait3A_97 = tpu.memref_slice %arg3[%add3A_78] : memref<10486272xi32, #tpu.memory_space<hbm>> -> memref<128xi32, #tpu.memory_space<hbm>>
        %dma_wait3A_98 = tpu.memref_slice %arg3[%add3A_78] : memref<10486272xi32, #tpu.memory_space<hbm>> -> memref<128xi32, #tpu.memory_space<hbm>>
        tpu.wait_dma2 semaphore(%run_scoped3A : memref<!tpu.dma_semaphore, #tpu.memory_space<semaphore_mem>>) src(%dma_wait3A_98 : memref<128xi32, #tpu.memory_space<hbm>>) dst(%arg7 : memref<128xi32, #tpu.memory_space<vmem>>)
        tpu.yield
      }) : () -> ()
      %mul3A_79 = arith.constant 327696 : i32
      %mul3A_80 = arith.muli %add3A, %mul3A_79 : i32
      %mul3A_81 = arith.constant 128 : i32
      %mul3A_82 = arith.muli %select_n3A_53, %mul3A_81 : i32
      %add3A_83 = arith.addi %mul3A_80, %mul3A_82 : i32
      "tpu.region"() ({
        %run_scoped3A = tpu.sem_alloc : memref<!tpu.dma_semaphore, #tpu.memory_space<semaphore_mem>>
        %dma_start3A_95 = tpu.memref_slice %arg4[%add3A_83] : memref<10486272xi32, #tpu.memory_space<hbm>> -> memref<128xi32, #tpu.memory_space<hbm>>
        %dma_start3A_96 = tpu.memref_slice %arg4[%add3A_83] : memref<10486272xi32, #tpu.memory_space<hbm>> -> memref<128xi32, #tpu.memory_space<hbm>>
        tpu.enqueue_dma source(%dma_start3A_96 : memref<128xi32, #tpu.memory_space<hbm>>) target(%arg8 : memref<128xi32, #tpu.memory_space<vmem>>) target_semaphore(%run_scoped3A : memref<!tpu.dma_semaphore, #tpu.memory_space<semaphore_mem>>)
        %dma_wait3A_97 = tpu.memref_slice %arg4[%add3A_83] : memref<10486272xi32, #tpu.memory_space<hbm>> -> memref<128xi32, #tpu.memory_space<hbm>>
        %dma_wait3A_98 = tpu.memref_slice %arg4[%add3A_83] : memref<10486272xi32, #tpu.memory_space<hbm>> -> memref<128xi32, #tpu.memory_space<hbm>>
        tpu.wait_dma2 semaphore(%run_scoped3A : memref<!tpu.dma_semaphore, #tpu.memory_space<semaphore_mem>>) src(%dma_wait3A_98 : memref<128xi32, #tpu.memory_space<hbm>>) dst(%arg8 : memref<128xi32, #tpu.memory_space<vmem>>)
        tpu.yield
      }) : () -> ()
      %dma_start3A = arith.constant 0 : i32
      %dma_start3A_84 = arith.constant 0 : i32
      %dma_start3A_85 = tpu.memref_slice %arg2[%dma_start3A, %dma_start3A_84] : memref<10240x128xf32, #tpu.memory_space<hbm>> -> memref<10240x128xf32, #tpu.memory_space<hbm>>
      tpu.enqueue_indirect_dma source(%dma_start3A_85 : memref<10240x128xf32, #tpu.memory_space<hbm>>) target(%arg9 : memref<128x128xf32, #tpu.memory_space<vmem>>) offsets(%arg7 : memref<128xi32, #tpu.memory_space<vmem>>) semaphore(%arg12 : memref<!tpu.dma_semaphore, #tpu.memory_space<semaphore_mem>>)
      %dma_wait3A = arith.constant 0 : i32
      %dma_wait3A_86 = arith.constant 0 : i32
      %dma_wait3A_87 = tpu.memref_slice %arg2[%dma_wait3A, %dma_wait3A_86] : memref<10240x128xf32, #tpu.memory_space<hbm>> -> memref<10240x128xf32, #tpu.memory_space<hbm>>
      tpu.wait_indirect_dma semaphore(%arg12 : memref<!tpu.dma_semaphore, #tpu.memory_space<semaphore_mem>>) src(%dma_wait3A_87 : memref<10240x128xf32, #tpu.memory_space<hbm>>) dst(%arg9 : memref<128x128xf32, #tpu.memory_space<vmem>>)
      %scan3A_88 = arith.constant 0 : i32
      %scan3A_89 = arith.constant 0 : i32
      %scan3A_90 = arith.constant 128 : i32
      %scan3A_91 = arith.addi %scan3A_89, %scan3A_90 : i32
      %scan3A_92 = arith.constant 1 : i32
      %scan3A_93 = scf.for %scan3A_95 = %scan3A_89 to %scan3A_91 step %scan3A_92 iter_args(%scan3A_96 = %scan3A_88) -> (i32)  : i32 {
        %lt3A = arith.cmpi slt, %scan3A_95, %sub3A_67 : i32
        %convert_element_type3A_97 = arith.extui %lt3A : i1 to i32
        %cond3A_98 = arith.constant 0 : i32
        %cond3A_99 = arith.cmpi ne, %convert_element_type3A_97, %cond3A_98 : i32
        scf.if %cond3A_99 {
          %broadcast_in_dim3A_101 = vector.broadcast %scan3A_95 : i32 to vector<16xi32>
          %gather3A = tpu.vector_load_idx %arg8[%broadcast_in_dim3A_101] : memref<128xi32, #tpu.memory_space<vmem>>[vector<16xi32>], vector<16xi32>,
          %mul3A_102 = arith.constant 128 : i32
          %mul3A_103 = vector.broadcast %mul3A_102 : i32 to vector<16xi32>
          %mul3A_104 = arith.muli %gather3A, %mul3A_103 : vector<16xi32>
          %add3A_105 = arith.addi %mul3A_104, %iota3A : vector<16xi32>
          %get3A_106 = arith.index_cast %scan3A_95 : i32 to index
          %get3A_107 = arith.constant 0 : index
          %get3A_108 = tpu.vector_load %arg9[%get3A_106, %get3A_107] {strides = array<i32>} : memref<128x128xf32, #tpu.memory_space<vmem>>, vector<16xf32>,
          %add3A_109 = arith.constant 0 : i32
          %add3A_110 = vector.broadcast %add3A_109 : i32 to vector<16xi32>
          %add3A_111 = arith.addi %add3A_105, %add3A_110 : vector<16xi32>
          tpu.vector_store_idx %arg10[%add3A_111], %get3A_108 {add = true} : memref<40960xf32, #tpu.memory_space<vmem>>[vector<16xi32>], vector<16xf32>,
          %get3A_112 = arith.index_cast %scan3A_95 : i32 to index
          %get3A_113 = arith.constant 16 : index
          %get3A_114 = tpu.vector_load %arg9[%get3A_112, %get3A_113] {strides = array<i32>} : memref<128x128xf32, #tpu.memory_space<vmem>>, vector<16xf32>,
          %add3A_115 = arith.constant 16 : i32
          %add3A_116 = vector.broadcast %add3A_115 : i32 to vector<16xi32>
          %add3A_117 = arith.addi %add3A_105, %add3A_116 : vector<16xi32>
          tpu.vector_store_idx %arg10[%add3A_117], %get3A_114 {add = true} : memref<40960xf32, #tpu.memory_space<vmem>>[vector<16xi32>], vector<16xf32>,
          %get3A_118 = arith.index_cast %scan3A_95 : i32 to index
          %get3A_119 = arith.constant 32 : index
          %get3A_120 = tpu.vector_load %arg9[%get3A_118, %get3A_119] {strides = array<i32>} : memref<128x128xf32, #tpu.memory_space<vmem>>, vector<16xf32>,
          %add3A_121 = arith.constant 32 : i32
          %add3A_122 = vector.broadcast %add3A_121 : i32 to vector<16xi32>
          %add3A_123 = arith.addi %add3A_105, %add3A_122 : vector<16xi32>
          tpu.vector_store_idx %arg10[%add3A_123], %get3A_120 {add = true} : memref<40960xf32, #tpu.memory_space<vmem>>[vector<16xi32>], vector<16xf32>,
          %get3A_124 = arith.index_cast %scan3A_95 : i32 to index
          %get3A_125 = arith.constant 48 : index
          %get3A_126 = tpu.vector_load %arg9[%get3A_124, %get3A_125] {strides = array<i32>} : memref<128x128xf32, #tpu.memory_space<vmem>>, vector<16xf32>,
          %add3A_127 = arith.constant 48 : i32
          %add3A_128 = vector.broadcast %add3A_127 : i32 to vector<16xi32>
          %add3A_129 = arith.addi %add3A_105, %add3A_128 : vector<16xi32>
          tpu.vector_store_idx %arg10[%add3A_129], %get3A_126 {add = true} : memref<40960xf32, #tpu.memory_space<vmem>>[vector<16xi32>], vector<16xf32>,
          %get3A_130 = arith.index_cast %scan3A_95 : i32 to index
          %get3A_131 = arith.constant 64 : index
          %get3A_132 = tpu.vector_load %arg9[%get3A_130, %get3A_131] {strides = array<i32>} : memref<128x128xf32, #tpu.memory_space<vmem>>, vector<16xf32>,
          %add3A_133 = arith.constant 64 : i32
          %add3A_134 = vector.broadcast %add3A_133 : i32 to vector<16xi32>
          %add3A_135 = arith.addi %add3A_105, %add3A_134 : vector<16xi32>
          tpu.vector_store_idx %arg10[%add3A_135], %get3A_132 {add = true} : memref<40960xf32, #tpu.memory_space<vmem>>[vector<16xi32>], vector<16xf32>,
          %get3A_136 = arith.index_cast %scan3A_95 : i32 to index
          %get3A_137 = arith.constant 80 : index
          %get3A_138 = tpu.vector_load %arg9[%get3A_136, %get3A_137] {strides = array<i32>} : memref<128x128xf32, #tpu.memory_space<vmem>>, vector<16xf32>,
          %add3A_139 = arith.constant 80 : i32
          %add3A_140 = vector.broadcast %add3A_139 : i32 to vector<16xi32>
          %add3A_141 = arith.addi %add3A_105, %add3A_140 : vector<16xi32>
          tpu.vector_store_idx %arg10[%add3A_141], %get3A_138 {add = true} : memref<40960xf32, #tpu.memory_space<vmem>>[vector<16xi32>], vector<16xf32>,
          %get3A_142 = arith.index_cast %scan3A_95 : i32 to index
          %get3A_143 = arith.constant 96 : index
          %get3A_144 = tpu.vector_load %arg9[%get3A_142, %get3A_143] {strides = array<i32>} : memref<128x128xf32, #tpu.memory_space<vmem>>, vector<16xf32>,
          %add3A_145 = arith.constant 96 : i32
          %add3A_146 = vector.broadcast %add3A_145 : i32 to vector<16xi32>
          %add3A_147 = arith.addi %add3A_105, %add3A_146 : vector<16xi32>
          tpu.vector_store_idx %arg10[%add3A_147], %get3A_144 {add = true} : memref<40960xf32, #tpu.memory_space<vmem>>[vector<16xi32>], vector<16xf32>,
          %get3A_148 = arith.index_cast %scan3A_95 : i32 to index
          %get3A_149 = arith.constant 112 : index
          %get3A_150 = tpu.vector_load %arg9[%get3A_148, %get3A_149] {strides = array<i32>} : memref<128x128xf32, #tpu.memory_space<vmem>>, vector<16xf32>,
          %add3A_151 = arith.constant 112 : i32
          %add3A_152 = vector.broadcast %add3A_151 : i32 to vector<16xi32>
          %add3A_153 = arith.addi %add3A_105, %add3A_152 : vector<16xi32>
          tpu.vector_store_idx %arg10[%add3A_153], %get3A_150 {add = true} : memref<40960xf32, #tpu.memory_space<vmem>>[vector<16xi32>], vector<16xf32>,
        } else {
        }
        %scan3A_100 = arith.constant 0 : i32
        scf.yield %scan3A_100 : i32
      }
      %scan3A_94 = arith.constant 128 : i32
    } else {
    }
    %mul3A_70 = arith.constant 320 : i32
    %mul3A_71 = arith.muli %add3A, %mul3A_70 : i32
    %mul3A_72 = arith.constant 128 : i32
    %mul3A_73 = arith.muli %mul3A_71, %mul3A_72 : i32
    "tpu.region"() ({
      %run_scoped3A = tpu.sem_alloc : memref<!tpu.dma_semaphore, #tpu.memory_space<semaphore_mem>>
      %dma_start3A = tpu.memref_slice %arg6[%mul3A_73] : memref<1310720xf32, #tpu.memory_space<hbm>> -> memref<40960xf32, #tpu.memory_space<hbm>>
      %dma_start3A_74 = tpu.memref_slice %arg6[%mul3A_73] : memref<1310720xf32, #tpu.memory_space<hbm>> -> memref<40960xf32, #tpu.memory_space<hbm>>
      tpu.enqueue_dma source(%arg10 : memref<40960xf32, #tpu.memory_space<vmem>>) target(%dma_start3A_74 : memref<40960xf32, #tpu.memory_space<hbm>>) target_semaphore(%run_scoped3A : memref<!tpu.dma_semaphore, #tpu.memory_space<semaphore_mem>>)
      %dma_wait3A = tpu.memref_slice %arg6[%mul3A_73] : memref<1310720xf32, #tpu.memory_space<hbm>> -> memref<40960xf32, #tpu.memory_space<hbm>>
      %dma_wait3A_75 = tpu.memref_slice %arg6[%mul3A_73] : memref<1310720xf32, #tpu.memory_space<hbm>> -> memref<40960xf32, #tpu.memory_space<hbm>>
      tpu.wait_dma2 semaphore(%run_scoped3A : memref<!tpu.dma_semaphore, #tpu.memory_space<semaphore_mem>>) src(%arg10 : memref<40960xf32, #tpu.memory_space<vmem>>) dst(%dma_wait3A_75 : memref<40960xf32, #tpu.memory_space<hbm>>)
      tpu.yield
    }) : () -> ()
    return
  }
}

#map = affine_map<(d0, d1) -> (0)>
module attributes {stable_mosaic.version = 14 : i64} {
  func.func @k(%arg0: i32, %arg1: i32, %arg2: memref<323584xi32, #tpu.memory_space<hbm>>, %arg3: memref<323584xi32, #tpu.memory_space<hbm>>, %arg4: memref<10486272xi32, #tpu.memory_space<hbm>>, %arg5: memref<10486272xi32, #tpu.memory_space<hbm>>, %arg6: memref<512xi32, #tpu.memory_space<hbm>>, %arg7: memref<4096xi32, #tpu.memory_space<vmem>>, %arg8: memref<4096xi32, #tpu.memory_space<vmem>>, %arg9: memref<4128xi32, #tpu.memory_space<vmem>>, %arg10: memref<4128xi32, #tpu.memory_space<vmem>>, %arg11: memref<16xi32, #tpu.memory_space<vmem>>) attributes {dimension_semantics = [#tpu.dimension_semantics<core_parallel>, #tpu.dimension_semantics<subcore_parallel>], iteration_bounds = array<i64: 2, 16>, scalar_prefetch = 0 : i64, scratch_operands = 5 : i64, tpu.core_type = #tpu.core_type<sc_vector_subcore>, window_params = [{transform_indices = #map}, {transform_indices = #map}, {transform_indices = #map}, {transform_indices = #map}, {transform_indices = #map}]} {
    %mul3A = arith.constant 2 : i32
    %mul3A_0 = arith.muli %arg1, %mul3A : i32
    %add3A = arith.addi %mul3A_0, %arg0 : i32
    %mul3A_1 = arith.constant 320 : i32
    %mul3A_2 = arith.muli %add3A, %mul3A_1 : i32
    %add3A_3 = arith.constant 320 : i32
    %add3A_4 = arith.addi %mul3A_2, %add3A_3 : i32
    %broadcast_in_dim3A = arith.constant 0 : i32
    %broadcast_in_dim3A_5 = vector.broadcast %broadcast_in_dim3A : i32 to vector<16xi32>
    %scan3A = arith.constant 0 : i32
    %scan3A_6 = arith.constant 0 : i32
    %scan3A_7 = arith.constant 258 : i32
    %scan3A_8 = arith.addi %scan3A_6, %scan3A_7 : i32
    %scan3A_9 = arith.constant 1 : i32
    %scan3A_10 = scf.for %scan3A_28 = %scan3A_6 to %scan3A_8 step %scan3A_9 iter_args(%scan3A_29 = %scan3A) -> (i32)  : i32 {
      %mul3A_30 = arith.constant 16 : i32
      %mul3A_31 = arith.muli %scan3A_28, %mul3A_30 : i32
      %swap3A_32 = arith.index_cast %mul3A_31 : i32 to index
      %swap3A_33 = tpu.vector_load %arg9[%swap3A_32] {strides = array<i32>} : memref<4128xi32, #tpu.memory_space<vmem>>, vector<16xi32>,
      tpu.vector_store %arg9[%swap3A_32], %broadcast_in_dim3A_5 {strides = array<i32>} : memref<4128xi32, #tpu.memory_space<vmem>>, vector<16xi32>,
      %mul3A_34 = arith.constant 16 : i32
      %mul3A_35 = arith.muli %scan3A_28, %mul3A_34 : i32
      %swap3A_36 = arith.index_cast %mul3A_35 : i32 to index
      %swap3A_37 = tpu.vector_load %arg10[%swap3A_36] {strides = array<i32>} : memref<4128xi32, #tpu.memory_space<vmem>>, vector<16xi32>,
      tpu.vector_store %arg10[%swap3A_36], %broadcast_in_dim3A_5 {strides = array<i32>} : memref<4128xi32, #tpu.memory_space<vmem>>, vector<16xi32>,
      %scan3A_38 = arith.constant 0 : i32
      scf.yield %scan3A_38 : i32
    }
    %scan3A_11 = arith.constant 258 : i32
    %scan3A_12 = arith.constant 0 : i32
    %scan3A_13 = arith.constant 0 : i32
    %scan3A_14 = arith.constant 0 : i32
    %scan3A_15 = arith.constant 79 : i32
    %scan3A_16 = arith.addi %scan3A_14, %scan3A_15 : i32
    %scan3A_17 = arith.constant 1 : i32
    %scan3A_18:2 = scf.for %scan3A_28 = %scan3A_14 to %scan3A_16 step %scan3A_17 iter_args(%scan3A_29 = %scan3A_12, %scan3A_30 = %scan3A_13) -> (i32, i32)  : i32 {
      %mul3A_31 = arith.constant 4096 : i32
      %mul3A_32 = arith.muli %scan3A_28, %mul3A_31 : i32
      "tpu.region"() ({
        %run_scoped3A = tpu.sem_alloc : memref<!tpu.dma_semaphore, #tpu.memory_space<semaphore_mem>>
        %dma_start3A = tpu.memref_slice %arg3[%mul3A_32] : memref<323584xi32, #tpu.memory_space<hbm>> -> memref<4096xi32, #tpu.memory_space<hbm>>
        %dma_start3A_73 = tpu.memref_slice %arg3[%mul3A_32] : memref<323584xi32, #tpu.memory_space<hbm>> -> memref<4096xi32, #tpu.memory_space<hbm>>
        tpu.enqueue_dma source(%dma_start3A_73 : memref<4096xi32, #tpu.memory_space<hbm>>) target(%arg7 : memref<4096xi32, #tpu.memory_space<vmem>>) target_semaphore(%run_scoped3A : memref<!tpu.dma_semaphore, #tpu.memory_space<semaphore_mem>>)
        %dma_wait3A = tpu.memref_slice %arg3[%mul3A_32] : memref<323584xi32, #tpu.memory_space<hbm>> -> memref<4096xi32, #tpu.memory_space<hbm>>
        %dma_wait3A_74 = tpu.memref_slice %arg3[%mul3A_32] : memref<323584xi32, #tpu.memory_space<hbm>> -> memref<4096xi32, #tpu.memory_space<hbm>>
        tpu.wait_dma2 semaphore(%run_scoped3A : memref<!tpu.dma_semaphore, #tpu.memory_space<semaphore_mem>>) src(%dma_wait3A_74 : memref<4096xi32, #tpu.memory_space<hbm>>) dst(%arg7 : memref<4096xi32, #tpu.memory_space<vmem>>)
        tpu.yield
      }) : () -> ()
      %mul3A_33 = arith.constant 4096 : i32
      %mul3A_34 = arith.muli %scan3A_28, %mul3A_33 : i32
      "tpu.region"() ({
        %run_scoped3A = tpu.sem_alloc : memref<!tpu.dma_semaphore, #tpu.memory_space<semaphore_mem>>
        %dma_start3A = tpu.memref_slice %arg2[%mul3A_34] : memref<323584xi32, #tpu.memory_space<hbm>> -> memref<4096xi32, #tpu.memory_space<hbm>>
        %dma_start3A_73 = tpu.memref_slice %arg2[%mul3A_34] : memref<323584xi32, #tpu.memory_space<hbm>> -> memref<4096xi32, #tpu.memory_space<hbm>>
        tpu.enqueue_dma source(%dma_start3A_73 : memref<4096xi32, #tpu.memory_space<hbm>>) target(%arg8 : memref<4096xi32, #tpu.memory_space<vmem>>) target_semaphore(%run_scoped3A : memref<!tpu.dma_semaphore, #tpu.memory_space<semaphore_mem>>)
        %dma_wait3A = tpu.memref_slice %arg2[%mul3A_34] : memref<323584xi32, #tpu.memory_space<hbm>> -> memref<4096xi32, #tpu.memory_space<hbm>>
        %dma_wait3A_74 = tpu.memref_slice %arg2[%mul3A_34] : memref<323584xi32, #tpu.memory_space<hbm>> -> memref<4096xi32, #tpu.memory_space<hbm>>
        tpu.wait_dma2 semaphore(%run_scoped3A : memref<!tpu.dma_semaphore, #tpu.memory_space<semaphore_mem>>) src(%dma_wait3A_74 : memref<4096xi32, #tpu.memory_space<hbm>>) dst(%arg8 : memref<4096xi32, #tpu.memory_space<vmem>>)
        tpu.yield
      }) : () -> ()
      %scan3A_35 = arith.constant 0 : i32
      %scan3A_36 = arith.constant 256 : i32
      %scan3A_37 = arith.addi %scan3A_35, %scan3A_36 : i32
      %scan3A_38 = arith.constant 1 : i32
      %scan3A_39 = scf.for %scan3A_73 = %scan3A_35 to %scan3A_37 step %scan3A_38 iter_args(%scan3A_74 = %scan3A_30) -> (i32)  : i32 {
        %mul3A_75 = arith.constant 16 : i32
        %mul3A_76 = arith.muli %scan3A_73, %mul3A_75 : i32
        %get3A_77 = arith.index_cast %mul3A_76 : i32 to index
        %get3A_78 = tpu.vector_load %arg7[%get3A_77] {strides = array<i32>} : memref<4096xi32, #tpu.memory_space<vmem>>, vector<16xi32>,
        %mul3A_79 = arith.constant 16 : i32
        %mul3A_80 = arith.muli %scan3A_73, %mul3A_79 : i32
        %get3A_81 = arith.index_cast %mul3A_80 : i32 to index
        %get3A_82 = tpu.vector_load %arg8[%get3A_81] {strides = array<i32>} : memref<4096xi32, #tpu.memory_space<vmem>>, vector<16xi32>,
        %broadcast_in_dim3A_83 = vector.broadcast %mul3A_2 : i32 to vector<16xi32>
        %broadcast_in_dim3A_84 = vector.broadcast %add3A_4 : i32 to vector<16xi32>
        %ge3A = arith.cmpi sge, %get3A_78, %broadcast_in_dim3A_83 : vector<16xi32>
        %lt3A = arith.cmpi slt, %get3A_78, %broadcast_in_dim3A_84 : vector<16xi32>
        %and3A_85 = arith.andi %ge3A, %lt3A : vector<16xi1>
        %convert_element_type3A = arith.extui %and3A_85 : vector<16xi1> to vector<16xi32>
        %broadcast_in_dim3A_86 = arith.constant true
        %broadcast_in_dim3A_87 = vector.broadcast %broadcast_in_dim3A_86 : i1 to vector<16xi1>
        %masked_cumsum3A = tpu.scan <sum>, %convert_element_type3A masked %broadcast_in_dim3A_87 : vector<16xi32>, vector<16xi1> -> vector<16xi32>
        %broadcast_in_dim3A_88 = arith.constant 4112 : i32
        %broadcast_in_dim3A_89 = vector.broadcast %broadcast_in_dim3A_88 : i32 to vector<16xi32>
        %broadcast_in_dim3A_90 = vector.broadcast %scan3A_74 : i32 to vector<16xi32>
        %broadcast_in_dim3A_91 = arith.constant 1 : i32
        %broadcast_in_dim3A_92 = vector.broadcast %broadcast_in_dim3A_91 : i32 to vector<16xi32>
        %add3A_93 = arith.addi %masked_cumsum3A, %broadcast_in_dim3A_90 : vector<16xi32>
        %sub3A_94 = arith.subi %add3A_93, %broadcast_in_dim3A_92 : vector<16xi32>
        %select_n3A_95 = arith.select %and3A_85, %sub3A_94, %broadcast_in_dim3A_89 : vector<16xi1>, vector<16xi32>
        %sub3A_96 = arith.subi %get3A_78, %broadcast_in_dim3A_83 : vector<16xi32>
        tpu.vector_store_idx %arg10[%select_n3A_95], %sub3A_96 : memref<4128xi32, #tpu.memory_space<vmem>>[vector<16xi32>], vector<16xi32>,
        tpu.vector_store_idx %arg9[%select_n3A_95], %get3A_82 : memref<4128xi32, #tpu.memory_space<vmem>>[vector<16xi32>], vector<16xi32>,
        %reduce_sum3A = arith.constant true
        %reduce_sum3A_97 = vector.broadcast %reduce_sum3A : i1 to vector<16xi1>
        %reduce_sum3A_98 = tpu.scan <sum>, %convert_element_type3A masked %reduce_sum3A_97 : vector<16xi32>, vector<16xi1> -> vector<16xi32>
        %reduce_sum3A_99 = vector.extract %reduce_sum3A_98[15] : i32 from vector<16xi32>
        %add3A_100 = arith.addi %scan3A_74, %reduce_sum3A_99 : i32
        scf.yield %add3A_100 : i32
      }
      %scan3A_40 = arith.constant 256 : i32
      %mul3A_41 = arith.constant 327696 : i32
      %mul3A_42 = arith.muli %add3A, %mul3A_41 : i32
      %add3A_43 = arith.addi %mul3A_42, %scan3A_29 : i32
      %multiple_of3A_44 = tpu.assume_multiple %add3A_43, 16 : i32
      "tpu.region"() ({
        %run_scoped3A = tpu.sem_alloc : memref<!tpu.dma_semaphore, #tpu.memory_space<semaphore_mem>>
        %dma_start3A = arith.constant 0 : i32
        %dma_start3A_73 = tpu.memref_slice %arg9[%dma_start3A] : memref<4128xi32, #tpu.memory_space<vmem>> -> memref<4112xi32, #tpu.memory_space<vmem>>
        %dma_start3A_74 = tpu.memref_slice %arg4[%multiple_of3A_44] : memref<10486272xi32, #tpu.memory_space<hbm>> -> memref<4112xi32, #tpu.memory_space<hbm>>
        %dma_start3A_75 = tpu.memref_slice %arg4[%multiple_of3A_44] : memref<10486272xi32, #tpu.memory_space<hbm>> -> memref<4112xi32, #tpu.memory_space<hbm>>
        %dma_start3A_76 = arith.constant 0 : i32
        %dma_start3A_77 = tpu.memref_slice %arg9[%dma_start3A_76] : memref<4128xi32, #tpu.memory_space<vmem>> -> memref<4112xi32, #tpu.memory_space<vmem>>
        tpu.enqueue_dma source(%dma_start3A_77 : memref<4112xi32, #tpu.memory_space<vmem>>) target(%dma_start3A_75 : memref<4112xi32, #tpu.memory_space<hbm>>) target_semaphore(%run_scoped3A : memref<!tpu.dma_semaphore, #tpu.memory_space<semaphore_mem>>)
        %dma_wait3A = arith.constant 0 : i32
        %dma_wait3A_78 = tpu.memref_slice %arg9[%dma_wait3A] : memref<4128xi32, #tpu.memory_space<vmem>> -> memref<4112xi32, #tpu.memory_space<vmem>>
        %dma_wait3A_79 = tpu.memref_slice %arg4[%multiple_of3A_44] : memref<10486272xi32, #tpu.memory_space<hbm>> -> memref<4112xi32, #tpu.memory_space<hbm>>
        %dma_wait3A_80 = tpu.memref_slice %arg4[%multiple_of3A_44] : memref<10486272xi32, #tpu.memory_space<hbm>> -> memref<4112xi32, #tpu.memory_space<hbm>>
        %dma_wait3A_81 = arith.constant 0 : i32
        %dma_wait3A_82 = tpu.memref_slice %arg9[%dma_wait3A_81] : memref<4128xi32, #tpu.memory_space<vmem>> -> memref<4112xi32, #tpu.memory_space<vmem>>
        tpu.wait_dma2 semaphore(%run_scoped3A : memref<!tpu.dma_semaphore, #tpu.memory_space<semaphore_mem>>) src(%dma_wait3A_82 : memref<4112xi32, #tpu.memory_space<vmem>>) dst(%dma_wait3A_80 : memref<4112xi32, #tpu.memory_space<hbm>>)
        tpu.yield
      }) : () -> ()
      "tpu.region"() ({
        %run_scoped3A = tpu.sem_alloc : memref<!tpu.dma_semaphore, #tpu.memory_space<semaphore_mem>>
        %dma_start3A = arith.constant 0 : i32
        %dma_start3A_73 = tpu.memref_slice %arg10[%dma_start3A] : memref<4128xi32, #tpu.memory_space<vmem>> -> memref<4112xi32, #tpu.memory_space<vmem>>
        %dma_start3A_74 = tpu.memref_slice %arg5[%multiple_of3A_44] : memref<10486272xi32, #tpu.memory_space<hbm>> -> memref<4112xi32, #tpu.memory_space<hbm>>
        %dma_start3A_75 = tpu.memref_slice %arg5[%multiple_of3A_44] : memref<10486272xi32, #tpu.memory_space<hbm>> -> memref<4112xi32, #tpu.memory_space<hbm>>
        %dma_start3A_76 = arith.constant 0 : i32
        %dma_start3A_77 = tpu.memref_slice %arg10[%dma_start3A_76] : memref<4128xi32, #tpu.memory_space<vmem>> -> memref<4112xi32, #tpu.memory_space<vmem>>
        tpu.enqueue_dma source(%dma_start3A_77 : memref<4112xi32, #tpu.memory_space<vmem>>) target(%dma_start3A_75 : memref<4112xi32, #tpu.memory_space<hbm>>) target_semaphore(%run_scoped3A : memref<!tpu.dma_semaphore, #tpu.memory_space<semaphore_mem>>)
        %dma_wait3A = arith.constant 0 : i32
        %dma_wait3A_78 = tpu.memref_slice %arg10[%dma_wait3A] : memref<4128xi32, #tpu.memory_space<vmem>> -> memref<4112xi32, #tpu.memory_space<vmem>>
        %dma_wait3A_79 = tpu.memref_slice %arg5[%multiple_of3A_44] : memref<10486272xi32, #tpu.memory_space<hbm>> -> memref<4112xi32, #tpu.memory_space<hbm>>
        %dma_wait3A_80 = tpu.memref_slice %arg5[%multiple_of3A_44] : memref<10486272xi32, #tpu.memory_space<hbm>> -> memref<4112xi32, #tpu.memory_space<hbm>>
        %dma_wait3A_81 = arith.constant 0 : i32
        %dma_wait3A_82 = tpu.memref_slice %arg10[%dma_wait3A_81] : memref<4128xi32, #tpu.memory_space<vmem>> -> memref<4112xi32, #tpu.memory_space<vmem>>
        tpu.wait_dma2 semaphore(%run_scoped3A : memref<!tpu.dma_semaphore, #tpu.memory_space<semaphore_mem>>) src(%dma_wait3A_82 : memref<4112xi32, #tpu.memory_space<vmem>>) dst(%dma_wait3A_80 : memref<4112xi32, #tpu.memory_space<hbm>>)
        tpu.yield
      }) : () -> ()
      %jit3A = arith.constant 16 : i32
      %div3A = arith.divsi %scan3A_39, %jit3A : i32
      %sign3A = arith.constant 0 : i32
      %sign3A_45 = arith.cmpi sgt, %scan3A_39, %sign3A : i32
      %sign3A_46 = arith.extui %sign3A_45 : i1 to i32
      %sign3A_47 = arith.constant 0 : i32
      %sign3A_48 = arith.cmpi slt, %scan3A_39, %sign3A_47 : i32
      %sign3A_49 = arith.extui %sign3A_48 : i1 to i32
      %sign3A_50 = arith.subi %sign3A_46, %sign3A_49 : i32
      %sign3A_51 = arith.constant 0 : i32
      %sign3A_52 = arith.cmpi sgt, %jit3A, %sign3A_51 : i32
      %sign3A_53 = arith.extui %sign3A_52 : i1 to i32
      %sign3A_54 = arith.constant 0 : i32
      %sign3A_55 = arith.cmpi slt, %jit3A, %sign3A_54 : i32
      %sign3A_56 = arith.extui %sign3A_55 : i1 to i32
      %sign3A_57 = arith.subi %sign3A_53, %sign3A_56 : i32
      %ne3A = arith.cmpi ne, %sign3A_50, %sign3A_57 : i32
      %rem3A = arith.remsi %scan3A_39, %jit3A : i32
      %ne3A_58 = arith.constant 0 : i32
      %ne3A_59 = arith.cmpi ne, %rem3A, %ne3A_58 : i32
      %and3A = arith.andi %ne3A, %ne3A_59 : i1
      %sub3A = arith.constant 1 : i32
      %sub3A_60 = arith.subi %div3A, %sub3A : i32
      %select_n3A = arith.select %and3A, %sub3A_60, %div3A : i32
      %mul3A_61 = arith.constant 16 : i32
      %mul3A_62 = arith.muli %select_n3A, %mul3A_61 : i32
      %multiple_of3A_63 = tpu.assume_multiple %mul3A_62, 16 : i32
      %get3A = arith.index_cast %multiple_of3A_63 : i32 to index
      %get3A_64 = tpu.vector_load %arg9[%get3A] {strides = array<i32>} : memref<4128xi32, #tpu.memory_space<vmem>>, vector<16xi32>,
      %get3A_65 = arith.index_cast %multiple_of3A_63 : i32 to index
      %get3A_66 = tpu.vector_load %arg10[%get3A_65] {strides = array<i32>} : memref<4128xi32, #tpu.memory_space<vmem>>, vector<16xi32>,
      %swap3A_67 = arith.constant 0 : index
      %swap3A_68 = tpu.vector_load %arg9[%swap3A_67] {strides = array<i32>} : memref<4128xi32, #tpu.memory_space<vmem>>, vector<16xi32>,
      tpu.vector_store %arg9[%swap3A_67], %get3A_64 {strides = array<i32>} : memref<4128xi32, #tpu.memory_space<vmem>>, vector<16xi32>,
      %swap3A_69 = arith.constant 0 : index
      %swap3A_70 = tpu.vector_load %arg10[%swap3A_69] {strides = array<i32>} : memref<4128xi32, #tpu.memory_space<vmem>>, vector<16xi32>,
      tpu.vector_store %arg10[%swap3A_69], %get3A_66 {strides = array<i32>} : memref<4128xi32, #tpu.memory_space<vmem>>, vector<16xi32>,
      %add3A_71 = arith.addi %scan3A_29, %multiple_of3A_63 : i32
      %sub3A_72 = arith.subi %scan3A_39, %multiple_of3A_63 : i32
      scf.yield %add3A_71, %sub3A_72 : i32, i32
    }
    %scan3A_19 = arith.constant 79 : i32
    %mul3A_20 = arith.constant 327696 : i32
    %mul3A_21 = arith.muli %add3A, %mul3A_20 : i32
    %add3A_22 = arith.addi %mul3A_21, %scan3A_18#0 : i32
    %multiple_of3A = tpu.assume_multiple %add3A_22, 16 : i32
    "tpu.region"() ({
      %run_scoped3A = tpu.sem_alloc : memref<!tpu.dma_semaphore, #tpu.memory_space<semaphore_mem>>
      %dma_start3A = arith.constant 0 : i32
      %dma_start3A_28 = tpu.memref_slice %arg9[%dma_start3A] : memref<4128xi32, #tpu.memory_space<vmem>> -> memref<4112xi32, #tpu.memory_space<vmem>>
      %dma_start3A_29 = tpu.memref_slice %arg4[%multiple_of3A] : memref<10486272xi32, #tpu.memory_space<hbm>> -> memref<4112xi32, #tpu.memory_space<hbm>>
      %dma_start3A_30 = tpu.memref_slice %arg4[%multiple_of3A] : memref<10486272xi32, #tpu.memory_space<hbm>> -> memref<4112xi32, #tpu.memory_space<hbm>>
      %dma_start3A_31 = arith.constant 0 : i32
      %dma_start3A_32 = tpu.memref_slice %arg9[%dma_start3A_31] : memref<4128xi32, #tpu.memory_space<vmem>> -> memref<4112xi32, #tpu.memory_space<vmem>>
      tpu.enqueue_dma source(%dma_start3A_32 : memref<4112xi32, #tpu.memory_space<vmem>>) target(%dma_start3A_30 : memref<4112xi32, #tpu.memory_space<hbm>>) target_semaphore(%run_scoped3A : memref<!tpu.dma_semaphore, #tpu.memory_space<semaphore_mem>>)
      %dma_wait3A = arith.constant 0 : i32
      %dma_wait3A_33 = tpu.memref_slice %arg9[%dma_wait3A] : memref<4128xi32, #tpu.memory_space<vmem>> -> memref<4112xi32, #tpu.memory_space<vmem>>
      %dma_wait3A_34 = tpu.memref_slice %arg4[%multiple_of3A] : memref<10486272xi32, #tpu.memory_space<hbm>> -> memref<4112xi32, #tpu.memory_space<hbm>>
      %dma_wait3A_35 = tpu.memref_slice %arg4[%multiple_of3A] : memref<10486272xi32, #tpu.memory_space<hbm>> -> memref<4112xi32, #tpu.memory_space<hbm>>
      %dma_wait3A_36 = arith.constant 0 : i32
      %dma_wait3A_37 = tpu.memref_slice %arg9[%dma_wait3A_36] : memref<4128xi32, #tpu.memory_space<vmem>> -> memref<4112xi32, #tpu.memory_space<vmem>>
      tpu.wait_dma2 semaphore(%run_scoped3A : memref<!tpu.dma_semaphore, #tpu.memory_space<semaphore_mem>>) src(%dma_wait3A_37 : memref<4112xi32, #tpu.memory_space<vmem>>) dst(%dma_wait3A_35 : memref<4112xi32, #tpu.memory_space<hbm>>)
      tpu.yield
    }) : () -> ()
    "tpu.region"() ({
      %run_scoped3A = tpu.sem_alloc : memref<!tpu.dma_semaphore, #tpu.memory_space<semaphore_mem>>
      %dma_start3A = arith.constant 0 : i32
      %dma_start3A_28 = tpu.memref_slice %arg10[%dma_start3A] : memref<4128xi32, #tpu.memory_space<vmem>> -> memref<4112xi32, #tpu.memory_space<vmem>>
      %dma_start3A_29 = tpu.memref_slice %arg5[%multiple_of3A] : memref<10486272xi32, #tpu.memory_space<hbm>> -> memref<4112xi32, #tpu.memory_space<hbm>>
      %dma_start3A_30 = tpu.memref_slice %arg5[%multiple_of3A] : memref<10486272xi32, #tpu.memory_space<hbm>> -> memref<4112xi32, #tpu.memory_space<hbm>>
      %dma_start3A_31 = arith.constant 0 : i32
      %dma_start3A_32 = tpu.memref_slice %arg10[%dma_start3A_31] : memref<4128xi32, #tpu.memory_space<vmem>> -> memref<4112xi32, #tpu.memory_space<vmem>>
      tpu.enqueue_dma source(%dma_start3A_32 : memref<4112xi32, #tpu.memory_space<vmem>>) target(%dma_start3A_30 : memref<4112xi32, #tpu.memory_space<hbm>>) target_semaphore(%run_scoped3A : memref<!tpu.dma_semaphore, #tpu.memory_space<semaphore_mem>>)
      %dma_wait3A = arith.constant 0 : i32
      %dma_wait3A_33 = tpu.memref_slice %arg10[%dma_wait3A] : memref<4128xi32, #tpu.memory_space<vmem>> -> memref<4112xi32, #tpu.memory_space<vmem>>
      %dma_wait3A_34 = tpu.memref_slice %arg5[%multiple_of3A] : memref<10486272xi32, #tpu.memory_space<hbm>> -> memref<4112xi32, #tpu.memory_space<hbm>>
      %dma_wait3A_35 = tpu.memref_slice %arg5[%multiple_of3A] : memref<10486272xi32, #tpu.memory_space<hbm>> -> memref<4112xi32, #tpu.memory_space<hbm>>
      %dma_wait3A_36 = arith.constant 0 : i32
      %dma_wait3A_37 = tpu.memref_slice %arg10[%dma_wait3A_36] : memref<4128xi32, #tpu.memory_space<vmem>> -> memref<4112xi32, #tpu.memory_space<vmem>>
      tpu.wait_dma2 semaphore(%run_scoped3A : memref<!tpu.dma_semaphore, #tpu.memory_space<semaphore_mem>>) src(%dma_wait3A_37 : memref<4112xi32, #tpu.memory_space<vmem>>) dst(%dma_wait3A_35 : memref<4112xi32, #tpu.memory_space<hbm>>)
      tpu.yield
    }) : () -> ()
    %add3A_23 = arith.addi %scan3A_18#0, %scan3A_18#1 : i32
    %broadcast_in_dim3A_24 = vector.broadcast %add3A_23 : i32 to vector<16xi32>
    %swap3A = arith.constant 0 : index
    %swap3A_25 = tpu.vector_load %arg11[%swap3A] {strides = array<i32>} : memref<16xi32, #tpu.memory_space<vmem>>, vector<16xi32>,
    tpu.vector_store %arg11[%swap3A], %broadcast_in_dim3A_24 {strides = array<i32>} : memref<16xi32, #tpu.memory_space<vmem>>, vector<16xi32>,
    %mul3A_26 = arith.constant 16 : i32
    %mul3A_27 = arith.muli %add3A, %mul3A_26 : i32
    "tpu.region"() ({
      %run_scoped3A = tpu.sem_alloc : memref<!tpu.dma_semaphore, #tpu.memory_space<semaphore_mem>>
      %dma_start3A = tpu.memref_slice %arg6[%mul3A_27] : memref<512xi32, #tpu.memory_space<hbm>> -> memref<16xi32, #tpu.memory_space<hbm>>
      %dma_start3A_28 = tpu.memref_slice %arg6[%mul3A_27] : memref<512xi32, #tpu.memory_space<hbm>> -> memref<16xi32, #tpu.memory_space<hbm>>
      tpu.enqueue_dma source(%arg11 : memref<16xi32, #tpu.memory_space<vmem>>) target(%dma_start3A_28 : memref<16xi32, #tpu.memory_space<hbm>>) target_semaphore(%run_scoped3A : memref<!tpu.dma_semaphore, #tpu.memory_space<semaphore_mem>>)
      %dma_wait3A = tpu.memref_slice %arg6[%mul3A_27] : memref<512xi32, #tpu.memory_space<hbm>> -> memref<16xi32, #tpu.memory_space<hbm>>
      %dma_wait3A_29 = tpu.memref_slice %arg6[%mul3A_27] : memref<512xi32, #tpu.memory_space<hbm>> -> memref<16xi32, #tpu.memory_space<hbm>>
      tpu.wait_dma2 semaphore(%run_scoped3A : memref<!tpu.dma_semaphore, #tpu.memory_space<semaphore_mem>>) src(%arg11 : memref<16xi32, #tpu.memory_space<vmem>>) dst(%dma_wait3A_29 : memref<16xi32, #tpu.memory_space<hbm>>)
      tpu.yield
    }) : () -> ()
    return
  }
}

#map = affine_map<(d0, d1) -> (0, 0)>
#map1 = affine_map<(d0, d1) -> (0)>
module attributes {stable_mosaic.version = 14 : i64} {
  func.func @k(%arg0: i32, %arg1: i32, %arg2: memref<10240x128xf32, #tpu.memory_space<hbm>>, %arg3: memref<10486272xi32, #tpu.memory_space<hbm>>, %arg4: memref<10486272xi32, #tpu.memory_space<hbm>>, %arg5: memref<512xi32, #tpu.memory_space<hbm>>, %arg6: memref<1310720xf32, #tpu.memory_space<hbm>>, %arg7: memref<128xi32, #tpu.memory_space<vmem>>, %arg8: memref<128xi32, #tpu.memory_space<vmem>>, %arg9: memref<128x128xf32, #tpu.memory_space<vmem>>, %arg10: memref<40960xf32, #tpu.memory_space<vmem>>, %arg11: memref<16xi32, #tpu.memory_space<vmem>>, %arg12: memref<!tpu.dma_semaphore, #tpu.memory_space<semaphore_mem>>) attributes {dimension_semantics = [#tpu.dimension_semantics<core_parallel>, #tpu.dimension_semantics<subcore_parallel>], iteration_bounds = array<i64: 2, 16>, scalar_prefetch = 0 : i64, scratch_operands = 6 : i64, tpu.core_type = #tpu.core_type<sc_vector_subcore>, window_params = [{transform_indices = #map}, {transform_indices = #map1}, {transform_indices = #map1}, {transform_indices = #map1}, {transform_indices = #map1}]} {
    %mul3A = arith.constant 2 : i32
    %mul3A_0 = arith.muli %arg1, %mul3A : i32
    %add3A = arith.addi %mul3A_0, %arg0 : i32
    %broadcast_in_dim3A = arith.constant 0.000000e+00 : f32
    %broadcast_in_dim3A_1 = vector.broadcast %broadcast_in_dim3A : f32 to vector<16xf32>
    %scan3A = arith.constant 0 : i32
    %scan3A_2 = arith.constant 0 : i32
    %scan3A_3 = arith.constant 2560 : i32
    %scan3A_4 = arith.addi %scan3A_2, %scan3A_3 : i32
    %scan3A_5 = arith.constant 1 : i32
    %scan3A_6 = scf.for %scan3A_74 = %scan3A_2 to %scan3A_4 step %scan3A_5 iter_args(%scan3A_75 = %scan3A) -> (i32)  : i32 {
      %mul3A_76 = arith.constant 16 : i32
      %mul3A_77 = arith.muli %scan3A_74, %mul3A_76 : i32
      %swap3A = arith.index_cast %mul3A_77 : i32 to index
      %swap3A_78 = tpu.vector_load %arg10[%swap3A] {strides = array<i32>} : memref<40960xf32, #tpu.memory_space<vmem>>, vector<16xf32>,
      tpu.vector_store %arg10[%swap3A], %broadcast_in_dim3A_1 {strides = array<i32>} : memref<40960xf32, #tpu.memory_space<vmem>>, vector<16xf32>,
      %scan3A_79 = arith.constant 0 : i32
      scf.yield %scan3A_79 : i32
    }
    %scan3A_7 = arith.constant 2560 : i32
    %mul3A_8 = arith.constant 16 : i32
    %mul3A_9 = arith.muli %add3A, %mul3A_8 : i32
    "tpu.region"() ({
      %run_scoped3A = tpu.sem_alloc : memref<!tpu.dma_semaphore, #tpu.memory_space<semaphore_mem>>
      %dma_start3A = tpu.memref_slice %arg5[%mul3A_9] : memref<512xi32, #tpu.memory_space<hbm>> -> memref<16xi32, #tpu.memory_space<hbm>>
      %dma_start3A_74 = tpu.memref_slice %arg5[%mul3A_9] : memref<512xi32, #tpu.memory_space<hbm>> -> memref<16xi32, #tpu.memory_space<hbm>>
      tpu.enqueue_dma source(%dma_start3A_74 : memref<16xi32, #tpu.memory_space<hbm>>) target(%arg11 : memref<16xi32, #tpu.memory_space<vmem>>) target_semaphore(%run_scoped3A : memref<!tpu.dma_semaphore, #tpu.memory_space<semaphore_mem>>)
      %dma_wait3A = tpu.memref_slice %arg5[%mul3A_9] : memref<512xi32, #tpu.memory_space<hbm>> -> memref<16xi32, #tpu.memory_space<hbm>>
      %dma_wait3A_75 = tpu.memref_slice %arg5[%mul3A_9] : memref<512xi32, #tpu.memory_space<hbm>> -> memref<16xi32, #tpu.memory_space<hbm>>
      tpu.wait_dma2 semaphore(%run_scoped3A : memref<!tpu.dma_semaphore, #tpu.memory_space<semaphore_mem>>) src(%dma_wait3A_75 : memref<16xi32, #tpu.memory_space<hbm>>) dst(%arg11 : memref<16xi32, #tpu.memory_space<vmem>>)
      tpu.yield
    }) : () -> ()
    %get3A = arith.constant 0 : index
    %get3A_10 = tpu.vector_load %arg11[%get3A] {strides = array<i32>} : memref<16xi32, #tpu.memory_space<vmem>>, vector<16xi32>,
    %reduce_sum3A = arith.constant true
    %reduce_sum3A_11 = vector.broadcast %reduce_sum3A : i1 to vector<16xi1>
    %reduce_sum3A_12 = tpu.scan <sum>, %get3A_10 masked %reduce_sum3A_11 : vector<16xi32>, vector<16xi1> -> vector<16xi32>
    %reduce_sum3A_13 = vector.extract %reduce_sum3A_12[15] : i32 from vector<16xi32>
    %jit3A = arith.constant 16 : i32
    %div3A = arith.divsi %reduce_sum3A_13, %jit3A : i32
    %sign3A = arith.constant 0 : i32
    %sign3A_14 = arith.cmpi sgt, %reduce_sum3A_13, %sign3A : i32
    %sign3A_15 = arith.extui %sign3A_14 : i1 to i32
    %sign3A_16 = arith.constant 0 : i32
    %sign3A_17 = arith.cmpi slt, %reduce_sum3A_13, %sign3A_16 : i32
    %sign3A_18 = arith.extui %sign3A_17 : i1 to i32
    %sign3A_19 = arith.subi %sign3A_15, %sign3A_18 : i32
    %sign3A_20 = arith.constant 0 : i32
    %sign3A_21 = arith.cmpi sgt, %jit3A, %sign3A_20 : i32
    %sign3A_22 = arith.extui %sign3A_21 : i1 to i32
    %sign3A_23 = arith.constant 0 : i32
    %sign3A_24 = arith.cmpi slt, %jit3A, %sign3A_23 : i32
    %sign3A_25 = arith.extui %sign3A_24 : i1 to i32
    %sign3A_26 = arith.subi %sign3A_22, %sign3A_25 : i32
    %ne3A = arith.cmpi ne, %sign3A_19, %sign3A_26 : i32
    %rem3A = arith.remsi %reduce_sum3A_13, %jit3A : i32
    %ne3A_27 = arith.constant 0 : i32
    %ne3A_28 = arith.cmpi ne, %rem3A, %ne3A_27 : i32
    %and3A = arith.andi %ne3A, %ne3A_28 : i1
    %sub3A = arith.constant 1 : i32
    %sub3A_29 = arith.subi %div3A, %sub3A : i32
    %select_n3A = arith.select %and3A, %sub3A_29, %div3A : i32
    %iota3A = tpu.iota {dimensions = array<i32: 0>} : vector<16xi32>
    %jit3A_30 = arith.constant 128 : i32
    %div3A_31 = arith.divsi %select_n3A, %jit3A_30 : i32
    %sign3A_32 = arith.constant 0 : i32
    %sign3A_33 = arith.cmpi sgt, %select_n3A, %sign3A_32 : i32
    %sign3A_34 = arith.extui %sign3A_33 : i1 to i32
    %sign3A_35 = arith.constant 0 : i32
    %sign3A_36 = arith.cmpi slt, %select_n3A, %sign3A_35 : i32
    %sign3A_37 = arith.extui %sign3A_36 : i1 to i32
    %sign3A_38 = arith.subi %sign3A_34, %sign3A_37 : i32
    %sign3A_39 = arith.constant 0 : i32
    %sign3A_40 = arith.cmpi sgt, %jit3A_30, %sign3A_39 : i32
    %sign3A_41 = arith.extui %sign3A_40 : i1 to i32
    %sign3A_42 = arith.constant 0 : i32
    %sign3A_43 = arith.cmpi slt, %jit3A_30, %sign3A_42 : i32
    %sign3A_44 = arith.extui %sign3A_43 : i1 to i32
    %sign3A_45 = arith.subi %sign3A_41, %sign3A_44 : i32
    %ne3A_46 = arith.cmpi ne, %sign3A_38, %sign3A_45 : i32
    %rem3A_47 = arith.remsi %select_n3A, %jit3A_30 : i32
    %ne3A_48 = arith.constant 0 : i32
    %ne3A_49 = arith.cmpi ne, %rem3A_47, %ne3A_48 : i32
    %and3A_50 = arith.andi %ne3A_46, %ne3A_49 : i1
    %sub3A_51 = arith.constant 1 : i32
    %sub3A_52 = arith.subi %div3A_31, %sub3A_51 : i32
    %select_n3A_53 = arith.select %and3A_50, %sub3A_52, %div3A_31 : i32
    %while3A = arith.constant 0 : i32
    %while3A_54 = arith.constant 0 : i32
    %while3A_55 = arith.subi %select_n3A_53, %while3A : i32
    %while3A_56 = arith.addi %while3A, %while3A_55 : i32
    %while3A_57 = arith.constant 1 : i32
    %while3A_58 = arith.divsi %while3A_55, %while3A_57 : i32
    %while3A_59 = arith.muli %while3A_58, %while3A_57 : i32
    %while3A_60 = arith.addi %while3A, %while3A_59 : i32
    %while3A_61 = arith.constant 1 : i32
    %while3A_62 = scf.for %while3A_74 = %while3A to %while3A_60 step %while3A_61 iter_args(%while3A_75 = %while3A_54) -> (i32)  : i32 {
      %mul3A_76 = arith.constant 327696 : i32
      %mul3A_77 = arith.muli %add3A, %mul3A_76 : i32
      %mul3A_78 = arith.constant 128 : i32
      %mul3A_79 = arith.muli %while3A_74, %mul3A_78 : i32
      %add3A_80 = arith.addi %mul3A_77, %mul3A_79 : i32
      "tpu.region"() ({
        %run_scoped3A = tpu.sem_alloc : memref<!tpu.dma_semaphore, #tpu.memory_space<semaphore_mem>>
        %dma_start3A_98 = tpu.memref_slice %arg3[%add3A_80] : memref<10486272xi32, #tpu.memory_space<hbm>> -> memref<128xi32, #tpu.memory_space<hbm>>
        %dma_start3A_99 = tpu.memref_slice %arg3[%add3A_80] : memref<10486272xi32, #tpu.memory_space<hbm>> -> memref<128xi32, #tpu.memory_space<hbm>>
        tpu.enqueue_dma source(%dma_start3A_99 : memref<128xi32, #tpu.memory_space<hbm>>) target(%arg7 : memref<128xi32, #tpu.memory_space<vmem>>) target_semaphore(%run_scoped3A : memref<!tpu.dma_semaphore, #tpu.memory_space<semaphore_mem>>)
        %dma_wait3A_100 = tpu.memref_slice %arg3[%add3A_80] : memref<10486272xi32, #tpu.memory_space<hbm>> -> memref<128xi32, #tpu.memory_space<hbm>>
        %dma_wait3A_101 = tpu.memref_slice %arg3[%add3A_80] : memref<10486272xi32, #tpu.memory_space<hbm>> -> memref<128xi32, #tpu.memory_space<hbm>>
        tpu.wait_dma2 semaphore(%run_scoped3A : memref<!tpu.dma_semaphore, #tpu.memory_space<semaphore_mem>>) src(%dma_wait3A_101 : memref<128xi32, #tpu.memory_space<hbm>>) dst(%arg7 : memref<128xi32, #tpu.memory_space<vmem>>)
        tpu.yield
      }) : () -> ()
      %mul3A_81 = arith.constant 327696 : i32
      %mul3A_82 = arith.muli %add3A, %mul3A_81 : i32
      %mul3A_83 = arith.constant 128 : i32
      %mul3A_84 = arith.muli %while3A_74, %mul3A_83 : i32
      %add3A_85 = arith.addi %mul3A_82, %mul3A_84 : i32
      "tpu.region"() ({
        %run_scoped3A = tpu.sem_alloc : memref<!tpu.dma_semaphore, #tpu.memory_space<semaphore_mem>>
        %dma_start3A_98 = tpu.memref_slice %arg4[%add3A_85] : memref<10486272xi32, #tpu.memory_space<hbm>> -> memref<128xi32, #tpu.memory_space<hbm>>
        %dma_start3A_99 = tpu.memref_slice %arg4[%add3A_85] : memref<10486272xi32, #tpu.memory_space<hbm>> -> memref<128xi32, #tpu.memory_space<hbm>>
        tpu.enqueue_dma source(%dma_start3A_99 : memref<128xi32, #tpu.memory_space<hbm>>) target(%arg8 : memref<128xi32, #tpu.memory_space<vmem>>) target_semaphore(%run_scoped3A : memref<!tpu.dma_semaphore, #tpu.memory_space<semaphore_mem>>)
        %dma_wait3A_100 = tpu.memref_slice %arg4[%add3A_85] : memref<10486272xi32, #tpu.memory_space<hbm>> -> memref<128xi32, #tpu.memory_space<hbm>>
        %dma_wait3A_101 = tpu.memref_slice %arg4[%add3A_85] : memref<10486272xi32, #tpu.memory_space<hbm>> -> memref<128xi32, #tpu.memory_space<hbm>>
        tpu.wait_dma2 semaphore(%run_scoped3A : memref<!tpu.dma_semaphore, #tpu.memory_space<semaphore_mem>>) src(%dma_wait3A_101 : memref<128xi32, #tpu.memory_space<hbm>>) dst(%arg8 : memref<128xi32, #tpu.memory_space<vmem>>)
        tpu.yield
      }) : () -> ()
      %dma_start3A = arith.constant 0 : i32
      %dma_start3A_86 = arith.constant 0 : i32
      %dma_start3A_87 = tpu.memref_slice %arg2[%dma_start3A, %dma_start3A_86] : memref<10240x128xf32, #tpu.memory_space<hbm>> -> memref<10240x128xf32, #tpu.memory_space<hbm>>
      tpu.enqueue_indirect_dma source(%dma_start3A_87 : memref<10240x128xf32, #tpu.memory_space<hbm>>) target(%arg9 : memref<128x128xf32, #tpu.memory_space<vmem>>) offsets(%arg7 : memref<128xi32, #tpu.memory_space<vmem>>) semaphore(%arg12 : memref<!tpu.dma_semaphore, #tpu.memory_space<semaphore_mem>>)
      %dma_wait3A = arith.constant 0 : i32
      %dma_wait3A_88 = arith.constant 0 : i32
      %dma_wait3A_89 = tpu.memref_slice %arg2[%dma_wait3A, %dma_wait3A_88] : memref<10240x128xf32, #tpu.memory_space<hbm>> -> memref<10240x128xf32, #tpu.memory_space<hbm>>
      tpu.wait_indirect_dma semaphore(%arg12 : memref<!tpu.dma_semaphore, #tpu.memory_space<semaphore_mem>>) src(%dma_wait3A_89 : memref<10240x128xf32, #tpu.memory_space<hbm>>) dst(%arg9 : memref<128x128xf32, #tpu.memory_space<vmem>>)
      %scan3A_90 = arith.constant 0 : i32
      %scan3A_91 = arith.constant 0 : i32
      %scan3A_92 = arith.constant 128 : i32
      %scan3A_93 = arith.addi %scan3A_91, %scan3A_92 : i32
      %scan3A_94 = arith.constant 1 : i32
      %scan3A_95 = scf.for %scan3A_98 = %scan3A_91 to %scan3A_93 step %scan3A_94 iter_args(%scan3A_99 = %scan3A_90) -> (i32)  : i32 {
        %broadcast_in_dim3A_100 = vector.broadcast %scan3A_98 : i32 to vector<16xi32>
        %gather3A = tpu.vector_load_idx %arg8[%broadcast_in_dim3A_100] : memref<128xi32, #tpu.memory_space<vmem>>[vector<16xi32>], vector<16xi32>,
        %mul3A_101 = arith.constant 128 : i32
        %mul3A_102 = vector.broadcast %mul3A_101 : i32 to vector<16xi32>
        %mul3A_103 = arith.muli %gather3A, %mul3A_102 : vector<16xi32>
        %add3A_104 = arith.addi %mul3A_103, %iota3A : vector<16xi32>
        %get3A_105 = arith.index_cast %scan3A_98 : i32 to index
        %get3A_106 = arith.constant 0 : index
        %get3A_107 = tpu.vector_load %arg9[%get3A_105, %get3A_106] {strides = array<i32>} : memref<128x128xf32, #tpu.memory_space<vmem>>, vector<16xf32>,
        %add3A_108 = arith.constant 0 : i32
        %add3A_109 = vector.broadcast %add3A_108 : i32 to vector<16xi32>
        %add3A_110 = arith.addi %add3A_104, %add3A_109 : vector<16xi32>
        tpu.vector_store_idx %arg10[%add3A_110], %get3A_107 {add = true} : memref<40960xf32, #tpu.memory_space<vmem>>[vector<16xi32>], vector<16xf32>,
        %get3A_111 = arith.index_cast %scan3A_98 : i32 to index
        %get3A_112 = arith.constant 16 : index
        %get3A_113 = tpu.vector_load %arg9[%get3A_111, %get3A_112] {strides = array<i32>} : memref<128x128xf32, #tpu.memory_space<vmem>>, vector<16xf32>,
        %add3A_114 = arith.constant 16 : i32
        %add3A_115 = vector.broadcast %add3A_114 : i32 to vector<16xi32>
        %add3A_116 = arith.addi %add3A_104, %add3A_115 : vector<16xi32>
        tpu.vector_store_idx %arg10[%add3A_116], %get3A_113 {add = true} : memref<40960xf32, #tpu.memory_space<vmem>>[vector<16xi32>], vector<16xf32>,
        %get3A_117 = arith.index_cast %scan3A_98 : i32 to index
        %get3A_118 = arith.constant 32 : index
        %get3A_119 = tpu.vector_load %arg9[%get3A_117, %get3A_118] {strides = array<i32>} : memref<128x128xf32, #tpu.memory_space<vmem>>, vector<16xf32>,
        %add3A_120 = arith.constant 32 : i32
        %add3A_121 = vector.broadcast %add3A_120 : i32 to vector<16xi32>
        %add3A_122 = arith.addi %add3A_104, %add3A_121 : vector<16xi32>
        tpu.vector_store_idx %arg10[%add3A_122], %get3A_119 {add = true} : memref<40960xf32, #tpu.memory_space<vmem>>[vector<16xi32>], vector<16xf32>,
        %get3A_123 = arith.index_cast %scan3A_98 : i32 to index
        %get3A_124 = arith.constant 48 : index
        %get3A_125 = tpu.vector_load %arg9[%get3A_123, %get3A_124] {strides = array<i32>} : memref<128x128xf32, #tpu.memory_space<vmem>>, vector<16xf32>,
        %add3A_126 = arith.constant 48 : i32
        %add3A_127 = vector.broadcast %add3A_126 : i32 to vector<16xi32>
        %add3A_128 = arith.addi %add3A_104, %add3A_127 : vector<16xi32>
        tpu.vector_store_idx %arg10[%add3A_128], %get3A_125 {add = true} : memref<40960xf32, #tpu.memory_space<vmem>>[vector<16xi32>], vector<16xf32>,
        %get3A_129 = arith.index_cast %scan3A_98 : i32 to index
        %get3A_130 = arith.constant 64 : index
        %get3A_131 = tpu.vector_load %arg9[%get3A_129, %get3A_130] {strides = array<i32>} : memref<128x128xf32, #tpu.memory_space<vmem>>, vector<16xf32>,
        %add3A_132 = arith.constant 64 : i32
        %add3A_133 = vector.broadcast %add3A_132 : i32 to vector<16xi32>
        %add3A_134 = arith.addi %add3A_104, %add3A_133 : vector<16xi32>
        tpu.vector_store_idx %arg10[%add3A_134], %get3A_131 {add = true} : memref<40960xf32, #tpu.memory_space<vmem>>[vector<16xi32>], vector<16xf32>,
        %get3A_135 = arith.index_cast %scan3A_98 : i32 to index
        %get3A_136 = arith.constant 80 : index
        %get3A_137 = tpu.vector_load %arg9[%get3A_135, %get3A_136] {strides = array<i32>} : memref<128x128xf32, #tpu.memory_space<vmem>>, vector<16xf32>,
        %add3A_138 = arith.constant 80 : i32
        %add3A_139 = vector.broadcast %add3A_138 : i32 to vector<16xi32>
        %add3A_140 = arith.addi %add3A_104, %add3A_139 : vector<16xi32>
        tpu.vector_store_idx %arg10[%add3A_140], %get3A_137 {add = true} : memref<40960xf32, #tpu.memory_space<vmem>>[vector<16xi32>], vector<16xf32>,
        %get3A_141 = arith.index_cast %scan3A_98 : i32 to index
        %get3A_142 = arith.constant 96 : index
        %get3A_143 = tpu.vector_load %arg9[%get3A_141, %get3A_142] {strides = array<i32>} : memref<128x128xf32, #tpu.memory_space<vmem>>, vector<16xf32>,
        %add3A_144 = arith.constant 96 : i32
        %add3A_145 = vector.broadcast %add3A_144 : i32 to vector<16xi32>
        %add3A_146 = arith.addi %add3A_104, %add3A_145 : vector<16xi32>
        tpu.vector_store_idx %arg10[%add3A_146], %get3A_143 {add = true} : memref<40960xf32, #tpu.memory_space<vmem>>[vector<16xi32>], vector<16xf32>,
        %get3A_147 = arith.index_cast %scan3A_98 : i32 to index
        %get3A_148 = arith.constant 112 : index
        %get3A_149 = tpu.vector_load %arg9[%get3A_147, %get3A_148] {strides = array<i32>} : memref<128x128xf32, #tpu.memory_space<vmem>>, vector<16xf32>,
        %add3A_150 = arith.constant 112 : i32
        %add3A_151 = vector.broadcast %add3A_150 : i32 to vector<16xi32>
        %add3A_152 = arith.addi %add3A_104, %add3A_151 : vector<16xi32>
        tpu.vector_store_idx %arg10[%add3A_152], %get3A_149 {add = true} : memref<40960xf32, #tpu.memory_space<vmem>>[vector<16xi32>], vector<16xf32>,
        %scan3A_153 = arith.constant 0 : i32
        scf.yield %scan3A_153 : i32
      }
      %scan3A_96 = arith.constant 128 : i32
      %while3A_97 = arith.constant 0 : i32
      scf.yield %while3A_97 : i32
    }
    %while3A_63 = arith.constant 1 : i32
    %while3A_64 = scf.for %while3A_74 = %while3A_60 to %while3A_56 step %while3A_63 iter_args(%while3A_75 = %while3A_62) -> (i32)  : i32 {
      %mul3A_76 = arith.constant 327696 : i32
      %mul3A_77 = arith.muli %add3A, %mul3A_76 : i32
      %mul3A_78 = arith.constant 128 : i32
      %mul3A_79 = arith.muli %while3A_74, %mul3A_78 : i32
      %add3A_80 = arith.addi %mul3A_77, %mul3A_79 : i32
      "tpu.region"() ({
        %run_scoped3A = tpu.sem_alloc : memref<!tpu.dma_semaphore, #tpu.memory_space<semaphore_mem>>
        %dma_start3A_98 = tpu.memref_slice %arg3[%add3A_80] : memref<10486272xi32, #tpu.memory_space<hbm>> -> memref<128xi32, #tpu.memory_space<hbm>>
        %dma_start3A_99 = tpu.memref_slice %arg3[%add3A_80] : memref<10486272xi32, #tpu.memory_space<hbm>> -> memref<128xi32, #tpu.memory_space<hbm>>
        tpu.enqueue_dma source(%dma_start3A_99 : memref<128xi32, #tpu.memory_space<hbm>>) target(%arg7 : memref<128xi32, #tpu.memory_space<vmem>>) target_semaphore(%run_scoped3A : memref<!tpu.dma_semaphore, #tpu.memory_space<semaphore_mem>>)
        %dma_wait3A_100 = tpu.memref_slice %arg3[%add3A_80] : memref<10486272xi32, #tpu.memory_space<hbm>> -> memref<128xi32, #tpu.memory_space<hbm>>
        %dma_wait3A_101 = tpu.memref_slice %arg3[%add3A_80] : memref<10486272xi32, #tpu.memory_space<hbm>> -> memref<128xi32, #tpu.memory_space<hbm>>
        tpu.wait_dma2 semaphore(%run_scoped3A : memref<!tpu.dma_semaphore, #tpu.memory_space<semaphore_mem>>) src(%dma_wait3A_101 : memref<128xi32, #tpu.memory_space<hbm>>) dst(%arg7 : memref<128xi32, #tpu.memory_space<vmem>>)
        tpu.yield
      }) : () -> ()
      %mul3A_81 = arith.constant 327696 : i32
      %mul3A_82 = arith.muli %add3A, %mul3A_81 : i32
      %mul3A_83 = arith.constant 128 : i32
      %mul3A_84 = arith.muli %while3A_74, %mul3A_83 : i32
      %add3A_85 = arith.addi %mul3A_82, %mul3A_84 : i32
      "tpu.region"() ({
        %run_scoped3A = tpu.sem_alloc : memref<!tpu.dma_semaphore, #tpu.memory_space<semaphore_mem>>
        %dma_start3A_98 = tpu.memref_slice %arg4[%add3A_85] : memref<10486272xi32, #tpu.memory_space<hbm>> -> memref<128xi32, #tpu.memory_space<hbm>>
        %dma_start3A_99 = tpu.memref_slice %arg4[%add3A_85] : memref<10486272xi32, #tpu.memory_space<hbm>> -> memref<128xi32, #tpu.memory_space<hbm>>
        tpu.enqueue_dma source(%dma_start3A_99 : memref<128xi32, #tpu.memory_space<hbm>>) target(%arg8 : memref<128xi32, #tpu.memory_space<vmem>>) target_semaphore(%run_scoped3A : memref<!tpu.dma_semaphore, #tpu.memory_space<semaphore_mem>>)
        %dma_wait3A_100 = tpu.memref_slice %arg4[%add3A_85] : memref<10486272xi32, #tpu.memory_space<hbm>> -> memref<128xi32, #tpu.memory_space<hbm>>
        %dma_wait3A_101 = tpu.memref_slice %arg4[%add3A_85] : memref<10486272xi32, #tpu.memory_space<hbm>> -> memref<128xi32, #tpu.memory_space<hbm>>
        tpu.wait_dma2 semaphore(%run_scoped3A : memref<!tpu.dma_semaphore, #tpu.memory_space<semaphore_mem>>) src(%dma_wait3A_101 : memref<128xi32, #tpu.memory_space<hbm>>) dst(%arg8 : memref<128xi32, #tpu.memory_space<vmem>>)
        tpu.yield
      }) : () -> ()
      %dma_start3A = arith.constant 0 : i32
      %dma_start3A_86 = arith.constant 0 : i32
      %dma_start3A_87 = tpu.memref_slice %arg2[%dma_start3A, %dma_start3A_86] : memref<10240x128xf32, #tpu.memory_space<hbm>> -> memref<10240x128xf32, #tpu.memory_space<hbm>>
      tpu.enqueue_indirect_dma source(%dma_start3A_87 : memref<10240x128xf32, #tpu.memory_space<hbm>>) target(%arg9 : memref<128x128xf32, #tpu.memory_space<vmem>>) offsets(%arg7 : memref<128xi32, #tpu.memory_space<vmem>>) semaphore(%arg12 : memref<!tpu.dma_semaphore, #tpu.memory_space<semaphore_mem>>)
      %dma_wait3A = arith.constant 0 : i32
      %dma_wait3A_88 = arith.constant 0 : i32
      %dma_wait3A_89 = tpu.memref_slice %arg2[%dma_wait3A, %dma_wait3A_88] : memref<10240x128xf32, #tpu.memory_space<hbm>> -> memref<10240x128xf32, #tpu.memory_space<hbm>>
      tpu.wait_indirect_dma semaphore(%arg12 : memref<!tpu.dma_semaphore, #tpu.memory_space<semaphore_mem>>) src(%dma_wait3A_89 : memref<10240x128xf32, #tpu.memory_space<hbm>>) dst(%arg9 : memref<128x128xf32, #tpu.memory_space<vmem>>)
      %scan3A_90 = arith.constant 0 : i32
      %scan3A_91 = arith.constant 0 : i32
      %scan3A_92 = arith.constant 128 : i32
      %scan3A_93 = arith.addi %scan3A_91, %scan3A_92 : i32
      %scan3A_94 = arith.constant 1 : i32
      %scan3A_95 = scf.for %scan3A_98 = %scan3A_91 to %scan3A_93 step %scan3A_94 iter_args(%scan3A_99 = %scan3A_90) -> (i32)  : i32 {
        %broadcast_in_dim3A_100 = vector.broadcast %scan3A_98 : i32 to vector<16xi32>
        %gather3A = tpu.vector_load_idx %arg8[%broadcast_in_dim3A_100] : memref<128xi32, #tpu.memory_space<vmem>>[vector<16xi32>], vector<16xi32>,
        %mul3A_101 = arith.constant 128 : i32
        %mul3A_102 = vector.broadcast %mul3A_101 : i32 to vector<16xi32>
        %mul3A_103 = arith.muli %gather3A, %mul3A_102 : vector<16xi32>
        %add3A_104 = arith.addi %mul3A_103, %iota3A : vector<16xi32>
        %get3A_105 = arith.index_cast %scan3A_98 : i32 to index
        %get3A_106 = arith.constant 0 : index
        %get3A_107 = tpu.vector_load %arg9[%get3A_105, %get3A_106] {strides = array<i32>} : memref<128x128xf32, #tpu.memory_space<vmem>>, vector<16xf32>,
        %add3A_108 = arith.constant 0 : i32
        %add3A_109 = vector.broadcast %add3A_108 : i32 to vector<16xi32>
        %add3A_110 = arith.addi %add3A_104, %add3A_109 : vector<16xi32>
        tpu.vector_store_idx %arg10[%add3A_110], %get3A_107 {add = true} : memref<40960xf32, #tpu.memory_space<vmem>>[vector<16xi32>], vector<16xf32>,
        %get3A_111 = arith.index_cast %scan3A_98 : i32 to index
        %get3A_112 = arith.constant 16 : index
        %get3A_113 = tpu.vector_load %arg9[%get3A_111, %get3A_112] {strides = array<i32>} : memref<128x128xf32, #tpu.memory_space<vmem>>, vector<16xf32>,
        %add3A_114 = arith.constant 16 : i32
        %add3A_115 = vector.broadcast %add3A_114 : i32 to vector<16xi32>
        %add3A_116 = arith.addi %add3A_104, %add3A_115 : vector<16xi32>
        tpu.vector_store_idx %arg10[%add3A_116], %get3A_113 {add = true} : memref<40960xf32, #tpu.memory_space<vmem>>[vector<16xi32>], vector<16xf32>,
        %get3A_117 = arith.index_cast %scan3A_98 : i32 to index
        %get3A_118 = arith.constant 32 : index
        %get3A_119 = tpu.vector_load %arg9[%get3A_117, %get3A_118] {strides = array<i32>} : memref<128x128xf32, #tpu.memory_space<vmem>>, vector<16xf32>,
        %add3A_120 = arith.constant 32 : i32
        %add3A_121 = vector.broadcast %add3A_120 : i32 to vector<16xi32>
        %add3A_122 = arith.addi %add3A_104, %add3A_121 : vector<16xi32>
        tpu.vector_store_idx %arg10[%add3A_122], %get3A_119 {add = true} : memref<40960xf32, #tpu.memory_space<vmem>>[vector<16xi32>], vector<16xf32>,
        %get3A_123 = arith.index_cast %scan3A_98 : i32 to index
        %get3A_124 = arith.constant 48 : index
        %get3A_125 = tpu.vector_load %arg9[%get3A_123, %get3A_124] {strides = array<i32>} : memref<128x128xf32, #tpu.memory_space<vmem>>, vector<16xf32>,
        %add3A_126 = arith.constant 48 : i32
        %add3A_127 = vector.broadcast %add3A_126 : i32 to vector<16xi32>
        %add3A_128 = arith.addi %add3A_104, %add3A_127 : vector<16xi32>
        tpu.vector_store_idx %arg10[%add3A_128], %get3A_125 {add = true} : memref<40960xf32, #tpu.memory_space<vmem>>[vector<16xi32>], vector<16xf32>,
        %get3A_129 = arith.index_cast %scan3A_98 : i32 to index
        %get3A_130 = arith.constant 64 : index
        %get3A_131 = tpu.vector_load %arg9[%get3A_129, %get3A_130] {strides = array<i32>} : memref<128x128xf32, #tpu.memory_space<vmem>>, vector<16xf32>,
        %add3A_132 = arith.constant 64 : i32
        %add3A_133 = vector.broadcast %add3A_132 : i32 to vector<16xi32>
        %add3A_134 = arith.addi %add3A_104, %add3A_133 : vector<16xi32>
        tpu.vector_store_idx %arg10[%add3A_134], %get3A_131 {add = true} : memref<40960xf32, #tpu.memory_space<vmem>>[vector<16xi32>], vector<16xf32>,
        %get3A_135 = arith.index_cast %scan3A_98 : i32 to index
        %get3A_136 = arith.constant 80 : index
        %get3A_137 = tpu.vector_load %arg9[%get3A_135, %get3A_136] {strides = array<i32>} : memref<128x128xf32, #tpu.memory_space<vmem>>, vector<16xf32>,
        %add3A_138 = arith.constant 80 : i32
        %add3A_139 = vector.broadcast %add3A_138 : i32 to vector<16xi32>
        %add3A_140 = arith.addi %add3A_104, %add3A_139 : vector<16xi32>
        tpu.vector_store_idx %arg10[%add3A_140], %get3A_137 {add = true} : memref<40960xf32, #tpu.memory_space<vmem>>[vector<16xi32>], vector<16xf32>,
        %get3A_141 = arith.index_cast %scan3A_98 : i32 to index
        %get3A_142 = arith.constant 96 : index
        %get3A_143 = tpu.vector_load %arg9[%get3A_141, %get3A_142] {strides = array<i32>} : memref<128x128xf32, #tpu.memory_space<vmem>>, vector<16xf32>,
        %add3A_144 = arith.constant 96 : i32
        %add3A_145 = vector.broadcast %add3A_144 : i32 to vector<16xi32>
        %add3A_146 = arith.addi %add3A_104, %add3A_145 : vector<16xi32>
        tpu.vector_store_idx %arg10[%add3A_146], %get3A_143 {add = true} : memref<40960xf32, #tpu.memory_space<vmem>>[vector<16xi32>], vector<16xf32>,
        %get3A_147 = arith.index_cast %scan3A_98 : i32 to index
        %get3A_148 = arith.constant 112 : index
        %get3A_149 = tpu.vector_load %arg9[%get3A_147, %get3A_148] {strides = array<i32>} : memref<128x128xf32, #tpu.memory_space<vmem>>, vector<16xf32>,
        %add3A_150 = arith.constant 112 : i32
        %add3A_151 = vector.broadcast %add3A_150 : i32 to vector<16xi32>
        %add3A_152 = arith.addi %add3A_104, %add3A_151 : vector<16xi32>
        tpu.vector_store_idx %arg10[%add3A_152], %get3A_149 {add = true} : memref<40960xf32, #tpu.memory_space<vmem>>[vector<16xi32>], vector<16xf32>,
        %scan3A_153 = arith.constant 0 : i32
        scf.yield %scan3A_153 : i32
      }
      %scan3A_96 = arith.constant 128 : i32
      %while3A_97 = arith.constant 0 : i32
      scf.yield %while3A_97 : i32
    }
    %mul3A_65 = arith.constant 128 : i32
    %mul3A_66 = arith.muli %select_n3A_53, %mul3A_65 : i32
    %sub3A_67 = arith.subi %select_n3A, %mul3A_66 : i32
    %gt3A = arith.constant 0 : i32
    %gt3A_68 = arith.cmpi sgt, %sub3A_67, %gt3A : i32
    %convert_element_type3A = arith.extui %gt3A_68 : i1 to i32
    %cond3A = arith.constant 0 : i32
    %cond3A_69 = arith.cmpi ne, %convert_element_type3A, %cond3A : i32
    scf.if %cond3A_69 {
      %mul3A_74 = arith.constant 327696 : i32
      %mul3A_75 = arith.muli %add3A, %mul3A_74 : i32
      %mul3A_76 = arith.constant 128 : i32
      %mul3A_77 = arith.muli %select_n3A_53, %mul3A_76 : i32
      %add3A_78 = arith.addi %mul3A_75, %mul3A_77 : i32
      "tpu.region"() ({
        %run_scoped3A = tpu.sem_alloc : memref<!tpu.dma_semaphore, #tpu.memory_space<semaphore_mem>>
        %dma_start3A_95 = tpu.memref_slice %arg3[%add3A_78] : memref<10486272xi32, #tpu.memory_space<hbm>> -> memref<128xi32, #tpu.memory_space<hbm>>
        %dma_start3A_96 = tpu.memref_slice %arg3[%add3A_78] : memref<10486272xi32, #tpu.memory_space<hbm>> -> memref<128xi32, #tpu.memory_space<hbm>>
        tpu.enqueue_dma source(%dma_start3A_96 : memref<128xi32, #tpu.memory_space<hbm>>) target(%arg7 : memref<128xi32, #tpu.memory_space<vmem>>) target_semaphore(%run_scoped3A : memref<!tpu.dma_semaphore, #tpu.memory_space<semaphore_mem>>)
        %dma_wait3A_97 = tpu.memref_slice %arg3[%add3A_78] : memref<10486272xi32, #tpu.memory_space<hbm>> -> memref<128xi32, #tpu.memory_space<hbm>>
        %dma_wait3A_98 = tpu.memref_slice %arg3[%add3A_78] : memref<10486272xi32, #tpu.memory_space<hbm>> -> memref<128xi32, #tpu.memory_space<hbm>>
        tpu.wait_dma2 semaphore(%run_scoped3A : memref<!tpu.dma_semaphore, #tpu.memory_space<semaphore_mem>>) src(%dma_wait3A_98 : memref<128xi32, #tpu.memory_space<hbm>>) dst(%arg7 : memref<128xi32, #tpu.memory_space<vmem>>)
        tpu.yield
      }) : () -> ()
      %mul3A_79 = arith.constant 327696 : i32
      %mul3A_80 = arith.muli %add3A, %mul3A_79 : i32
      %mul3A_81 = arith.constant 128 : i32
      %mul3A_82 = arith.muli %select_n3A_53, %mul3A_81 : i32
      %add3A_83 = arith.addi %mul3A_80, %mul3A_82 : i32
      "tpu.region"() ({
        %run_scoped3A = tpu.sem_alloc : memref<!tpu.dma_semaphore, #tpu.memory_space<semaphore_mem>>
        %dma_start3A_95 = tpu.memref_slice %arg4[%add3A_83] : memref<10486272xi32, #tpu.memory_space<hbm>> -> memref<128xi32, #tpu.memory_space<hbm>>
        %dma_start3A_96 = tpu.memref_slice %arg4[%add3A_83] : memref<10486272xi32, #tpu.memory_space<hbm>> -> memref<128xi32, #tpu.memory_space<hbm>>
        tpu.enqueue_dma source(%dma_start3A_96 : memref<128xi32, #tpu.memory_space<hbm>>) target(%arg8 : memref<128xi32, #tpu.memory_space<vmem>>) target_semaphore(%run_scoped3A : memref<!tpu.dma_semaphore, #tpu.memory_space<semaphore_mem>>)
        %dma_wait3A_97 = tpu.memref_slice %arg4[%add3A_83] : memref<10486272xi32, #tpu.memory_space<hbm>> -> memref<128xi32, #tpu.memory_space<hbm>>
        %dma_wait3A_98 = tpu.memref_slice %arg4[%add3A_83] : memref<10486272xi32, #tpu.memory_space<hbm>> -> memref<128xi32, #tpu.memory_space<hbm>>
        tpu.wait_dma2 semaphore(%run_scoped3A : memref<!tpu.dma_semaphore, #tpu.memory_space<semaphore_mem>>) src(%dma_wait3A_98 : memref<128xi32, #tpu.memory_space<hbm>>) dst(%arg8 : memref<128xi32, #tpu.memory_space<vmem>>)
        tpu.yield
      }) : () -> ()
      %dma_start3A = arith.constant 0 : i32
      %dma_start3A_84 = arith.constant 0 : i32
      %dma_start3A_85 = tpu.memref_slice %arg2[%dma_start3A, %dma_start3A_84] : memref<10240x128xf32, #tpu.memory_space<hbm>> -> memref<10240x128xf32, #tpu.memory_space<hbm>>
      tpu.enqueue_indirect_dma source(%dma_start3A_85 : memref<10240x128xf32, #tpu.memory_space<hbm>>) target(%arg9 : memref<128x128xf32, #tpu.memory_space<vmem>>) offsets(%arg7 : memref<128xi32, #tpu.memory_space<vmem>>) semaphore(%arg12 : memref<!tpu.dma_semaphore, #tpu.memory_space<semaphore_mem>>)
      %dma_wait3A = arith.constant 0 : i32
      %dma_wait3A_86 = arith.constant 0 : i32
      %dma_wait3A_87 = tpu.memref_slice %arg2[%dma_wait3A, %dma_wait3A_86] : memref<10240x128xf32, #tpu.memory_space<hbm>> -> memref<10240x128xf32, #tpu.memory_space<hbm>>
      tpu.wait_indirect_dma semaphore(%arg12 : memref<!tpu.dma_semaphore, #tpu.memory_space<semaphore_mem>>) src(%dma_wait3A_87 : memref<10240x128xf32, #tpu.memory_space<hbm>>) dst(%arg9 : memref<128x128xf32, #tpu.memory_space<vmem>>)
      %scan3A_88 = arith.constant 0 : i32
      %scan3A_89 = arith.constant 0 : i32
      %scan3A_90 = arith.constant 128 : i32
      %scan3A_91 = arith.addi %scan3A_89, %scan3A_90 : i32
      %scan3A_92 = arith.constant 1 : i32
      %scan3A_93 = scf.for %scan3A_95 = %scan3A_89 to %scan3A_91 step %scan3A_92 iter_args(%scan3A_96 = %scan3A_88) -> (i32)  : i32 {
        %lt3A = arith.cmpi slt, %scan3A_95, %sub3A_67 : i32
        %convert_element_type3A_97 = arith.extui %lt3A : i1 to i32
        %cond3A_98 = arith.constant 0 : i32
        %cond3A_99 = arith.cmpi ne, %convert_element_type3A_97, %cond3A_98 : i32
        scf.if %cond3A_99 {
          %broadcast_in_dim3A_101 = vector.broadcast %scan3A_95 : i32 to vector<16xi32>
          %gather3A = tpu.vector_load_idx %arg8[%broadcast_in_dim3A_101] : memref<128xi32, #tpu.memory_space<vmem>>[vector<16xi32>], vector<16xi32>,
          %mul3A_102 = arith.constant 128 : i32
          %mul3A_103 = vector.broadcast %mul3A_102 : i32 to vector<16xi32>
          %mul3A_104 = arith.muli %gather3A, %mul3A_103 : vector<16xi32>
          %add3A_105 = arith.addi %mul3A_104, %iota3A : vector<16xi32>
          %get3A_106 = arith.index_cast %scan3A_95 : i32 to index
          %get3A_107 = arith.constant 0 : index
          %get3A_108 = tpu.vector_load %arg9[%get3A_106, %get3A_107] {strides = array<i32>} : memref<128x128xf32, #tpu.memory_space<vmem>>, vector<16xf32>,
          %add3A_109 = arith.constant 0 : i32
          %add3A_110 = vector.broadcast %add3A_109 : i32 to vector<16xi32>
          %add3A_111 = arith.addi %add3A_105, %add3A_110 : vector<16xi32>
          tpu.vector_store_idx %arg10[%add3A_111], %get3A_108 {add = true} : memref<40960xf32, #tpu.memory_space<vmem>>[vector<16xi32>], vector<16xf32>,
          %get3A_112 = arith.index_cast %scan3A_95 : i32 to index
          %get3A_113 = arith.constant 16 : index
          %get3A_114 = tpu.vector_load %arg9[%get3A_112, %get3A_113] {strides = array<i32>} : memref<128x128xf32, #tpu.memory_space<vmem>>, vector<16xf32>,
          %add3A_115 = arith.constant 16 : i32
          %add3A_116 = vector.broadcast %add3A_115 : i32 to vector<16xi32>
          %add3A_117 = arith.addi %add3A_105, %add3A_116 : vector<16xi32>
          tpu.vector_store_idx %arg10[%add3A_117], %get3A_114 {add = true} : memref<40960xf32, #tpu.memory_space<vmem>>[vector<16xi32>], vector<16xf32>,
          %get3A_118 = arith.index_cast %scan3A_95 : i32 to index
          %get3A_119 = arith.constant 32 : index
          %get3A_120 = tpu.vector_load %arg9[%get3A_118, %get3A_119] {strides = array<i32>} : memref<128x128xf32, #tpu.memory_space<vmem>>, vector<16xf32>,
          %add3A_121 = arith.constant 32 : i32
          %add3A_122 = vector.broadcast %add3A_121 : i32 to vector<16xi32>
          %add3A_123 = arith.addi %add3A_105, %add3A_122 : vector<16xi32>
          tpu.vector_store_idx %arg10[%add3A_123], %get3A_120 {add = true} : memref<40960xf32, #tpu.memory_space<vmem>>[vector<16xi32>], vector<16xf32>,
          %get3A_124 = arith.index_cast %scan3A_95 : i32 to index
          %get3A_125 = arith.constant 48 : index
          %get3A_126 = tpu.vector_load %arg9[%get3A_124, %get3A_125] {strides = array<i32>} : memref<128x128xf32, #tpu.memory_space<vmem>>, vector<16xf32>,
          %add3A_127 = arith.constant 48 : i32
          %add3A_128 = vector.broadcast %add3A_127 : i32 to vector<16xi32>
          %add3A_129 = arith.addi %add3A_105, %add3A_128 : vector<16xi32>
          tpu.vector_store_idx %arg10[%add3A_129], %get3A_126 {add = true} : memref<40960xf32, #tpu.memory_space<vmem>>[vector<16xi32>], vector<16xf32>,
          %get3A_130 = arith.index_cast %scan3A_95 : i32 to index
          %get3A_131 = arith.constant 64 : index
          %get3A_132 = tpu.vector_load %arg9[%get3A_130, %get3A_131] {strides = array<i32>} : memref<128x128xf32, #tpu.memory_space<vmem>>, vector<16xf32>,
          %add3A_133 = arith.constant 64 : i32
          %add3A_134 = vector.broadcast %add3A_133 : i32 to vector<16xi32>
          %add3A_135 = arith.addi %add3A_105, %add3A_134 : vector<16xi32>
          tpu.vector_store_idx %arg10[%add3A_135], %get3A_132 {add = true} : memref<40960xf32, #tpu.memory_space<vmem>>[vector<16xi32>], vector<16xf32>,
          %get3A_136 = arith.index_cast %scan3A_95 : i32 to index
          %get3A_137 = arith.constant 80 : index
          %get3A_138 = tpu.vector_load %arg9[%get3A_136, %get3A_137] {strides = array<i32>} : memref<128x128xf32, #tpu.memory_space<vmem>>, vector<16xf32>,
          %add3A_139 = arith.constant 80 : i32
          %add3A_140 = vector.broadcast %add3A_139 : i32 to vector<16xi32>
          %add3A_141 = arith.addi %add3A_105, %add3A_140 : vector<16xi32>
          tpu.vector_store_idx %arg10[%add3A_141], %get3A_138 {add = true} : memref<40960xf32, #tpu.memory_space<vmem>>[vector<16xi32>], vector<16xf32>,
          %get3A_142 = arith.index_cast %scan3A_95 : i32 to index
          %get3A_143 = arith.constant 96 : index
          %get3A_144 = tpu.vector_load %arg9[%get3A_142, %get3A_143] {strides = array<i32>} : memref<128x128xf32, #tpu.memory_space<vmem>>, vector<16xf32>,
          %add3A_145 = arith.constant 96 : i32
          %add3A_146 = vector.broadcast %add3A_145 : i32 to vector<16xi32>
          %add3A_147 = arith.addi %add3A_105, %add3A_146 : vector<16xi32>
          tpu.vector_store_idx %arg10[%add3A_147], %get3A_144 {add = true} : memref<40960xf32, #tpu.memory_space<vmem>>[vector<16xi32>], vector<16xf32>,
          %get3A_148 = arith.index_cast %scan3A_95 : i32 to index
          %get3A_149 = arith.constant 112 : index
          %get3A_150 = tpu.vector_load %arg9[%get3A_148, %get3A_149] {strides = array<i32>} : memref<128x128xf32, #tpu.memory_space<vmem>>, vector<16xf32>,
          %add3A_151 = arith.constant 112 : i32
          %add3A_152 = vector.broadcast %add3A_151 : i32 to vector<16xi32>
          %add3A_153 = arith.addi %add3A_105, %add3A_152 : vector<16xi32>
          tpu.vector_store_idx %arg10[%add3A_153], %get3A_150 {add = true} : memref<40960xf32, #tpu.memory_space<vmem>>[vector<16xi32>], vector<16xf32>,
        } else {
        }
        %scan3A_100 = arith.constant 0 : i32
        scf.yield %scan3A_100 : i32
      }
      %scan3A_94 = arith.constant 128 : i32
    } else {
    }
    %mul3A_70 = arith.constant 320 : i32
    %mul3A_71 = arith.muli %add3A, %mul3A_70 : i32
    %mul3A_72 = arith.constant 128 : i32
    %mul3A_73 = arith.muli %mul3A_71, %mul3A_72 : i32
    "tpu.region"() ({
      %run_scoped3A = tpu.sem_alloc : memref<!tpu.dma_semaphore, #tpu.memory_space<semaphore_mem>>
      %dma_start3A = tpu.memref_slice %arg6[%mul3A_73] : memref<1310720xf32, #tpu.memory_space<hbm>> -> memref<40960xf32, #tpu.memory_space<hbm>>
      %dma_start3A_74 = tpu.memref_slice %arg6[%mul3A_73] : memref<1310720xf32, #tpu.memory_space<hbm>> -> memref<40960xf32, #tpu.memory_space<hbm>>
      tpu.enqueue_dma source(%arg10 : memref<40960xf32, #tpu.memory_space<vmem>>) target(%dma_start3A_74 : memref<40960xf32, #tpu.memory_space<hbm>>) target_semaphore(%run_scoped3A : memref<!tpu.dma_semaphore, #tpu.memory_space<semaphore_mem>>)
      %dma_wait3A = tpu.memref_slice %arg6[%mul3A_73] : memref<1310720xf32, #tpu.memory_space<hbm>> -> memref<40960xf32, #tpu.memory_space<hbm>>
      %dma_wait3A_75 = tpu.memref_slice %arg6[%mul3A_73] : memref<1310720xf32, #tpu.memory_space<hbm>> -> memref<40960xf32, #tpu.memory_space<hbm>>
      tpu.wait_dma2 semaphore(%run_scoped3A : memref<!tpu.dma_semaphore, #tpu.memory_space<semaphore_mem>>) src(%arg10 : memref<40960xf32, #tpu.memory_space<vmem>>) dst(%dma_wait3A_75 : memref<40960xf32, #tpu.memory_space<hbm>>)
      tpu.yield
    }) : () -> ()
    return
  }
}

#map = affine_map<(d0, d1) -> (0)>
module attributes {stable_mosaic.version = 14 : i64} {
  func.func @k(%arg0: i32, %arg1: i32, %arg2: memref<10486272xi32, #tpu.memory_space<hbm>>, %arg3: memref<512xi32, #tpu.memory_space<hbm>>, %arg4: memref<10240xf32, #tpu.memory_space<hbm>>, %arg5: memref<128xi32, #tpu.memory_space<vmem>>, %arg6: memref<336xf32, #tpu.memory_space<vmem>>, %arg7: memref<16xi32, #tpu.memory_space<vmem>>) attributes {dimension_semantics = [#tpu.dimension_semantics<core_parallel>, #tpu.dimension_semantics<subcore_parallel>], iteration_bounds = array<i64: 2, 16>, scalar_prefetch = 0 : i64, scratch_operands = 3 : i64, tpu.core_type = #tpu.core_type<sc_vector_subcore>, window_params = [{transform_indices = #map}, {transform_indices = #map}, {transform_indices = #map}]} {
    %mul3A = arith.constant 2 : i32
    %mul3A_0 = arith.muli %arg1, %mul3A : i32
    %add3A = arith.addi %mul3A_0, %arg0 : i32
    %broadcast_in_dim3A = arith.constant 0.000000e+00 : f32
    %broadcast_in_dim3A_1 = vector.broadcast %broadcast_in_dim3A : f32 to vector<16xf32>
    %scan3A = arith.constant 0 : i32
    %scan3A_2 = arith.constant 0 : i32
    %scan3A_3 = arith.constant 21 : i32
    %scan3A_4 = arith.addi %scan3A_2, %scan3A_3 : i32
    %scan3A_5 = arith.constant 1 : i32
    %scan3A_6 = scf.for %scan3A_54 = %scan3A_2 to %scan3A_4 step %scan3A_5 iter_args(%scan3A_55 = %scan3A) -> (i32)  : i32 {
      %mul3A_56 = arith.constant 16 : i32
      %mul3A_57 = arith.muli %scan3A_54, %mul3A_56 : i32
      %swap3A = arith.index_cast %mul3A_57 : i32 to index
      %swap3A_58 = tpu.vector_load %arg6[%swap3A] {strides = array<i32>} : memref<336xf32, #tpu.memory_space<vmem>>, vector<16xf32>,
      tpu.vector_store %arg6[%swap3A], %broadcast_in_dim3A_1 {strides = array<i32>} : memref<336xf32, #tpu.memory_space<vmem>>, vector<16xf32>,
      %scan3A_59 = arith.constant 0 : i32
      scf.yield %scan3A_59 : i32
    }
    %scan3A_7 = arith.constant 21 : i32
    %mul3A_8 = arith.constant 16 : i32
    %mul3A_9 = arith.muli %add3A, %mul3A_8 : i32
    "tpu.region"() ({
      %run_scoped3A = tpu.sem_alloc : memref<!tpu.dma_semaphore, #tpu.memory_space<semaphore_mem>>
      %dma_start3A = tpu.memref_slice %arg3[%mul3A_9] : memref<512xi32, #tpu.memory_space<hbm>> -> memref<16xi32, #tpu.memory_space<hbm>>
      %dma_start3A_54 = tpu.memref_slice %arg3[%mul3A_9] : memref<512xi32, #tpu.memory_space<hbm>> -> memref<16xi32, #tpu.memory_space<hbm>>
      tpu.enqueue_dma source(%dma_start3A_54 : memref<16xi32, #tpu.memory_space<hbm>>) target(%arg7 : memref<16xi32, #tpu.memory_space<vmem>>) target_semaphore(%run_scoped3A : memref<!tpu.dma_semaphore, #tpu.memory_space<semaphore_mem>>)
      %dma_wait3A = tpu.memref_slice %arg3[%mul3A_9] : memref<512xi32, #tpu.memory_space<hbm>> -> memref<16xi32, #tpu.memory_space<hbm>>
      %dma_wait3A_55 = tpu.memref_slice %arg3[%mul3A_9] : memref<512xi32, #tpu.memory_space<hbm>> -> memref<16xi32, #tpu.memory_space<hbm>>
      tpu.wait_dma2 semaphore(%run_scoped3A : memref<!tpu.dma_semaphore, #tpu.memory_space<semaphore_mem>>) src(%dma_wait3A_55 : memref<16xi32, #tpu.memory_space<hbm>>) dst(%arg7 : memref<16xi32, #tpu.memory_space<vmem>>)
      tpu.yield
    }) : () -> ()
    %get3A = arith.constant 0 : index
    %get3A_10 = tpu.vector_load %arg7[%get3A] {strides = array<i32>} : memref<16xi32, #tpu.memory_space<vmem>>, vector<16xi32>,
    %reduce_sum3A = arith.constant true
    %reduce_sum3A_11 = vector.broadcast %reduce_sum3A : i1 to vector<16xi1>
    %reduce_sum3A_12 = tpu.scan <sum>, %get3A_10 masked %reduce_sum3A_11 : vector<16xi32>, vector<16xi1> -> vector<16xi32>
    %reduce_sum3A_13 = vector.extract %reduce_sum3A_12[15] : i32 from vector<16xi32>
    %jit3A = arith.constant 16 : i32
    %div3A = arith.divsi %reduce_sum3A_13, %jit3A : i32
    %sign3A = arith.constant 0 : i32
    %sign3A_14 = arith.cmpi sgt, %reduce_sum3A_13, %sign3A : i32
    %sign3A_15 = arith.extui %sign3A_14 : i1 to i32
    %sign3A_16 = arith.constant 0 : i32
    %sign3A_17 = arith.cmpi slt, %reduce_sum3A_13, %sign3A_16 : i32
    %sign3A_18 = arith.extui %sign3A_17 : i1 to i32
    %sign3A_19 = arith.subi %sign3A_15, %sign3A_18 : i32
    %sign3A_20 = arith.constant 0 : i32
    %sign3A_21 = arith.cmpi sgt, %jit3A, %sign3A_20 : i32
    %sign3A_22 = arith.extui %sign3A_21 : i1 to i32
    %sign3A_23 = arith.constant 0 : i32
    %sign3A_24 = arith.cmpi slt, %jit3A, %sign3A_23 : i32
    %sign3A_25 = arith.extui %sign3A_24 : i1 to i32
    %sign3A_26 = arith.subi %sign3A_22, %sign3A_25 : i32
    %ne3A = arith.cmpi ne, %sign3A_19, %sign3A_26 : i32
    %rem3A = arith.remsi %reduce_sum3A_13, %jit3A : i32
    %ne3A_27 = arith.constant 0 : i32
    %ne3A_28 = arith.cmpi ne, %rem3A, %ne3A_27 : i32
    %and3A = arith.andi %ne3A, %ne3A_28 : i1
    %sub3A = arith.constant 1 : i32
    %sub3A_29 = arith.subi %div3A, %sub3A : i32
    %select_n3A = arith.select %and3A, %sub3A_29, %div3A : i32
    %iota3A = tpu.iota {dimensions = array<i32: 0>} : vector<16xi32>
    %eq3A = arith.constant 0 : i32
    %eq3A_30 = vector.broadcast %eq3A : i32 to vector<16xi32>
    %eq3A_31 = arith.cmpi eq, %iota3A, %eq3A_30 : vector<16xi32>
    %jit3A_32 = arith.constant 1.000000e+00 : f32
    %jit3A_33 = arith.constant 0.000000e+00 : f32
    %broadcast_in_dim3A_34 = vector.broadcast %jit3A_32 : f32 to vector<16xf32>
    %broadcast_in_dim3A_35 = vector.broadcast %jit3A_33 : f32 to vector<16xf32>
    %select_n3A_36 = arith.select %eq3A_31, %broadcast_in_dim3A_34, %broadcast_in_dim3A_35 : vector<16xi1>, vector<16xf32>
    %add3A_37 = arith.constant 127 : i32
    %add3A_38 = arith.addi %select_n3A, %add3A_37 : i32
    %div3A_39 = arith.constant 128 : i32
    %div3A_40 = arith.divsi %add3A_38, %div3A_39 : i32
    %while3A = arith.constant 0 : i32
    %while3A_41 = arith.constant 0 : i32
    %while3A_42 = arith.subi %div3A_40, %while3A : i32
    %while3A_43 = arith.addi %while3A, %while3A_42 : i32
    %while3A_44 = arith.constant 1 : i32
    %while3A_45 = arith.divsi %while3A_42, %while3A_44 : i32
    %while3A_46 = arith.muli %while3A_45, %while3A_44 : i32
    %while3A_47 = arith.addi %while3A, %while3A_46 : i32
    %while3A_48 = arith.constant 1 : i32
    %while3A_49 = scf.for %while3A_54 = %while3A to %while3A_47 step %while3A_48 iter_args(%while3A_55 = %while3A_41) -> (i32)  : i32 {
      %mul3A_56 = arith.constant 327696 : i32
      %mul3A_57 = arith.muli %add3A, %mul3A_56 : i32
      %mul3A_58 = arith.constant 128 : i32
      %mul3A_59 = arith.muli %while3A_54, %mul3A_58 : i32
      %add3A_60 = arith.addi %mul3A_57, %mul3A_59 : i32
      "tpu.region"() ({
        %run_scoped3A = tpu.sem_alloc : memref<!tpu.dma_semaphore, #tpu.memory_space<semaphore_mem>>
        %dma_start3A = tpu.memref_slice %arg2[%add3A_60] : memref<10486272xi32, #tpu.memory_space<hbm>> -> memref<128xi32, #tpu.memory_space<hbm>>
        %dma_start3A_72 = tpu.memref_slice %arg2[%add3A_60] : memref<10486272xi32, #tpu.memory_space<hbm>> -> memref<128xi32, #tpu.memory_space<hbm>>
        tpu.enqueue_dma source(%dma_start3A_72 : memref<128xi32, #tpu.memory_space<hbm>>) target(%arg5 : memref<128xi32, #tpu.memory_space<vmem>>) target_semaphore(%run_scoped3A : memref<!tpu.dma_semaphore, #tpu.memory_space<semaphore_mem>>)
        %dma_wait3A = tpu.memref_slice %arg2[%add3A_60] : memref<10486272xi32, #tpu.memory_space<hbm>> -> memref<128xi32, #tpu.memory_space<hbm>>
        %dma_wait3A_73 = tpu.memref_slice %arg2[%add3A_60] : memref<10486272xi32, #tpu.memory_space<hbm>> -> memref<128xi32, #tpu.memory_space<hbm>>
        tpu.wait_dma2 semaphore(%run_scoped3A : memref<!tpu.dma_semaphore, #tpu.memory_space<semaphore_mem>>) src(%dma_wait3A_73 : memref<128xi32, #tpu.memory_space<hbm>>) dst(%arg5 : memref<128xi32, #tpu.memory_space<vmem>>)
        tpu.yield
      }) : () -> ()
      %mul3A_61 = arith.constant 128 : i32
      %mul3A_62 = arith.muli %while3A_54, %mul3A_61 : i32
      %sub3A_63 = arith.subi %select_n3A, %mul3A_62 : i32
      %scan3A_64 = arith.constant 0 : i32
      %scan3A_65 = arith.constant 0 : i32
      %scan3A_66 = arith.constant 128 : i32
      %scan3A_67 = arith.addi %scan3A_65, %scan3A_66 : i32
      %scan3A_68 = arith.constant 1 : i32
      %scan3A_69 = scf.for %scan3A_72 = %scan3A_65 to %scan3A_67 step %scan3A_68 iter_args(%scan3A_73 = %scan3A_64) -> (i32)  : i32 {
        %lt3A = arith.cmpi slt, %scan3A_72, %sub3A_63 : i32
        %convert_element_type3A = arith.extui %lt3A : i1 to i32
        %cond3A = arith.constant 0 : i32
        %cond3A_74 = arith.cmpi ne, %convert_element_type3A, %cond3A : i32
        scf.if %cond3A_74 {
          %broadcast_in_dim3A_76 = vector.broadcast %scan3A_72 : i32 to vector<16xi32>
          %gather3A = tpu.vector_load_idx %arg5[%broadcast_in_dim3A_76] : memref<128xi32, #tpu.memory_space<vmem>>[vector<16xi32>], vector<16xi32>,
          %jit3A_77 = arith.constant 320 : i32
          %broadcast_in_dim3A_78 = vector.broadcast %jit3A_77 : i32 to vector<16xi32>
          %select_n3A_79 = arith.select %eq3A_31, %gather3A, %broadcast_in_dim3A_78 : vector<16xi1>, vector<16xi32>
          tpu.vector_store_idx %arg6[%select_n3A_79], %select_n3A_36 {add = true} : memref<336xf32, #tpu.memory_space<vmem>>[vector<16xi32>], vector<16xf32>,
        } else {
        }
        %scan3A_75 = arith.constant 0 : i32
        scf.yield %scan3A_75 : i32
      }
      %scan3A_70 = arith.constant 128 : i32
      %while3A_71 = arith.constant 0 : i32
      scf.yield %while3A_71 : i32
    }
    %while3A_50 = arith.constant 1 : i32
    %while3A_51 = scf.for %while3A_54 = %while3A_47 to %while3A_43 step %while3A_50 iter_args(%while3A_55 = %while3A_49) -> (i32)  : i32 {
      %mul3A_56 = arith.constant 327696 : i32
      %mul3A_57 = arith.muli %add3A, %mul3A_56 : i32
      %mul3A_58 = arith.constant 128 : i32
      %mul3A_59 = arith.muli %while3A_54, %mul3A_58 : i32
      %add3A_60 = arith.addi %mul3A_57, %mul3A_59 : i32
      "tpu.region"() ({
        %run_scoped3A = tpu.sem_alloc : memref<!tpu.dma_semaphore, #tpu.memory_space<semaphore_mem>>
        %dma_start3A = tpu.memref_slice %arg2[%add3A_60] : memref<10486272xi32, #tpu.memory_space<hbm>> -> memref<128xi32, #tpu.memory_space<hbm>>
        %dma_start3A_72 = tpu.memref_slice %arg2[%add3A_60] : memref<10486272xi32, #tpu.memory_space<hbm>> -> memref<128xi32, #tpu.memory_space<hbm>>
        tpu.enqueue_dma source(%dma_start3A_72 : memref<128xi32, #tpu.memory_space<hbm>>) target(%arg5 : memref<128xi32, #tpu.memory_space<vmem>>) target_semaphore(%run_scoped3A : memref<!tpu.dma_semaphore, #tpu.memory_space<semaphore_mem>>)
        %dma_wait3A = tpu.memref_slice %arg2[%add3A_60] : memref<10486272xi32, #tpu.memory_space<hbm>> -> memref<128xi32, #tpu.memory_space<hbm>>
        %dma_wait3A_73 = tpu.memref_slice %arg2[%add3A_60] : memref<10486272xi32, #tpu.memory_space<hbm>> -> memref<128xi32, #tpu.memory_space<hbm>>
        tpu.wait_dma2 semaphore(%run_scoped3A : memref<!tpu.dma_semaphore, #tpu.memory_space<semaphore_mem>>) src(%dma_wait3A_73 : memref<128xi32, #tpu.memory_space<hbm>>) dst(%arg5 : memref<128xi32, #tpu.memory_space<vmem>>)
        tpu.yield
      }) : () -> ()
      %mul3A_61 = arith.constant 128 : i32
      %mul3A_62 = arith.muli %while3A_54, %mul3A_61 : i32
      %sub3A_63 = arith.subi %select_n3A, %mul3A_62 : i32
      %scan3A_64 = arith.constant 0 : i32
      %scan3A_65 = arith.constant 0 : i32
      %scan3A_66 = arith.constant 128 : i32
      %scan3A_67 = arith.addi %scan3A_65, %scan3A_66 : i32
      %scan3A_68 = arith.constant 1 : i32
      %scan3A_69 = scf.for %scan3A_72 = %scan3A_65 to %scan3A_67 step %scan3A_68 iter_args(%scan3A_73 = %scan3A_64) -> (i32)  : i32 {
        %lt3A = arith.cmpi slt, %scan3A_72, %sub3A_63 : i32
        %convert_element_type3A = arith.extui %lt3A : i1 to i32
        %cond3A = arith.constant 0 : i32
        %cond3A_74 = arith.cmpi ne, %convert_element_type3A, %cond3A : i32
        scf.if %cond3A_74 {
          %broadcast_in_dim3A_76 = vector.broadcast %scan3A_72 : i32 to vector<16xi32>
          %gather3A = tpu.vector_load_idx %arg5[%broadcast_in_dim3A_76] : memref<128xi32, #tpu.memory_space<vmem>>[vector<16xi32>], vector<16xi32>,
          %jit3A_77 = arith.constant 320 : i32
          %broadcast_in_dim3A_78 = vector.broadcast %jit3A_77 : i32 to vector<16xi32>
          %select_n3A_79 = arith.select %eq3A_31, %gather3A, %broadcast_in_dim3A_78 : vector<16xi1>, vector<16xi32>
          tpu.vector_store_idx %arg6[%select_n3A_79], %select_n3A_36 {add = true} : memref<336xf32, #tpu.memory_space<vmem>>[vector<16xi32>], vector<16xf32>,
        } else {
        }
        %scan3A_75 = arith.constant 0 : i32
        scf.yield %scan3A_75 : i32
      }
      %scan3A_70 = arith.constant 128 : i32
      %while3A_71 = arith.constant 0 : i32
      scf.yield %while3A_71 : i32
    }
    %mul3A_52 = arith.constant 320 : i32
    %mul3A_53 = arith.muli %add3A, %mul3A_52 : i32
    "tpu.region"() ({
      %run_scoped3A = tpu.sem_alloc : memref<!tpu.dma_semaphore, #tpu.memory_space<semaphore_mem>>
      %dma_start3A = arith.constant 0 : i32
      %dma_start3A_54 = tpu.memref_slice %arg6[%dma_start3A] : memref<336xf32, #tpu.memory_space<vmem>> -> memref<320xf32, #tpu.memory_space<vmem>>
      %dma_start3A_55 = tpu.memref_slice %arg4[%mul3A_53] : memref<10240xf32, #tpu.memory_space<hbm>> -> memref<320xf32, #tpu.memory_space<hbm>>
      %dma_start3A_56 = tpu.memref_slice %arg4[%mul3A_53] : memref<10240xf32, #tpu.memory_space<hbm>> -> memref<320xf32, #tpu.memory_space<hbm>>
      %dma_start3A_57 = arith.constant 0 : i32
      %dma_start3A_58 = tpu.memref_slice %arg6[%dma_start3A_57] : memref<336xf32, #tpu.memory_space<vmem>> -> memref<320xf32, #tpu.memory_space<vmem>>
      tpu.enqueue_dma source(%dma_start3A_58 : memref<320xf32, #tpu.memory_space<vmem>>) target(%dma_start3A_56 : memref<320xf32, #tpu.memory_space<hbm>>) target_semaphore(%run_scoped3A : memref<!tpu.dma_semaphore, #tpu.memory_space<semaphore_mem>>)
      %dma_wait3A = arith.constant 0 : i32
      %dma_wait3A_59 = tpu.memref_slice %arg6[%dma_wait3A] : memref<336xf32, #tpu.memory_space<vmem>> -> memref<320xf32, #tpu.memory_space<vmem>>
      %dma_wait3A_60 = tpu.memref_slice %arg4[%mul3A_53] : memref<10240xf32, #tpu.memory_space<hbm>> -> memref<320xf32, #tpu.memory_space<hbm>>
      %dma_wait3A_61 = tpu.memref_slice %arg4[%mul3A_53] : memref<10240xf32, #tpu.memory_space<hbm>> -> memref<320xf32, #tpu.memory_space<hbm>>
      %dma_wait3A_62 = arith.constant 0 : i32
      %dma_wait3A_63 = tpu.memref_slice %arg6[%dma_wait3A_62] : memref<336xf32, #tpu.memory_space<vmem>> -> memref<320xf32, #tpu.memory_space<vmem>>
      tpu.wait_dma2 semaphore(%run_scoped3A : memref<!tpu.dma_semaphore, #tpu.memory_space<semaphore_mem>>) src(%dma_wait3A_63 : memref<320xf32, #tpu.memory_space<vmem>>) dst(%dma_wait3A_61 : memref<320xf32, #tpu.memory_space<hbm>>)
      tpu.yield
    }) : () -> ()
    return
  }
}

module attributes {stable_mosaic.version = 14 : i64} {
  func.func @body(%arg0: i32, %arg1: memref<400x128xf32, #tpu.memory_space<vmem>>, %arg2: memref<128x128xf32, #tpu.memory_space<vmem>>, %arg3: memref<400x8xf32, #tpu.memory_space<vmem>>, %arg4: memref<400x128xf32, #tpu.memory_space<vmem>>) attributes {dimension_semantics = [#tpu.dimension_semantics<arbitrary>], iteration_bounds = array<i64: 25>, scalar_prefetch = 0 : i64, scratch_operands = 0 : i64, tpu.core_type = #tpu.core_type<tc>, window_params = [{transform_indices = @transform_0, window_bounds = array<i64: 400, 128>}, {pipeline_mode = #tpu.pipeline_mode<synchronous>, transform_indices = @transform_1, window_bounds = array<i64: 128, 128>}, {transform_indices = @transform_2, window_bounds = array<i64: 400, 8>}, {transform_indices = @transform_3, window_bounds = array<i64: 400, 128>}]} {
    %get3A = arith.constant 0 : index
    %get3A_0 = arith.constant 0 : index
    %get3A_1 = vector.load %arg1[%get3A, %get3A_0] : memref<400x128xf32, #tpu.memory_space<vmem>>, vector<400x128xf32>
    %get3A_2 = arith.constant 0 : index
    %get3A_3 = arith.constant 0 : index
    %get3A_4 = vector.load %arg2[%get3A_2, %get3A_3] : memref<128x128xf32, #tpu.memory_space<vmem>>, vector<128x128xf32>
    %dot_general3A = arith.constant dense<0.000000e+00> : vector<400x128xf32>
    %dot_general3A_5 = tpu.matmul %get3A_1, %get3A_4, %dot_general3A {dimension_numbers = #tpu.dot_dimension_numbers<[1], [0], [0], [1], [0, 0, 1, 1], [], []>, transpose_lhs_hint = false} : vector<400x128xf32>, vector<128x128xf32>, vector<400x128xf32> -> vector<400x128xf32>
    %get3A_6 = arith.constant 0 : index
    %get3A_7 = arith.constant 0 : index
    %get3A_8 = vector.load %arg3[%get3A_6, %get3A_7] : memref<400x8xf32, #tpu.memory_space<vmem>>, vector<400x1xf32>
    %add3A = arith.constant 1.000000e+00 : f32
    %add3A_9 = vector.broadcast %add3A : f32 to vector<400x1xf32>
    %add3A_10 = arith.addf %get3A_8, %add3A_9 : vector<400x1xf32>
    %rsqrt3A = math.rsqrt %add3A_10 : vector<400x1xf32>
    %mul3A = vector.broadcast %rsqrt3A : vector<400x1xf32> to vector<400x128xf32>
    %mul3A_11 = arith.mulf %dot_general3A_5, %mul3A : vector<400x128xf32>
    %swap3A = arith.constant 0 : index
    %swap3A_12 = arith.constant 0 : index
    %swap3A_13 = vector.load %arg4[%swap3A, %swap3A_12] : memref<400x128xf32, #tpu.memory_space<vmem>>, vector<400x128xf32>
    tpu.vector_store %arg4[%swap3A, %swap3A_12], %mul3A_11 {strides = array<i32>} : memref<400x128xf32, #tpu.memory_space<vmem>>, vector<400x128xf32>,
    return
  }
  func.func @transform_0(%arg0: i32) -> (i32, i32) {
    %c0_i32 = arith.constant 0 : i32
    %c0_i32_0 = arith.constant 0 : i32
    return %arg0, %c0_i32 : i32, i32
  }
  func.func @transform_1(%arg0: i32) -> (i32, i32) {
    %c0_i32 = arith.constant 0 : i32
    %c0_i32_0 = arith.constant 0 : i32
    %c0_i32_1 = arith.constant 0 : i32
    return %c0_i32, %c0_i32_0 : i32, i32
  }
  func.func @transform_2(%arg0: i32) -> (i32, i32) {
    %c0_i32 = arith.constant 0 : i32
    %c0_i32_0 = arith.constant 0 : i32
    return %arg0, %c0_i32 : i32, i32
  }
  func.func @transform_3(%arg0: i32) -> (i32, i32) {
    %c0_i32 = arith.constant 0 : i32
    %c0_i32_0 = arith.constant 0 : i32
    return %arg0, %c0_i32 : i32, i32
  }
}

module attributes {stable_mosaic.version = 14 : i64} {
  func.func @body(%arg0: i32, %arg1: memref<400x128xf32, #tpu.memory_space<vmem>>, %arg2: memref<400x128xf32, #tpu.memory_space<vmem>>, %arg3: memref<400x8xf32, #tpu.memory_space<vmem>>, %arg4: memref<1x128xf32, #tpu.memory_space<vmem>>, %arg5: memref<400x128xf32, #tpu.memory_space<vmem>>) attributes {dimension_semantics = [#tpu.dimension_semantics<arbitrary>], iteration_bounds = array<i64: 25>, scalar_prefetch = 0 : i64, scratch_operands = 0 : i64, tpu.core_type = #tpu.core_type<tc>, window_params = [{transform_indices = @transform_0, window_bounds = array<i64: 400, 128>}, {transform_indices = @transform_1, window_bounds = array<i64: 400, 128>}, {transform_indices = @transform_2, window_bounds = array<i64: 400, 8>}, {pipeline_mode = #tpu.pipeline_mode<synchronous>, transform_indices = @transform_3, window_bounds = array<i64: 1, 128>}, {transform_indices = @transform_4, window_bounds = array<i64: 400, 128>}]} {
    %get3A = arith.constant 0 : index
    %get3A_0 = arith.constant 0 : index
    %get3A_1 = vector.load %arg1[%get3A, %get3A_0] : memref<400x128xf32, #tpu.memory_space<vmem>>, vector<400x128xf32>
    %get3A_2 = arith.constant 0 : index
    %get3A_3 = arith.constant 0 : index
    %get3A_4 = vector.load %arg2[%get3A_2, %get3A_3] : memref<400x128xf32, #tpu.memory_space<vmem>>, vector<400x128xf32>
    %add3A = arith.addf %get3A_1, %get3A_4 : vector<400x128xf32>
    %get3A_5 = arith.constant 0 : index
    %get3A_6 = arith.constant 0 : index
    %get3A_7 = vector.load %arg3[%get3A_5, %get3A_6] : memref<400x8xf32, #tpu.memory_space<vmem>>, vector<400x1xf32>
    %add3A_8 = arith.constant 1.000000e+00 : f32
    %add3A_9 = vector.broadcast %add3A_8 : f32 to vector<400x1xf32>
    %add3A_10 = arith.addf %get3A_7, %add3A_9 : vector<400x1xf32>
    %rsqrt3A = math.rsqrt %add3A_10 : vector<400x1xf32>
    %mul3A = vector.broadcast %rsqrt3A : vector<400x1xf32> to vector<400x128xf32>
    %mul3A_11 = arith.mulf %add3A, %mul3A : vector<400x128xf32>
    %get3A_12 = arith.constant 0 : index
    %get3A_13 = arith.constant 0 : index
    %get3A_14 = vector.load %arg4[%get3A_12, %get3A_13] : memref<1x128xf32, #tpu.memory_space<vmem>>, vector<1x128xf32>
    %add3A_15 = vector.broadcast %get3A_14 : vector<1x128xf32> to vector<400x128xf32>
    %add3A_16 = arith.addf %mul3A_11, %add3A_15 : vector<400x128xf32>
    %swap3A = arith.constant 0 : index
    %swap3A_17 = arith.constant 0 : index
    %swap3A_18 = vector.load %arg5[%swap3A, %swap3A_17] : memref<400x128xf32, #tpu.memory_space<vmem>>, vector<400x128xf32>
    tpu.vector_store %arg5[%swap3A, %swap3A_17], %add3A_16 {strides = array<i32>} : memref<400x128xf32, #tpu.memory_space<vmem>>, vector<400x128xf32>,
    return
  }
  func.func @transform_0(%arg0: i32) -> (i32, i32) {
    %c0_i32 = arith.constant 0 : i32
    %c0_i32_0 = arith.constant 0 : i32
    return %arg0, %c0_i32 : i32, i32
  }
  func.func @transform_1(%arg0: i32) -> (i32, i32) {
    %c0_i32 = arith.constant 0 : i32
    %c0_i32_0 = arith.constant 0 : i32
    return %arg0, %c0_i32 : i32, i32
  }
  func.func @transform_2(%arg0: i32) -> (i32, i32) {
    %c0_i32 = arith.constant 0 : i32
    %c0_i32_0 = arith.constant 0 : i32
    return %arg0, %c0_i32 : i32, i32
  }
  func.func @transform_3(%arg0: i32) -> (i32, i32) {
    %c0_i32 = arith.constant 0 : i32
    %c0_i32_0 = arith.constant 0 : i32
    %c0_i32_1 = arith.constant 0 : i32
    return %c0_i32, %c0_i32_0 : i32, i32
  }
  func.func @transform_4(%arg0: i32) -> (i32, i32) {
    %c0_i32 = arith.constant 0 : i32
    %c0_i32_0 = arith.constant 0 : i32
    return %arg0, %c0_i32 : i32, i32
  }
}

module attributes {stable_mosaic.version = 14 : i64} {
  func.func @body(%arg0: i32, %arg1: memref<400x128xf32, #tpu.memory_space<vmem>>, %arg2: memref<400x128xf32, #tpu.memory_space<vmem>>, %arg3: memref<400x8xf32, #tpu.memory_space<vmem>>, %arg4: memref<128x128xf32, #tpu.memory_space<vmem>>, %arg5: memref<1x128xf32, #tpu.memory_space<vmem>>, %arg6: memref<400x128xf32, #tpu.memory_space<vmem>>) attributes {dimension_semantics = [#tpu.dimension_semantics<arbitrary>], iteration_bounds = array<i64: 25>, scalar_prefetch = 0 : i64, scratch_operands = 0 : i64, tpu.core_type = #tpu.core_type<tc>, window_params = [{transform_indices = @transform_0, window_bounds = array<i64: 400, 128>}, {transform_indices = @transform_1, window_bounds = array<i64: 400, 128>}, {transform_indices = @transform_2, window_bounds = array<i64: 400, 8>}, {pipeline_mode = #tpu.pipeline_mode<synchronous>, transform_indices = @transform_3, window_bounds = array<i64: 128, 128>}, {pipeline_mode = #tpu.pipeline_mode<synchronous>, transform_indices = @transform_4, window_bounds = array<i64: 1, 128>}, {transform_indices = @transform_5, window_bounds = array<i64: 400, 128>}]} {
    %get3A = arith.constant 0 : index
    %get3A_0 = arith.constant 0 : index
    %get3A_1 = vector.load %arg3[%get3A, %get3A_0] : memref<400x8xf32, #tpu.memory_space<vmem>>, vector<400x1xf32>
    %add3A = arith.constant 1.000000e+00 : f32
    %add3A_2 = vector.broadcast %add3A : f32 to vector<400x1xf32>
    %add3A_3 = arith.addf %get3A_1, %add3A_2 : vector<400x1xf32>
    %rsqrt3A = math.rsqrt %add3A_3 : vector<400x1xf32>
    %get3A_4 = arith.constant 0 : index
    %get3A_5 = arith.constant 0 : index
    %get3A_6 = vector.load %arg1[%get3A_4, %get3A_5] : memref<400x128xf32, #tpu.memory_space<vmem>>, vector<400x128xf32>
    %get3A_7 = arith.constant 0 : index
    %get3A_8 = arith.constant 0 : index
    %get3A_9 = vector.load %arg2[%get3A_7, %get3A_8] : memref<400x128xf32, #tpu.memory_space<vmem>>, vector<400x128xf32>
    %add3A_10 = arith.addf %get3A_6, %get3A_9 : vector<400x128xf32>
    %mul3A = vector.broadcast %rsqrt3A : vector<400x1xf32> to vector<400x128xf32>
    %mul3A_11 = arith.mulf %add3A_10, %mul3A : vector<400x128xf32>
    %get3A_12 = arith.constant 0 : index
    %get3A_13 = arith.constant 0 : index
    %get3A_14 = vector.load %arg5[%get3A_12, %get3A_13] : memref<1x128xf32, #tpu.memory_space<vmem>>, vector<1x128xf32>
    %add3A_15 = vector.broadcast %get3A_14 : vector<1x128xf32> to vector<400x128xf32>
    %add3A_16 = arith.addf %mul3A_11, %add3A_15 : vector<400x128xf32>
    %max3A = arith.constant 0.000000e+00 : f32
    %max3A_17 = vector.broadcast %max3A : f32 to vector<400x128xf32>
    %max3A_18 = arith.maximumf %add3A_16, %max3A_17 : vector<400x128xf32>
    %get3A_19 = arith.constant 0 : index
    %get3A_20 = arith.constant 0 : index
    %get3A_21 = vector.load %arg4[%get3A_19, %get3A_20] : memref<128x128xf32, #tpu.memory_space<vmem>>, vector<128x128xf32>
    %dot_general3A = arith.constant dense<0.000000e+00> : vector<400x128xf32>
    %dot_general3A_22 = tpu.matmul %max3A_18, %get3A_21, %dot_general3A {dimension_numbers = #tpu.dot_dimension_numbers<[1], [0], [0], [1], [0, 0, 1, 1], [], []>, transpose_lhs_hint = false} : vector<400x128xf32>, vector<128x128xf32>, vector<400x128xf32> -> vector<400x128xf32>
    %mul3A_23 = vector.broadcast %rsqrt3A : vector<400x1xf32> to vector<400x128xf32>
    %mul3A_24 = arith.mulf %dot_general3A_22, %mul3A_23 : vector<400x128xf32>
    %swap3A = arith.constant 0 : index
    %swap3A_25 = arith.constant 0 : index
    %swap3A_26 = vector.load %arg6[%swap3A, %swap3A_25] : memref<400x128xf32, #tpu.memory_space<vmem>>, vector<400x128xf32>
    tpu.vector_store %arg6[%swap3A, %swap3A_25], %mul3A_24 {strides = array<i32>} : memref<400x128xf32, #tpu.memory_space<vmem>>, vector<400x128xf32>,
    return
  }
  func.func @transform_0(%arg0: i32) -> (i32, i32) {
    %c0_i32 = arith.constant 0 : i32
    %c0_i32_0 = arith.constant 0 : i32
    return %arg0, %c0_i32 : i32, i32
  }
  func.func @transform_1(%arg0: i32) -> (i32, i32) {
    %c0_i32 = arith.constant 0 : i32
    %c0_i32_0 = arith.constant 0 : i32
    return %arg0, %c0_i32 : i32, i32
  }
  func.func @transform_2(%arg0: i32) -> (i32, i32) {
    %c0_i32 = arith.constant 0 : i32
    %c0_i32_0 = arith.constant 0 : i32
    return %arg0, %c0_i32 : i32, i32
  }
  func.func @transform_3(%arg0: i32) -> (i32, i32) {
    %c0_i32 = arith.constant 0 : i32
    %c0_i32_0 = arith.constant 0 : i32
    %c0_i32_1 = arith.constant 0 : i32
    return %c0_i32, %c0_i32_0 : i32, i32
  }
  func.func @transform_4(%arg0: i32) -> (i32, i32) {
    %c0_i32 = arith.constant 0 : i32
    %c0_i32_0 = arith.constant 0 : i32
    %c0_i32_1 = arith.constant 0 : i32
    return %c0_i32, %c0_i32_0 : i32, i32
  }
  func.func @transform_5(%arg0: i32) -> (i32, i32) {
    %c0_i32 = arith.constant 0 : i32
    %c0_i32_0 = arith.constant 0 : i32
    return %arg0, %c0_i32 : i32, i32
  }
}

</mosaic_0001>

<sc_bundles>
// kernel: _run.12.cloned.1.call-start
scs
__scs_entry_jumppad:
0x0: {  	(pc) =	sbr.rel $0x88, $3  }
0x1: {  	(tag) =	ssettag $0x0;
	lr =	simm.s32 $0x1  }
0x2: {  	[smem:$0x3F9B] =	sst lr;
	_ =	strace $0xD0000000  }
0x3: {  	_ = 	snop  }
0x4: {  	_ = 	snop  }
0x5: {  	_ = 	snop  }
0x6: {  	_ = 	snop  }
0x7: {  	_ = 	snop  }
__scs_overlays_trampoline_lowered:
0x8: {  	[smem:$0x3FAA] =	sst s0  }
0x9: {  	[smem:$0x3FAB] =	sst s1  }
0xa: {  	[smem:$0x3FAC] =	sst s2  }
0xb: {  	[smem:$0x3FAD] =	sst s3  }
0xc: {  	[smem:$0x3FAE] =	sst s4  }
0xd: {  	[smem:$0x3FAF] =	sst s5  }
0xe: {  	[smem:$0x3FB0] =	sst s6  }
0xf: {  	[smem:$0x3FB1] =	sst s7  }
0x10: {  	[smem:$0x3FB2] =	sst s8  }
0x11: {  	[smem:$0x3FB3] =	sst s9;
	s0 =	simm.s32 @!p0 $0x0  }
0x12: {  	s1 =	sld [smem:$0x3F99];
	s0 =	simm.s32 @p0 $0x1  }
0x13: {  	[smem:$0x3FB4] =	sst s0;
	s0 =	simm.s32 @!p1 $0x0  }
0x14: {  	s2 =	sld [smem:$0x3F98];
	s0 =	simm.s32 @p1 $0x1  }
0x15: {  	[smem:$0x3FB5] =	sst s0;
	s0 =	simm.s32 @!p2 $0x0  }
0x16: {  	s3 =	sld [smem:$0x3FDB];
	s0 =	simm.s32 @p2 $0x1  }
0x17: {  	s4 =	simm.s32 $0x1BF5;
	[smem:$0x3FB7] =	sst s0  }
0x18: {  	s0 =	sld [smem:$0x3F9A];
	_ =	swait.ge [sflag:s4], $0x0  }
0x19: {  	s7 =	sld [smem:$0x3F9B]  }
0x1a: {  	s8 =	sadd.s32 $0xFFFFE003, lr  }
0x1b: {  	s9 =	sadd.s32 $0xFFFFFEF7, lr;
	s5 =	simm.s32 $0xFFFFFFFF;
	p2 =	slt.u32 s8, $0xFFFFF086  }
0x1c: {  	p1 =	slt.u32 s9, $0xF7A;
	s5 =	simm.s32 @!p2 $0x0  }
0x1d: {  	s5 =	simm.s32 @p1 $0x1;
	p0 =	seq.s32 s7, s2  }
0x1e: {  	s7 =	smul.u32 @!p0 $0xF7A, s2;
	p2 =	seq.s32 @!p0 s5, $0x0  }
0x1f: {  	s9 =	smul.u32 $0xF7A, s1;
	s8 =	simm.s32 @!p0 $0x1BF5;
	p2 =	por !p2, p0  }
0x20: {  	[sflag:s8] =	ssyncset.s32 @!p0 $0xFFFFF086;
	s6 =	sadd.s32 @!p0 s3, s7;
	s7 =	simm.s32 @!p0 $0x108  }
0x21: {  	s3 =	sadd.s32 s3, s9;
	s6 =	sadd.s32 @!p0 $0x88, s6;
	s7 =	simm.s32 @p2 $0x1082  }
0x22: {  	[simem:s7], [sflag:s8] =	dma.local @!p0 [hbm:s6], $0xF7A  }
0x23: {  	s9 =	sor.u32 $0xD0000000, s2;
	s6 =	simm.s32 $0x108;
	_ =	swait.ge @!p0 [sflag:s8], $0x0  }
0x24: {  	s3 =	sadd.s32 $0x88, s3;
	s6 =	simm.s32 @!p1 $0x1082;
	[sflag:s4] =	ssyncset.s32 $0xFFFFF086  }
0x25: {  	[simem:s6], [sflag:s4] =	dma.local [hbm:s3], $0xF7A  }
0x26: {  	[smem:$0x3F9B] =	sst s1;
	(tag) =	ssettag s2;
	_ =	strace s9  }
0x27: {  	s1 =	sld [smem:$0x3FAB]  }
0x28: {  	s2 =	sld [smem:$0x3FAC]  }
0x29: {  	s4 =	sld [smem:$0x3FAE]  }
0x2a: {  	p0 =	seq.s32 s5, $0x0;
	s5 =	sld [smem:$0x3FAF]  }
0x2b: {  	s6 =	sld [smem:$0x3FB0]  }
0x2c: {  	s7 =	sld [smem:$0x3FB1]  }
0x2d: {  	s3 =	simm.s32 $0x108;
	s8 =	sld [smem:$0x3FB2]  }
0x2e: {  	s3 =	simm.s32 @!p0 $0x1082;
	s9 =	sld [smem:$0x3FB3]  }
0x2f: {  	lr =	sadd.s32 s0, s3;
	s0 =	sld [smem:$0x3FAA]  }
0x30: {  	s3 =	sld [smem:$0x3FAD]  }
0x31: {  	[smem:$0x3FB6] =	sst s10  }
0x32: {  	s10 =	sld [smem:$0x3FB4];
	_ =	sdelay $0x3  }
0x33: {  	p0 =	seq.s32 s10, $0x1;
	s10 =	sld [smem:$0x3FB6];
	_ =	sdelay $0x3  }
0x34: {  	[smem:$0x3FB6] =	sst s10  }
0x35: {  	s10 =	sld [smem:$0x3FB5];
	_ =	sdelay $0x3  }
0x36: {  	p1 =	seq.s32 s10, $0x1;
	s10 =	sld [smem:$0x3FB6];
	_ =	sdelay $0x3  }
0x37: {  	[smem:$0x3FB6] =	sst s10  }
0x38: {  	s10 =	sld [smem:$0x3FB7]  }
0x39: {  	_ = 	snop;
	(pc) =	sbr.ind lr, $3  }
0x3a: {  	_ = 	snop  }
0x3b: {  	_ = 	snop  }
0x3c: {  	p2 =	seq.s32 s10, $0x1;
	s10 =	sld [smem:$0x3FB6]  }
0x3d: {  	_ =	shalt  }
0x3e: {  	_ =	shalt  }
0x3f: {  	_ =	shalt  }
0x40: {  	_ =	shalt  }
0x41: {  	_ =	shalt  }
0x42: {  	_ =	shalt  }
0x43: {  	_ =	shalt  }
0x44: {  	_ =	shalt  }
0x45: {  	_ =	shalt  }
0x46: {  	_ =	shalt  }
0x47: {  	_ =	shalt  }
0x48: {  	_ =	shalt  }
0x49: {  	_ =	shalt  }
0x4a: {  	_ =	shalt  }
0x4b: {  	_ =	shalt  }
0x4c: {  	_ =	shalt  }
0x4d: {  	_ =	shalt  }
0x4e: {  	_ =	shalt  }
0x4f: {  	_ =	shalt  }
0x50: {  	_ =	shalt  }
0x51: {  	_ =	shalt  }
0x52: {  	_ =	shalt  }
0x53: {  	_ =	shalt  }
0x54: {  	_ =	shalt  }
0x55: {  	_ =	shalt  }
0x56: {  	_ =	shalt  }
0x57: {  	_ =	shalt  }
0x58: {  	_ =	shalt  }
0x59: {  	_ =	shalt  }
0x5a: {  	_ =	shalt  }
0x5b: {  	_ =	shalt  }
0x5c: {  	_ =	shalt  }
0x5d: {  	_ =	shalt  }
0x5e: {  	_ =	shalt  }
0x5f: {  	_ =	shalt  }
0x60: {  	_ =	shalt  }
0x61: {  	_ =	shalt  }
0x62: {  	_ =	shalt  }
0x63: {  	_ =	shalt  }
0x64: {  	_ =	shalt  }
0x65: {  	_ =	shalt  }
0x66: {  	_ =	shalt  }
0x67: {  	_ =	shalt  }
0x68: {  	_ =	shalt  }
0x69: {  	_ =	shalt  }
0x6a: {  	_ =	shalt  }
0x6b: {  	_ =	shalt  }
0x6c: {  	_ =	shalt  }
0x6d: {  	_ =	shalt  }
0x6e: {  	_ =	shalt  }
0x6f: {  	_ =	shalt  }
0x70: {  	_ =	shalt  }
0x71: {  	_ =	shalt  }
0x72: {  	_ =	shalt  }
0x73: {  	_ =	shalt  }
0x74: {  	_ =	shalt  }
0x75: {  	_ =	shalt  }
0x76: {  	_ =	shalt  }
0x77: {  	_ =	shalt  }
0x78: {  	_ =	shalt  }
0x79: {  	_ =	shalt  }
0x7a: {  	_ =	shalt  }
0x7b: {  	_ =	shalt  }
0x7c: {  	_ =	shalt  }
0x7d: {  	_ =	shalt  }
0x7e: {  	_ =	shalt  }
0x7f: {  	_ =	shalt  }
0x80: {  	_ =	shalt  }
0x81: {  	_ =	shalt  }
0x82: {  	_ =	shalt  }
0x83: {  	_ =	shalt  }
0x84: {  	_ =	shalt  }
0x85: {  	_ =	shalt  }
0x86: {  	_ =	shalt  }
0x87: {  	_ =	shalt  }
.Lfunc_end0:
.L_simem_size_0:
called_computation.1_lowered:
.L_overlay_start_0:
0x88: {  	s2 =	sld [smem:$0x3FD9]  }
0x89: {  	s3 =	sld [smem:$0x3FFE];
	_ =	sdelay $0x1  }
0x8a: {  	s1 =	srdreg.scid  }
0x8b: {  	s0 =	sand.u32 $0x1, s1  }
0x8c: {  	s17 =	sshll.u32 s0, $0xA;
	s2 =	sadd.s32 s3, s2  }
0x8d: {  	s2 =	sadd.s32 s2, s17  }
0x8e: {  	[smem:$0x3FC2] =	sst s2  }
0x8f: {  	_ = 	snop  }
0x90: {  	s2 =	sld [smem:$0x3FD0];
	(tm) =	ssettm $0x1  }
0x91: {  	s18 =	sld [smem:$0x3FFB];
	_ =	sdelay $0x3  }
0x92: {  	_ =	strace s18  }
0x93: {  	s3 =	sld [smem:$0x3FFC];
	_ =	sdelay $0x3  }
0x94: {  	_ =	strace s3  }
0x95: {  	s3 =	sld [smem:$0x3FFD];
	_ =	sdelay $0x3  }
0x96: {  	_ =	strace s3  }
0x97: {  	_ =	strace $0x8FFFFFFF  }
0x98: {  	s19 =	sld [smem:$0x3FDB];
	_ =	sdelay $0x1  }
0x99: {  	s4 =	simm.s32 $_scs_section_size  }
0x9a: {  	s5 =	simm.s32 $_size__tile_overlayer_lowered;
	s6 =	simm.s32 $_tile_overlayer_lowered  }
0x9b: {  	s22 =	simm.s32 $0x1BFF;
	s21 =	sshll.u32 s6, $0x1;
	s3 =	sadd.s32 s4, s19  }
0x9c: {  	s7 =	simm.s32 $0x0;
	s20 =	sshll.u32 s5, $0x1;
	s5 =	sadd.s32 s21, s3  }
0x9d: {  	[timem:s7], [sflag:s22] =	dma.local [hbm:s5], s20  }
0x9e: {  	_ =	swait.ge [sflag:s22], s20  }
0x9f: {  	s4 =	ssub.s32 $0x0, s20;
	[sflag:s22] =	ssyncset.done $0x0  }
0xa0: {  	[sflag:s22] =	ssyncadd.s32 s4;
	_ =	sdelay $0x1  }
0xa1: {  	s23 =	simm.s32 $0x1B8B  }
0xa2: {  	_ =	swait.ge [sflag:s23], $0x1  }
0xa3: {  	[sflag:s23] =	ssyncset.done $0x0  }
0xa4: {  	s25 =	simm.s32 $0x1B8E;
	s24 =	sld [smem:$0x3FFE];
	[sflag:s23] =	ssyncadd.s32 $0xFFFFFFFF  }
0xa5: {  	s26 =	simm.s32 $execute0_lowered;
	[smem:$0x3FD2] =	sst s25  }
0xa6: {  	s5 =	sshll.u32 s26, $0x1;
	_ =	strace $0x80000049;
	[dreg:$0x1] =	wrdreg $0xFFFFFFFF  }
0xa7: {  	s28 =	simm.s32 $_size_execute0_lowered;
	s3 =	sadd.s32 s3, s5;
	[dreg:$0x0] =	wrdreg $0x0  }
0xa8: {  	s5 =	sshll.u32 s28, $0x1;
	[dreg:$0x2] =	wrdreg s3  }
0xa9: {  	[dreg:$0x3] =	wrdreg s5  }
0xaa: {  	[dreg:$0x4] =	wrdreg $0xC0  }
0xab: {  	_ =	task [dreg:s7], $0x5FFFF  }
0xac: {  	[dreg:$0x1] =	wrdreg $0xFFFFFFFF  }
0xad: {  	[dreg:$0x0] =	wrdreg $0x60  }
0xae: {  	[dreg:$0x2] =	wrdreg s24  }
0xaf: {  	[dreg:$0x3] =	wrdreg s2  }
0xb0: {  	[dreg:$0x4] =	wrdreg $0x9  }
0xb1: {  	_ =	task.clear_ibuf [dreg:s7], $0x5FFFF;
	_ =	strace $0x90000049  }
0xb2: {  	s29 =	simm.s32 $0x9;
	_ =	strace $0x8000004B  }
0xb3: {  	_ =	swait.ge [sflag:s29], $0x1  }
0xb4: {  	[sflag:s29] =	ssyncadd.s32 $0xFFFFFFFF  }
0xb5: {  	_ =	strace $0x9000004B  }
0xb6: {  	_ =	sfence  }
0xb7: {  	s30 =	sld [smem:$0x0];
	_ =	sdelay $0x2  }
0xb8: {  	s31 =	sshll.u32 s1, $0xD;
	s1 =	sshrl.u32 s1, $0x2  }
0xb9: {  	s3 =	sand.u32 $0x4000, s31;
	s1 =	sadd.s32 s1, s30  }
0xba: {  	s0 =	sor.u32 s3, s0;
	s1 =	sshll.u32 s1, $0x11  }
0xbb: {  	s0 =	sor.u32 s1, s0  }
0xbc: {  	s0 =	sadd.s32 $0x8F2B, s0  }
0xbd: {  	[sflag:s0] =	ssyncadd.remote.s32 $0x1  }
0xbe: {  	_ =	sfence.sel $0xFFFF  }
0xbf: {  	[dreg:$0x0] =	wrdreg $0xFFFFFFFF;
	(pc) =	sbr.abs _section_cstart, $3  }
0xc0: {  	[dreg:$0x1] =	wrdreg $0xFFFFFFFF  }
0xc1: {  	_ =	task.clear_ibuf [dreg:s7], $0x2FFFF;
	_ =	strace $0x9FFFFFFF  }
0xc2: {  	(tm) =	ssettm $0x7FFFFFFF  }
0xc3: {  	_ =	shalt  }
tec
execute0_lowered:
.L_overlay_start_1:
0x0: {  	(tag) =	ssettag $0x1  }
0x1: {  	s4 =	rddreg [dreg:$0x0]  }
0x2: {  	s6 =	rddreg [dreg:$0x1]  }
0x3: {  	s0 =	rddreg [dreg:$0x2];
	s2 =	simm.s32 $0x0  }
0x4: {  	s3 =	srdreg.scid;
	s1 =	stileid.u32;
	s10 =	simm.s32 $0x80  }
0x5: {  	s11 =	simm.s32 $0x0;
	s14 =	simm.s32 $0x0;
	[smem:$0x7FF] =	sst s2  }
0x6: {  	s5 =	sand.u32 $0x1, s3;
	s30 =	sshll.u32 s1, $0x1;
	s3 =	sadd.s32 $0x14BC00, s4  }
.Ltmp0:
0x7: {  	s7 =	sor.u32 s5, s30;
	s5 =	ssub.s32 $0x2, s5;
	(pc) =	sbr.rel .LBB2_1-.Ltmp0, $4  }
0x8: {  	s8 =	sshll.u32 s7, $0x1;
	s31 =	sshrl.u32 s5, $0x1;
	s9 =	smul.u32 $0x28, s7  }
0x9: {  	_ =	strace $0x8000004A;
	s4 =	sadd.s32 s8, s4;
	s8 =	ssub.s32 s5, s31  }
0xa: {  	s5 =	smul.u32 $0x50010, s7;
	s4 =	sadd.s32 $0x28BE00, s4;
	s6 =	sadd.s32 s6, s9  }
0xb: {  	v0 =	vimm.f32 $0.0e+00;
	s7 =	smax.u32 s8, $0x1;
	s8 =	simm.s32 $0x200;
	s9 =	simm.s32 $0x1  }
.LBB2_6:
0xc: {  	s11 =	sadd.s32 $0x1, s11  }
0xd: {  	p0 =	sne.s32 s11, s7  }
.Ltmp1:
0xe: {  	_ = 	snop;
	(pc) =	sbr.rel @!p0 .LBB2_7-.Ltmp1, $4  }
0xf: {  	[hbm4b:s6+s2] =	stream.linear.scatter [tilespmem:s10], [sflag:$0x1], $0x140, $0x38;
	[tilespmem:$0x280] =	vst v63  }
0x10: {  	_ =	swait.ge [sflag:s9], $0x140  }
0x11: {  	[sflag:s9] =	ssyncset.done $0x0  }
0x12: {  	[sflag:s9] =	ssyncadd.s32 $0xFFFFFEC0  }
.LBB2_1:
0x13: {  	[tilespmem:$0x80] =	vst v0  }
0x14: {  	[tilespmem:$0x90] =	vst v0  }
0x15: {  	[tilespmem:$0xA0] =	vst v0  }
0x16: {  	[tilespmem:$0xB0] =	vst v0  }
0x17: {  	[tilespmem:$0xC0] =	vst v0  }
0x18: {  	[tilespmem:$0xD0] =	vst v0  }
0x19: {  	[tilespmem:$0xE0] =	vst v0  }
0x1a: {  	[tilespmem:$0xF0] =	vst v0  }
0x1b: {  	[tilespmem:$0x100] =	vst v0  }
0x1c: {  	[tilespmem:$0x110] =	vst v0  }
0x1d: {  	[tilespmem:$0x120] =	vst v0  }
0x1e: {  	[tilespmem:$0x130] =	vst v0  }
0x1f: {  	[tilespmem:$0x140] =	vst v0  }
0x20: {  	[tilespmem:$0x150] =	vst v0  }
0x21: {  	[tilespmem:$0x160] =	vst v0  }
0x22: {  	[tilespmem:$0x170] =	vst v0  }
0x23: {  	[tilespmem:$0x180] =	vst v0  }
0x24: {  	[tilespmem:$0x190] =	vst v0  }
0x25: {  	[tilespmem:$0x1A0] =	vst v0  }
0x26: {  	[tilespmem:$0x1B0] =	vst v0  }
0x27: {  	[tilespmem:$0x1C0] =	vst v0  }
0x28: {  	[tilespmem:s8], [sflag:$0x1] =	stream.linear.gather [hbm4b:s4+s2], $0x10, $0x38;
	[tilespmem:$0x280] =	vst v63  }
0x29: {  	_ =	swait.ge [sflag:s9], $0x10  }
0x2a: {  	[sflag:s9] =	ssyncset.done $0x0  }
0x2b: {  	[sflag:s9] =	ssyncadd.s32 $0xFFFFFFF0  }
0x2c: {  	v1 =	vld [tilespmem:$0x200];
	_ =	sdelay $0x4  }
0x2d: {  	(xrf0) =	vadd.scan.msk.s32 $0xffff, v1;
	_ =	sdelay $0x5  }
0x2e: {  	v1, _, _ =	vpop (xrf0)  }
0x2f: {  	(v2sf) =	vpush v1, $0xF;
	_ =	sdelay $0xe  }
0x30: {  	s12 =	spop (v2sf)  }
0x31: {  	s13 =	sand.u32 $0xF, s12  }
0x32: {  	s31 =	sshra.s32 s12, $0x1F;
	p1 =	slt.s32 s12, $0x1;
	p0 =	sne.s32 s13, $0x0  }
0x33: {  	s13 =	sshrl.u32 s31, $0x1C;
	p0 =	por !p1, !p0  }
0x34: {  	s12 =	sadd.s32 s13, s12;
	s13 =	simm.s32 $0x1;
	p0 =	por !p0, !p0  }
0x35: {  	s12 =	sshra.s32 s12, $0x4;
	s13 =	simm.s32 @!p0 $0x0  }
0x36: {  	s12 =	ssub.s32 s12, s13  }
0x37: {  	p0 =	slt.s32 s12, $0x1  }
.Ltmp2:
0x38: {  	_ = 	snop;
	(pc) =	sbr.rel @p0 .LBB2_6-.Ltmp2, $1  }
0x39: {  	_ =	sdelay $0x3  }
0x3a: {  	s13 =	sadd.s32 $0x7F, s12  }
0x3b: {  	s15 =	simm.s32 $0x0;
	s13 =	sshrl.u32 s13, $0x7  }
.LBB2_3:
0x3c: {  	s16 =	sshll.u32 s15, $0x7  }
0x3d: {  	s17 =	sadd.s32 s5, s16;
	s16 =	ssub.s32 s12, s16  }
0x3e: {  	s17 =	sshrl.u32 s17, $0x3;
	p0 =	sle.s32 s16, $0x0  }
0x3f: {  	s17 =	sadd.s32 s3, s17;
	v1 =	vmov @!p0 s14  }
0x40: {  	[tilespmem:s14], [sflag:$0x1] =	stream.linear.gather [hbm4b:s17+s14], $0x80, $0x38;
	[tilespmem:$0x280] =	vst v63  }
0x41: {  	_ =	swait.ge [sflag:s9], $0x80  }
0x42: {  	[sflag:s9] =	ssyncset.done $0x0  }
0x43: {  	s18 =	simm.s32 @!p0 $0x0;
	p0 =	por p0, p0;
	[sflag:s9] =	ssyncadd.s32 $0xFFFFFF80  }
0x44: {  	v1 =	vld.idx.msk @!p0 [tilespmem:v1+s18+$0x0], $0xffff;
	_ =	sdelay $0x3  }
0x45: {  	s17 =	simm.s32 $0x1;
	vm0 =	vmmov @!p0 $0x1  }
.LBB2_4:
0x46: {  	p2 =	sge.s32 s17, s16;
	v1 =	vnsel @!p0 vm0, $0x140, v1;
	s18 =	smov.u32 s17;
	s17 =	sadd.s32 $0x1, s17  }
0x47: {  	v2 =	vmov @!p2 s18;
	p1 =	sne.s32 s17, $0x80;
	_ =	sdelay $0x1  }
0x48: {  	v3 =	vimm.f32 @!p0 $0.0e+00;
	vm0 =	vcmask @!p0 $0x300  }
0x49: {  	v3 =	vsel @!p0 vm0, $0x3F800000, v3;
	s18 =	simm.s32 @!p0 $0x80  }
0x4a: {  	s19 =	simm.s32 @!p2 $0x0;
	[tilespmem:v1+s18+$0x0] =	vst.idx.add.f32.msk @!p0 $0xffff, v3;
	p0 =	por p2, p2  }
0x4b: {  	v1 =	vld.idx.msk @!p0 [tilespmem:v2+s19+$0x0], $0xffff  }
.Ltmp3:
0x4c: {  	(pc) =	sbr.rel @p1 .LBB2_4-.Ltmp3, $2  }
0x4d: {  	_ =	sdelay $0x2  }
0x4e: {  	vm0 =	vmmov @!p0 $0x1  }
0x4f: {  	s15 =	sadd.s32 $0x1, s15  }
0x50: {  	v1 =	vnsel @!p0 vm0, $0x140, v1;
	p1 =	sne.s32 s15, s13  }
.Ltmp4:
0x51: {  	_ = 	snop;
	(pc) =	sbr.rel @p1 .LBB2_3-.Ltmp4, $4  }
.Ltmp5:
0x52: {  	_ = 	snop;
	(pc) =	sbr.rel @!p1 .LBB2_6-.Ltmp5, $4  }
0x53: {  	v2 =	vimm.f32 @!p0 $0.0e+00;
	vm0 =	vcmask @!p0 $0x300  }
0x54: {  	s16 =	simm.s32 @!p0 $0x80;
	v2 =	vsel @!p0 vm0, $0x3F800000, v2  }
0x55: {  	[tilespmem:v1+s16+$0x0] =	vst.idx.add.f32.msk @!p0 $0xffff, v2  }
0x56: {  	_ = 	snop  }
.LBB2_7:
0x57: {  	_ =	sfence.sel $0x180000  }
0x58: {  	[bflag:$0x0] =	sbarrier.arrive $0xFFFF  }
0x59: {  	p0 =	sne.s32 s1, $0x0;
	_ =	strace $0x9000004A  }
0x5a: {  	s0 =	sadd.s32 @!p0 $0x100000, s0;
	[bflag:$0x2] =	sbarrier.arrive $0xFFFF  }
0x5b: {  	[sflag:s0] =	ssyncadd.tile.s32 @!p0 $0x1;
	_ =	shalt  }
.Lfunc_end2:
_tile_overlayer_lowered:
.L_overlay_start_2:
0x5c: {  	(tag) =	ssettag $0x2  }
0x5d: {  	s0 =	rddreg [dreg:$0x0];
	s2 =	stileid.u32  }
0x5e: {  	s1 =	rddreg [dreg:$0x1];
	p0 =	sne.s32 s2, $0x0  }
0x5f: {  	s3 =	rddreg [dreg:$0x2];
	[bflag:$0x3] =	sbarrier.arrive $0xFFFF;
	s2 =	simm.s32 @!p0 $0x1C01  }
0x60: {  	[timem:s3], [sflag:s2] =	dma.local @!p0 [hbm:s0], s1  }
0x61: {  	s0 =	simm.s32 @!p0 $0x1  }
0x62: {  	_ =	swait.ge @!p0 [sflag:s0], s1  }
0x63: {  	s1 =	ssub.s32 @!p0 $0x0, s1;
	[sflag:s0] =	ssyncset.done @!p0 $0x0  }
0x64: {  	[sflag:s0] =	ssyncadd.s32 @!p0 s1  }
0x65: {  	[bflag:$0x3] =	sbarrier.arrive $0xFFFF  }
0x66: {  	_ =	shalt  }

// kernel: _run.15.cloned.1.call-start
scs
__scs_entry_jumppad:
0x0: {  	(pc) =	sbr.rel $0x88, $3  }
0x1: {  	(tag) =	ssettag $0x0;
	lr =	simm.s32 $0x1  }
0x2: {  	[smem:$0x3F9B] =	sst lr;
	_ =	strace $0xD0000000  }
0x3: {  	_ = 	snop  }
0x4: {  	_ = 	snop  }
0x5: {  	_ = 	snop  }
0x6: {  	_ = 	snop  }
0x7: {  	_ = 	snop  }
__scs_overlays_trampoline_lowered:
0x8: {  	[smem:$0x3FAA] =	sst s0  }
0x9: {  	[smem:$0x3FAB] =	sst s1  }
0xa: {  	[smem:$0x3FAC] =	sst s2  }
0xb: {  	[smem:$0x3FAD] =	sst s3  }
0xc: {  	[smem:$0x3FAE] =	sst s4  }
0xd: {  	[smem:$0x3FAF] =	sst s5  }
0xe: {  	[smem:$0x3FB0] =	sst s6  }
0xf: {  	[smem:$0x3FB1] =	sst s7  }
0x10: {  	[smem:$0x3FB2] =	sst s8  }
0x11: {  	[smem:$0x3FB3] =	sst s9;
	s0 =	simm.s32 @!p0 $0x0  }
0x12: {  	s1 =	sld [smem:$0x3F99];
	s0 =	simm.s32 @p0 $0x1  }
0x13: {  	[smem:$0x3FB4] =	sst s0;
	s0 =	simm.s32 @!p1 $0x0  }
0x14: {  	s2 =	sld [smem:$0x3F98];
	s0 =	simm.s32 @p1 $0x1  }
0x15: {  	[smem:$0x3FB5] =	sst s0;
	s0 =	simm.s32 @!p2 $0x0  }
0x16: {  	s3 =	sld [smem:$0x3FDB];
	s0 =	simm.s32 @p2 $0x1  }
0x17: {  	s4 =	simm.s32 $0x1BF5;
	[smem:$0x3FB7] =	sst s0  }
0x18: {  	s0 =	sld [smem:$0x3F9A];
	_ =	swait.ge [sflag:s4], $0x0  }
0x19: {  	s7 =	sld [smem:$0x3F9B]  }
0x1a: {  	s8 =	sadd.s32 $0xFFFFE003, lr  }
0x1b: {  	s9 =	sadd.s32 $0xFFFFFEF7, lr;
	s5 =	simm.s32 $0xFFFFFFFF;
	p2 =	slt.u32 s8, $0xFFFFF086  }
0x1c: {  	p1 =	slt.u32 s9, $0xF7A;
	s5 =	simm.s32 @!p2 $0x0  }
0x1d: {  	s5 =	simm.s32 @p1 $0x1;
	p0 =	seq.s32 s7, s2  }
0x1e: {  	s7 =	smul.u32 @!p0 $0xF7A, s2;
	p2 =	seq.s32 @!p0 s5, $0x0  }
0x1f: {  	s9 =	smul.u32 $0xF7A, s1;
	s8 =	simm.s32 @!p0 $0x1BF5;
	p2 =	por !p2, p0  }
0x20: {  	[sflag:s8] =	ssyncset.s32 @!p0 $0xFFFFF086;
	s6 =	sadd.s32 @!p0 s3, s7;
	s7 =	simm.s32 @!p0 $0x108  }
0x21: {  	s3 =	sadd.s32 s3, s9;
	s6 =	sadd.s32 @!p0 $0x88, s6;
	s7 =	simm.s32 @p2 $0x1082  }
0x22: {  	[simem:s7], [sflag:s8] =	dma.local @!p0 [hbm:s6], $0xF7A  }
0x23: {  	s9 =	sor.u32 $0xD0000000, s2;
	s6 =	simm.s32 $0x108;
	_ =	swait.ge @!p0 [sflag:s8], $0x0  }
0x24: {  	s3 =	sadd.s32 $0x88, s3;
	s6 =	simm.s32 @!p1 $0x1082;
	[sflag:s4] =	ssyncset.s32 $0xFFFFF086  }
0x25: {  	[simem:s6], [sflag:s4] =	dma.local [hbm:s3], $0xF7A  }
0x26: {  	[smem:$0x3F9B] =	sst s1;
	(tag) =	ssettag s2;
	_ =	strace s9  }
0x27: {  	s1 =	sld [smem:$0x3FAB]  }
0x28: {  	s2 =	sld [smem:$0x3FAC]  }
0x29: {  	s4 =	sld [smem:$0x3FAE]  }
0x2a: {  	p0 =	seq.s32 s5, $0x0;
	s5 =	sld [smem:$0x3FAF]  }
0x2b: {  	s6 =	sld [smem:$0x3FB0]  }
0x2c: {  	s7 =	sld [smem:$0x3FB1]  }
0x2d: {  	s3 =	simm.s32 $0x108;
	s8 =	sld [smem:$0x3FB2]  }
0x2e: {  	s3 =	simm.s32 @!p0 $0x1082;
	s9 =	sld [smem:$0x3FB3]  }
0x2f: {  	lr =	sadd.s32 s0, s3;
	s0 =	sld [smem:$0x3FAA]  }
0x30: {  	s3 =	sld [smem:$0x3FAD]  }
0x31: {  	[smem:$0x3FB6] =	sst s10  }
0x32: {  	s10 =	sld [smem:$0x3FB4];
	_ =	sdelay $0x3  }
0x33: {  	p0 =	seq.s32 s10, $0x1;
	s10 =	sld [smem:$0x3FB6];
	_ =	sdelay $0x3  }
0x34: {  	[smem:$0x3FB6] =	sst s10  }
0x35: {  	s10 =	sld [smem:$0x3FB5];
	_ =	sdelay $0x3  }
0x36: {  	p1 =	seq.s32 s10, $0x1;
	s10 =	sld [smem:$0x3FB6];
	_ =	sdelay $0x3  }
0x37: {  	[smem:$0x3FB6] =	sst s10  }
0x38: {  	s10 =	sld [smem:$0x3FB7]  }
0x39: {  	_ = 	snop;
	(pc) =	sbr.ind lr, $3  }
0x3a: {  	_ = 	snop  }
0x3b: {  	_ = 	snop  }
0x3c: {  	p2 =	seq.s32 s10, $0x1;
	s10 =	sld [smem:$0x3FB6]  }
0x3d: {  	_ =	shalt  }
0x3e: {  	_ =	shalt  }
0x3f: {  	_ =	shalt  }
0x40: {  	_ =	shalt  }
0x41: {  	_ =	shalt  }
0x42: {  	_ =	shalt  }
0x43: {  	_ =	shalt  }
0x44: {  	_ =	shalt  }
0x45: {  	_ =	shalt  }
0x46: {  	_ =	shalt  }
0x47: {  	_ =	shalt  }
0x48: {  	_ =	shalt  }
0x49: {  	_ =	shalt  }
0x4a: {  	_ =	shalt  }
0x4b: {  	_ =	shalt  }
0x4c: {  	_ =	shalt  }
0x4d: {  	_ =	shalt  }
0x4e: {  	_ =	shalt  }
0x4f: {  	_ =	shalt  }
0x50: {  	_ =	shalt  }
0x51: {  	_ =	shalt  }
0x52: {  	_ =	shalt  }
0x53: {  	_ =	shalt  }
0x54: {  	_ =	shalt  }
0x55: {  	_ =	shalt  }
0x56: {  	_ =	shalt  }
0x57: {  	_ =	shalt  }
0x58: {  	_ =	shalt  }
0x59: {  	_ =	shalt  }
0x5a: {  	_ =	shalt  }
0x5b: {  	_ =	shalt  }
0x5c: {  	_ =	shalt  }
0x5d: {  	_ =	shalt  }
0x5e: {  	_ =	shalt  }
0x5f: {  	_ =	shalt  }
0x60: {  	_ =	shalt  }
0x61: {  	_ =	shalt  }
0x62: {  	_ =	shalt  }
0x63: {  	_ =	shalt  }
0x64: {  	_ =	shalt  }
0x65: {  	_ =	shalt  }
0x66: {  	_ =	shalt  }
0x67: {  	_ =	shalt  }
0x68: {  	_ =	shalt  }
0x69: {  	_ =	shalt  }
0x6a: {  	_ =	shalt  }
0x6b: {  	_ =	shalt  }
0x6c: {  	_ =	shalt  }
0x6d: {  	_ =	shalt  }
0x6e: {  	_ =	shalt  }
0x6f: {  	_ =	shalt  }
0x70: {  	_ =	shalt  }
0x71: {  	_ =	shalt  }
0x72: {  	_ =	shalt  }
0x73: {  	_ =	shalt  }
0x74: {  	_ =	shalt  }
0x75: {  	_ =	shalt  }
0x76: {  	_ =	shalt  }
0x77: {  	_ =	shalt  }
0x78: {  	_ =	shalt  }
0x79: {  	_ =	shalt  }
0x7a: {  	_ =	shalt  }
0x7b: {  	_ =	shalt  }
0x7c: {  	_ =	shalt  }
0x7d: {  	_ =	shalt  }
0x7e: {  	_ =	shalt  }
0x7f: {  	_ =	shalt  }
0x80: {  	_ =	shalt  }
0x81: {  	_ =	shalt  }
0x82: {  	_ =	shalt  }
0x83: {  	_ =	shalt  }
0x84: {  	_ =	shalt  }
0x85: {  	_ =	shalt  }
0x86: {  	_ =	shalt  }
0x87: {  	_ =	shalt  }
.Lfunc_end0:
.L_simem_size_0:
called_computation.2_lowered:
.L_overlay_start_0:
0x88: {  	s2 =	sld [smem:$0x3FD9]  }
0x89: {  	s3 =	sld [smem:$0x3FFE];
	_ =	sdelay $0x1  }
0x8a: {  	s1 =	srdreg.scid  }
0x8b: {  	s0 =	sand.u32 $0x1, s1  }
0x8c: {  	s16 =	sshll.u32 s0, $0xA;
	s2 =	sadd.s32 s3, s2  }
0x8d: {  	s2 =	sadd.s32 s2, s16  }
0x8e: {  	[smem:$0x3FC2] =	sst s2  }
0x8f: {  	_ = 	snop  }
0x90: {  	(tm) =	ssettm $0x1  }
0x91: {  	s17 =	sld [smem:$0x3FFB];
	_ =	sdelay $0x3  }
0x92: {  	_ =	strace s17  }
0x93: {  	s2 =	sld [smem:$0x3FFC];
	_ =	sdelay $0x3  }
0x94: {  	_ =	strace s2  }
0x95: {  	s2 =	sld [smem:$0x3FFD];
	_ =	sdelay $0x3  }
0x96: {  	_ =	strace s2  }
0x97: {  	_ =	strace $0x8FFFFFFF  }
0x98: {  	s18 =	sld [smem:$0x3FDB];
	_ =	sdelay $0x1  }
0x99: {  	s19 =	simm.s32 $_scs_section_size  }
0x9a: {  	s4 =	simm.s32 $_size__tile_overlayer_lowered;
	s5 =	simm.s32 $_tile_overlayer_lowered  }
0x9b: {  	s22 =	simm.s32 $0x1BFF;
	s21 =	sshll.u32 s5, $0x1;
	s2 =	sadd.s32 s19, s18  }
0x9c: {  	s6 =	simm.s32 $0x0;
	s20 =	sshll.u32 s4, $0x1;
	s4 =	sadd.s32 s21, s2  }
0x9d: {  	[timem:s6], [sflag:s22] =	dma.local [hbm:s4], s20  }
0x9e: {  	_ =	swait.ge [sflag:s22], s20  }
0x9f: {  	s3 =	ssub.s32 $0x0, s20;
	[sflag:s22] =	ssyncset.done $0x0  }
0xa0: {  	[sflag:s22] =	ssyncadd.s32 s3;
	_ =	sdelay $0x1  }
0xa1: {  	s23 =	simm.s32 $0x1B8B  }
0xa2: {  	_ =	swait.ge [sflag:s23], $0x1  }
0xa3: {  	[sflag:s23] =	ssyncset.done $0x0  }
0xa4: {  	s25 =	simm.s32 $0x1B8E;
	s24 =	sld [smem:$0x3FFE];
	[sflag:s23] =	ssyncadd.s32 $0xFFFFFFFF  }
0xa5: {  	s26 =	simm.s32 $execute0_lowered;
	[smem:$0x3FD2] =	sst s25  }
0xa6: {  	s4 =	sshll.u32 s26, $0x1;
	_ =	strace $0x8000004C;
	[dreg:$0x1] =	wrdreg $0xFFFFFFFF  }
0xa7: {  	s28 =	simm.s32 $_size_execute0_lowered;
	s2 =	sadd.s32 s2, s4;
	[dreg:$0x0] =	wrdreg $0x0  }
0xa8: {  	s4 =	sshll.u32 s28, $0x1;
	[dreg:$0x2] =	wrdreg s2  }
0xa9: {  	[dreg:$0x3] =	wrdreg s4  }
0xaa: {  	[dreg:$0x4] =	wrdreg $0xC0  }
0xab: {  	_ =	task [dreg:s6], $0x5FFFF  }
0xac: {  	[dreg:$0x1] =	wrdreg $0xFFFFFFFF  }
0xad: {  	[dreg:$0x0] =	wrdreg $0x60  }
0xae: {  	[dreg:$0x2] =	wrdreg s24  }
0xaf: {  	[dreg:$0x3] =	wrdreg $0x9  }
0xb0: {  	_ =	task.clear_ibuf [dreg:s6], $0x4FFFF;
	_ =	strace $0x9000004C  }
0xb1: {  	s29 =	simm.s32 $0x9;
	_ =	strace $0x8000004E  }
0xb2: {  	_ =	swait.ge [sflag:s29], $0x1  }
0xb3: {  	[sflag:s29] =	ssyncadd.s32 $0xFFFFFFFF  }
0xb4: {  	_ =	strace $0x9000004E  }
0xb5: {  	_ =	sfence  }
0xb6: {  	s30 =	sld [smem:$0x0];
	_ =	sdelay $0x2  }
0xb7: {  	s31 =	sshll.u32 s1, $0xD;
	s1 =	sshrl.u32 s1, $0x2  }
0xb8: {  	s3 =	sand.u32 $0x4000, s31;
	s1 =	sadd.s32 s1, s30  }
0xb9: {  	s0 =	sor.u32 s3, s0;
	s1 =	sshll.u32 s1, $0x11  }
0xba: {  	s0 =	sor.u32 s1, s0  }
0xbb: {  	s0 =	sadd.s32 $0x8F2B, s0  }
0xbc: {  	[sflag:s0] =	ssyncadd.remote.s32 $0x1  }
0xbd: {  	_ =	sfence.sel $0xFFFF  }
0xbe: {  	[dreg:$0x0] =	wrdreg $0xFFFFFFFF;
	(pc) =	sbr.abs _section_cstart, $3  }
0xbf: {  	[dreg:$0x1] =	wrdreg $0xFFFFFFFF  }
0xc0: {  	_ =	task.clear_ibuf [dreg:s6], $0x2FFFF;
	_ =	strace $0x9FFFFFFF  }
0xc1: {  	(tm) =	ssettm $0x7FFFFFFF  }
tec
execute0_lowered:
.L_overlay_start_1:
0x0: {  	(tag) =	ssettag $0x1  }
0x1: {  	s6 =	rddreg [dreg:$0x0]  }
0x2: {  	s0 =	rddreg [dreg:$0x1]  }
0x3: {  	s2 =	simm.s32 $0x0;
	s3 =	srdreg.scid;
	s1 =	stileid.u32  }
0x4: {  	s12 =	simm.s32 $0x1;
	s13 =	simm.s32 $0x80;
	s14 =	simm.s32 $0x100  }
0x5: {  	s15 =	simm.s32 $0x4100;
	s16 =	simm.s32 $0x0;
	[smem:$0x7FF] =	sst s2  }
0x6: {  	s7 =	sand.u32 $0x1, s3;
	s3 =	sadd.s32 $0x28C000, s6;
	s4 =	sadd.s32 $0xBA00, s6  }
0x7: {  	s30 =	sshll.u32 s1, $0x1;
	s5 =	sadd.s32 $0x14BC00, s6;
	_ =	strace $0x8000004D  }
.Ltmp0:
0x8: {  	s8 =	sor.u32 s7, s30;
	s7 =	ssub.s32 $0x2, s7;
	(pc) =	sbr.rel .LBB2_1-.Ltmp0, $4  }
0x9: {  	v0 =	vlaneseq.u32;
	s9 =	smul.u32 $0x1400, s8;
	s10 =	sshll.u32 s8, $0x1;
	s31 =	sshrl.u32 s7, $0x1  }
0xa: {  	v1 =	vimm.f32 $0.0e+00;
	v2 =	vor.u32 $0x10, v0;
	s10 =	sadd.s32 s10, s6;
	s11 =	ssub.s32 s7, s31;
	s7 =	smul.u32 $0x50010, s8  }
0xb: {  	v3 =	vor.u32 $0x20, v0;
	v4 =	vor.u32 $0x30, v0;
	v5 =	vor.u32 $0x40, v0;
	s9 =	sadd.s32 s9, s6;
	s6 =	sadd.s32 $0x28BE00, s10;
	s10 =	simm.s32 $0xE100  }
0xc: {  	v6 =	vor.u32 $0x50, v0;
	v7 =	vor.u32 $0x60, v0;
	v8 =	vor.u32 $0x70, v0;
	s8 =	sadd.s32 $0x2B4000, s9;
	s9 =	smax.u32 s11, $0x1;
	s11 =	simm.s32 $0x2  }
.LBB2_11:
0xd: {  	s16 =	sadd.s32 $0x1, s16  }
0xe: {  	p0 =	sne.s32 s16, s9  }
.Ltmp1:
0xf: {  	_ = 	snop;
	(pc) =	sbr.rel @!p0 .LBB2_12-.Ltmp1, $4  }
0x10: {  	[hbm4b:s8+s2] =	stream.linear.scatter [tilespmem:s15], [sflag:$0x2], $0xA000, $0x38;
	[tilespmem:$0xE180] =	vst v63  }
0x11: {  	_ =	swait.ge [sflag:s11], $0xA000  }
0x12: {  	[sflag:s11] =	ssyncset.done $0x0  }
0x13: {  	[sflag:s11] =	ssyncadd.s32 $0xFFFF6000  }
.LBB2_1:
0x14: {  	s17 =	simm.s32 $0x40;
	s18 =	simm.s32 $0x0  }
.LBB2_2:
0x15: {  	p0 =	sne.s32 s17, $0x27FC0;
	[tilespmem:s18+$0x4100] =	vst v1;
	s18 =	smov.u32 s17;
	s17 =	sadd.s32 $0x40, s17  }
.Ltmp2:
0x16: {  	(pc) =	sbr.rel @p0 .LBB2_2-.Ltmp2, $2  }
0x17: {  	_ =	sdelay $0x2  }
0x18: {  	s18 =	sshra.s32 s18, $0x2  }
0x19: {  	[tilespmem:s18+$0x4100] =	vst v1;
	s17 =	simm.s32 $0x0  }
0x1a: {  	[tilespmem:s10], [sflag:$0x2] =	stream.linear.gather [hbm4b:s6+s17], $0x10, $0x38;
	[tilespmem:$0xE180] =	vst v63  }
0x1b: {  	_ =	swait.ge [sflag:s11], $0x10  }
0x1c: {  	[sflag:s11] =	ssyncset.done $0x0  }
0x1d: {  	[sflag:s11] =	ssyncadd.s32 $0xFFFFFFF0  }
0x1e: {  	v9 =	vld [tilespmem:$0xE100];
	_ =	sdelay $0x4  }
0x1f: {  	(xrf0) =	vadd.scan.msk.s32 $0xffff, v9;
	_ =	sdelay $0x5  }
0x20: {  	v9, _, _ =	vpop (xrf0)  }
0x21: {  	(v2sf) =	vpush v9, $0xF;
	_ =	sdelay $0xe  }
0x22: {  	s28 =	spop (v2sf)  }
0x23: {  	s19 =	sand.u32 $0xF, s28  }
0x24: {  	s20 =	sshra.s32 s28, $0x1F;
	p0 =	slt.s32 s28, $0x1;
	p1 =	sne.s32 s19, $0x0  }
0x25: {  	s29 =	sshrl.u32 s20, $0x1C;
	p0 =	por !p0, !p1  }
0x26: {  	s19 =	simm.s32 $0x1;
	s18 =	sadd.s32 s29, s28;
	p0 =	por !p0, !p0  }
0x27: {  	s18 =	sshra.s32 s18, $0x4;
	s19 =	simm.s32 @!p0 $0x0  }
0x28: {  	s18 =	ssub.s32 s18, s19  }
0x29: {  	s19 =	sand.u32 $0x7F, s18  }
0x2a: {  	s30 =	sshra.s32 s18, $0x1F;
	p5 =	slt.s32 s18, $0x1;
	p6 =	sne.s32 s19, $0x0  }
0x2b: {  	s31 =	sshrl.u32 s30, $0x19;
	p0 =	por !p5, !p6  }
0x2c: {  	s20 =	simm.s32 $0x1;
	s19 =	sadd.s32 s31, s18;
	p0 =	por !p0, !p0  }
0x2d: {  	s19 =	sshra.s32 s19, $0x7;
	s20 =	simm.s32 @!p0 $0x0  }
0x2e: {  	s19 =	ssub.s32 s19, s20  }
0x2f: {  	p0 =	slt.s32 s19, $0x1  }
.Ltmp3:
0x30: {  	_ = 	snop;
	(pc) =	sbr.rel @p0 .LBB2_7-.Ltmp3, $2  }
0x31: {  	_ =	sdelay $0x2  }
0x32: {  	s20 =	simm.s32 $0x0  }
.LBB2_4:
0x33: {  	s21 =	sshll.u32 s20, $0x7  }
0x34: {  	s21 =	sadd.s32 s7, s21  }
0x35: {  	s21 =	sshrl.u32 s21, $0x3  }
0x36: {  	s22 =	sadd.s32 s4, s21  }
0x37: {  	[tilespmem:s17], [sflag:$0x2] =	stream.linear.gather [hbm4b:s22+s17], $0x80, $0x38;
	[tilespmem:$0xE180] =	vst v63  }
0x38: {  	_ =	swait.ge [sflag:s11], $0x80  }
0x39: {  	[sflag:s11] =	ssyncset.done $0x0  }
0x3a: {  	s21 =	sadd.s32 s5, s21;
	[sflag:s11] =	ssyncadd.s32 $0xFFFFFF80  }
0x3b: {  	[tilespmem:s13], [sflag:$0x2] =	stream.linear.gather [hbm4b:s21+s17], $0x80, $0x38;
	[tilespmem:$0xE180] =	vst v63  }
0x3c: {  	_ =	swait.ge [sflag:s11], $0x80  }
0x3d: {  	[sflag:s11] =	ssyncset.done $0x0  }
0x3e: {  	v9 =	vmov s17;
	[sflag:s11] =	ssyncadd.s32 $0xFFFFFF80  }
0x3f: {  	[tilespmem:s14], [sflag:$0x1] =	stream.indirect.gather [hbm4b:s3+s13], $0x80, s17, s13, $0xb8;
	[tilespmem:$0xE180] =	vst v63  }
0x40: {  	_ =	swait.ge [sflag:s12], $0x4000  }
0x41: {  	[sflag:s12] =	ssyncset.done $0x0  }
0x42: {  	[sflag:s12] =	ssyncadd.s32 $0xFFFFC000  }
0x43: {  	v9 =	vld.idx.msk [tilespmem:v9+s13+$0x0], $0xffff;
	_ =	sdelay $0x4  }
0x44: {  	s21 =	simm.s32 $0x140;
	v9 =	vshll.u32 v9, $0x7  }
0x45: {  	v10 =	vld [tilespmem:s21+$0xFFFFFFC0];
	v11 =	vor.u32 v0, v9;
	_ =	sdelay $0x4  }
0x46: {  	[tilespmem:v11+s15+$0x0] =	vst.idx.add.f32.msk $0xffff, v10  }
0x47: {  	v11 =	vor.u32 v2, v9;
	v10 =	vld [tilespmem:s21+$0xFFFFFFD0];
	_ =	sdelay $0x4  }
0x48: {  	[tilespmem:v11+s15+$0x0] =	vst.idx.add.f32.msk $0xffff, v10  }
0x49: {  	v11 =	vor.u32 v3, v9;
	v10 =	vld [tilespmem:s21+$0xFFFFFFE0];
	_ =	sdelay $0x4  }
0x4a: {  	[tilespmem:v11+s15+$0x0] =	vst.idx.add.f32.msk $0xffff, v10  }
0x4b: {  	v11 =	vor.u32 v4, v9;
	v10 =	vld [tilespmem:s21+$0xFFFFFFF0];
	_ =	sdelay $0x4  }
0x4c: {  	[tilespmem:v11+s15+$0x0] =	vst.idx.add.f32.msk $0xffff, v10  }
0x4d: {  	v11 =	vor.u32 v5, v9;
	v10 =	vld [tilespmem:s21+$0x0];
	_ =	sdelay $0x4  }
0x4e: {  	[tilespmem:v11+s15+$0x0] =	vst.idx.add.f32.msk $0xffff, v10  }
0x4f: {  	v11 =	vor.u32 v6, v9;
	v10 =	vld [tilespmem:s21+$0x10];
	_ =	sdelay $0x4  }
0x50: {  	[tilespmem:v11+s15+$0x0] =	vst.idx.add.f32.msk $0xffff, v10  }
0x51: {  	v11 =	vor.u32 v7, v9;
	v10 =	vld [tilespmem:s21+$0x20];
	_ =	sdelay $0x4  }
0x52: {  	[tilespmem:v11+s15+$0x0] =	vst.idx.add.f32.msk $0xffff, v10  }
0x53: {  	s23 =	simm.s32 $0x1;
	v11 =	vor.u32 v8, v9;
	v10 =	vld [tilespmem:s21+$0x30]  }
0x54: {  	s22 =	simm.s32 $0x2;
	v9 =	vmov s23  }
.LBB2_5:
0x55: {  	_ =	sdelay $0x1  }
0x56: {  	p0 =	sne.s32 s22, $0x7F  }
0x57: {  	s21 =	sadd.s32 $0x80, s21;
	s23 =	smov.u32 s22;
	s22 =	sadd.s32 $0x1, s22;
	[tilespmem:v11+s15+$0x0] =	vst.idx.add.f32.msk $0xffff, v10  }
0x58: {  	v9 =	vld.idx.msk [tilespmem:v9+s13+$0x0], $0xffff;
	_ =	sdelay $0x5  }
0x59: {  	v9 =	vshll.u32 v9, $0x7  }
0x5a: {  	v11 =	vor.u32 v0, v9;
	v10 =	vld [tilespmem:s21+$0xFFFFFFC0];
	_ =	sdelay $0x4  }
0x5b: {  	[tilespmem:v11+s15+$0x0] =	vst.idx.add.f32.msk $0xffff, v10  }
0x5c: {  	v11 =	vor.u32 v2, v9;
	v10 =	vld [tilespmem:s21+$0xFFFFFFD0];
	_ =	sdelay $0x4  }
0x5d: {  	[tilespmem:v11+s15+$0x0] =	vst.idx.add.f32.msk $0xffff, v10  }
0x5e: {  	v11 =	vor.u32 v3, v9;
	v10 =	vld [tilespmem:s21+$0xFFFFFFE0];
	_ =	sdelay $0x4  }
0x5f: {  	[tilespmem:v11+s15+$0x0] =	vst.idx.add.f32.msk $0xffff, v10  }
0x60: {  	v11 =	vor.u32 v4, v9;
	v10 =	vld [tilespmem:s21+$0xFFFFFFF0];
	_ =	sdelay $0x4  }
0x61: {  	[tilespmem:v11+s15+$0x0] =	vst.idx.add.f32.msk $0xffff, v10  }
0x62: {  	v11 =	vor.u32 v5, v9;
	v10 =	vld [tilespmem:s21+$0x0];
	_ =	sdelay $0x4  }
0x63: {  	[tilespmem:v11+s15+$0x0] =	vst.idx.add.f32.msk $0xffff, v10  }
0x64: {  	v11 =	vor.u32 v6, v9;
	v10 =	vld [tilespmem:s21+$0x10];
	_ =	sdelay $0x4  }
0x65: {  	[tilespmem:v11+s15+$0x0] =	vst.idx.add.f32.msk $0xffff, v10  }
0x66: {  	v11 =	vor.u32 v7, v9;
	v10 =	vld [tilespmem:s21+$0x20];
	_ =	sdelay $0x2  }
.Ltmp4:
0x67: {  	(pc) =	sbr.rel @p0 .LBB2_5-.Ltmp4, $4  }
0x68: {  	_ = 	snop  }
0x69: {  	[tilespmem:v11+s15+$0x0] =	vst.idx.add.f32.msk $0xffff, v10  }
0x6a: {  	v11 =	vor.u32 v8, v9;
	v10 =	vld [tilespmem:s21+$0x30]  }
0x6b: {  	v9 =	vmov s23  }
0x6c: {  	_ =	sdelay $0x3  }
0x6d: {  	[tilespmem:v11+s15+$0x0] =	vst.idx.add.f32.msk $0xffff, v10  }
0x6e: {  	v9 =	vld.idx.msk [tilespmem:v9+s13+$0x0], $0xffff;
	_ =	sdelay $0x4  }
0x6f: {  	s21 =	sadd.s32 $0x80, s21;
	v9 =	vshll.u32 v9, $0x7  }
0x70: {  	v10 =	vld [tilespmem:s21+$0xFFFFFFC0];
	v11 =	vor.u32 v0, v9;
	_ =	sdelay $0x4  }
0x71: {  	[tilespmem:v11+s15+$0x0] =	vst.idx.add.f32.msk $0xffff, v10  }
0x72: {  	v11 =	vor.u32 v2, v9;
	v10 =	vld [tilespmem:s21+$0xFFFFFFD0];
	_ =	sdelay $0x4  }
0x73: {  	[tilespmem:v11+s15+$0x0] =	vst.idx.add.f32.msk $0xffff, v10  }
0x74: {  	v11 =	vor.u32 v3, v9;
	v10 =	vld [tilespmem:s21+$0xFFFFFFE0];
	_ =	sdelay $0x4  }
0x75: {  	[tilespmem:v11+s15+$0x0] =	vst.idx.add.f32.msk $0xffff, v10  }
0x76: {  	v11 =	vor.u32 v4, v9;
	v10 =	vld [tilespmem:s21+$0xFFFFFFF0];
	_ =	sdelay $0x4  }
0x77: {  	[tilespmem:v11+s15+$0x0] =	vst.idx.add.f32.msk $0xffff, v10  }
0x78: {  	v11 =	vor.u32 v5, v9;
	v10 =	vld [tilespmem:s21+$0x0];
	_ =	sdelay $0x4  }
0x79: {  	[tilespmem:v11+s15+$0x0] =	vst.idx.add.f32.msk $0xffff, v10  }
0x7a: {  	v11 =	vor.u32 v6, v9;
	v10 =	vld [tilespmem:s21+$0x10];
	_ =	sdelay $0x4  }
0x7b: {  	[tilespmem:v11+s15+$0x0] =	vst.idx.add.f32.msk $0xffff, v10  }
0x7c: {  	v11 =	vor.u32 v7, v9;
	v10 =	vld [tilespmem:s21+$0x20];
	_ =	sdelay $0x4  }
0x7d: {  	s20 =	sadd.s32 $0x1, s20;
	[tilespmem:v11+s15+$0x0] =	vst.idx.add.f32.msk $0xffff, v10  }
0x7e: {  	p0 =	sne.s32 s20, s19;
	v9 =	vor.u32 v8, v9;
	v10 =	vld [tilespmem:s21+$0x30]  }
.Ltmp5:
0x7f: {  	_ = 	snop;
	(pc) =	sbr.rel @p0 .LBB2_4-.Ltmp5, $2  }
0x80: {  	_ =	sdelay $0x2  }
0x81: {  	[tilespmem:v9+s15+$0x0] =	vst.idx.add.f32.msk $0xffff, v10  }
.LBB2_7:
0x82: {  	s19 =	sshll.u32 s19, $0x7  }
0x83: {  	s17 =	ssub.s32 s18, s19  }
0x84: {  	p0 =	slt.s32 s17, $0x1  }
.Ltmp6:
0x85: {  	_ = 	snop;
	(pc) =	sbr.rel @p0 .LBB2_11-.Ltmp6, $1  }
0x86: {  	_ =	sdelay $0x3  }
0x87: {  	s18 =	sadd.s32 s7, s19  }
0x88: {  	s18 =	sshrl.u32 s18, $0x3  }
0x89: {  	s20 =	simm.s32 $0x0;
	s31 =	sadd.s32 s4, s18  }
0x8a: {  	[tilespmem:s20], [sflag:$0x2] =	stream.linear.gather [hbm4b:s31+s20], $0x80, $0x38;
	[tilespmem:$0xE180] =	vst v63  }
0x8b: {  	_ =	swait.ge [sflag:s11], $0x80  }
0x8c: {  	[sflag:s11] =	ssyncset.done $0x0  }
0x8d: {  	s18 =	sadd.s32 s5, s18;
	[sflag:s11] =	ssyncadd.s32 $0xFFFFFF80  }
0x8e: {  	[tilespmem:s13], [sflag:$0x2] =	stream.linear.gather [hbm4b:s18+s20], $0x80, $0x38;
	[tilespmem:$0xE180] =	vst v63  }
0x8f: {  	_ =	swait.ge [sflag:s11], $0x80  }
0x90: {  	p0 =	sle.s32 s17, $0x0;
	[sflag:s11] =	ssyncset.done $0x0  }
0x91: {  	v9 =	vmov @!p0 s20;
	[sflag:s11] =	ssyncadd.s32 $0xFFFFFF80  }
0x92: {  	[tilespmem:s14], [sflag:$0x1] =	stream.indirect.gather [hbm4b:s3+s13], $0x80, s20, s13, $0xb8;
	[tilespmem:$0xE180] =	vst v63  }
0x93: {  	_ =	swait.ge [sflag:s12], $0x4000  }
0x94: {  	[sflag:s12] =	ssyncset.done $0x0  }
0x95: {  	s18 =	simm.s32 @!p0 $0x80;
	[sflag:s12] =	ssyncadd.s32 $0xFFFFC000  }
0x96: {  	v9 =	vld.idx.msk @!p0 [tilespmem:v9+s18+$0x0], $0xffff;
	_ =	sdelay $0x3  }
0x97: {  	p0 =	por p0, p0  }
0x98: {  	s18 =	simm.s32 $0x140;
	v10 =	vlaneseq.u32 @!p0;
	v9 =	vshll.u32 @!p0 v9, $0x7  }
0x99: {  	v11 =	vld @!p0 [tilespmem:s18+$0xFFFFFFC0];
	v12 =	vor.u32 @!p0 v10, v9;
	_ =	sdelay $0x3  }
0x9a: {  	s20 =	simm.s32 @!p0 $0x4100  }
0x9b: {  	v13 =	vor.u32 @!p0 $0x10, v10;
	[tilespmem:v12+s20+$0x0] =	vst.idx.add.f32.msk @!p0 $0xffff, v11  }
0x9c: {  	v11 =	vor.u32 @!p0 v13, v9;
	v12 =	vld @!p0 [tilespmem:s18+$0xFFFFFFD0];
	_ =	sdelay $0x4  }
0x9d: {  	v13 =	vor.u32 @!p0 $0x20, v10;
	[tilespmem:v11+s20+$0x0] =	vst.idx.add.f32.msk @!p0 $0xffff, v12  }
0x9e: {  	v11 =	vor.u32 @!p0 v13, v9;
	v12 =	vld @!p0 [tilespmem:s18+$0xFFFFFFE0];
	_ =	sdelay $0x4  }
0x9f: {  	v13 =	vor.u32 @!p0 $0x30, v10;
	[tilespmem:v11+s20+$0x0] =	vst.idx.add.f32.msk @!p0 $0xffff, v12  }
0xa0: {  	v11 =	vor.u32 @!p0 v13, v9;
	v12 =	vld @!p0 [tilespmem:s18+$0xFFFFFFF0];
	_ =	sdelay $0x4  }
0xa1: {  	v13 =	vor.u32 @!p0 $0x40, v10;
	[tilespmem:v11+s20+$0x0] =	vst.idx.add.f32.msk @!p0 $0xffff, v12  }
0xa2: {  	v11 =	vor.u32 @!p0 v13, v9;
	v12 =	vld @!p0 [tilespmem:s18+$0x0];
	_ =	sdelay $0x4  }
0xa3: {  	v13 =	vor.u32 @!p0 $0x50, v10;
	[tilespmem:v11+s20+$0x0] =	vst.idx.add.f32.msk @!p0 $0xffff, v12  }
0xa4: {  	v11 =	vor.u32 @!p0 v13, v9;
	v12 =	vld @!p0 [tilespmem:s18+$0x10];
	_ =	sdelay $0x4  }
0xa5: {  	v13 =	vor.u32 @!p0 $0x60, v10;
	[tilespmem:v11+s20+$0x0] =	vst.idx.add.f32.msk @!p0 $0xffff, v12  }
0xa6: {  	v11 =	vor.u32 @!p0 v13, v9;
	v12 =	vld @!p0 [tilespmem:s18+$0x20];
	_ =	sdelay $0x4  }
0xa7: {  	v10 =	vor.u32 @!p0 $0x70, v10;
	[tilespmem:v11+s20+$0x0] =	vst.idx.add.f32.msk @!p0 $0xffff, v12  }
0xa8: {  	s21 =	simm.s32 $0x1;
	p2 =	sle.s32 s17, $0x1;
	v9 =	vor.u32 @!p0 v10, v9;
	v11 =	vld @!p0 [tilespmem:s18+$0x30]  }
0xa9: {  	s19 =	simm.s32 $0x2;
	s22 =	simm.s32 @!p2 $0x80;
	v10 =	vmov @!p2 s21  }
.LBB2_9:
0xaa: {  	_ =	sdelay $0x2  }
0xab: {  	s18 =	sadd.s32 $0x80, s18;
	s21 =	smov.u32 s19;
	s19 =	sadd.s32 $0x1, s19;
	[tilespmem:v9+s20+$0x0] =	vst.idx.add.f32.msk @!p0 $0xffff, v11  }
0xac: {  	p1 =	sne.s32 s19, $0x80;
	p0 =	por p2, p2;
	v9 =	vld.idx.msk @!p2 [tilespmem:v10+s22+$0x0], $0xffff;
	_ =	sdelay $0x4  }
0xad: {  	v10 =	vlaneseq.u32 @!p0  }
0xae: {  	v11 =	vor.u32 @!p0 $0x10, v10;
	v12 =	vor.u32 @!p0 $0x20, v10;
	v9 =	vshll.u32 @!p0 v9, $0x7  }
0xaf: {  	v15 =	vor.u32 @!p0 $0x30, v10;
	v14 =	vor.u32 @!p0 v10, v9;
	v11 =	vor.u32 @!p0 v11, v9;
	v13 =	vld @!p0 [tilespmem:s18+$0xFFFFFFC0]  }
0xb0: {  	v16 =	vor.u32 @!p0 $0x40, v10;
	v12 =	vor.u32 @!p0 v12, v9;
	v15 =	vor.u32 @!p0 v15, v9  }
0xb1: {  	v17 =	vor.u32 @!p0 $0x50, v10;
	v18 =	vor.u32 @!p0 $0x60, v10;
	v16 =	vor.u32 @!p0 v16, v9  }
0xb2: {  	v17 =	vor.u32 @!p0 v17, v9;
	v18 =	vor.u32 @!p0 v18, v9;
	v10 =	vor.u32 @!p0 $0x70, v10  }
0xb3: {  	s20 =	simm.s32 @!p0 $0x4100;
	v9 =	vor.u32 @!p0 v10, v9  }
0xb4: {  	[tilespmem:v14+s20+$0x0] =	vst.idx.add.f32.msk @!p0 $0xffff, v13  }
0xb5: {  	v10 =	vld @!p0 [tilespmem:s18+$0xFFFFFFD0];
	_ =	sdelay $0x4  }
0xb6: {  	[tilespmem:v11+s20+$0x0] =	vst.idx.add.f32.msk @!p0 $0xffff, v10  }
0xb7: {  	v10 =	vld @!p0 [tilespmem:s18+$0xFFFFFFE0];
	_ =	sdelay $0x4  }
0xb8: {  	[tilespmem:v12+s20+$0x0] =	vst.idx.add.f32.msk @!p0 $0xffff, v10  }
0xb9: {  	v10 =	vld @!p0 [tilespmem:s18+$0xFFFFFFF0];
	_ =	sdelay $0x4  }
0xba: {  	[tilespmem:v15+s20+$0x0] =	vst.idx.add.f32.msk @!p0 $0xffff, v10  }
0xbb: {  	v10 =	vld @!p0 [tilespmem:s18+$0x0];
	_ =	sdelay $0x4  }
0xbc: {  	[tilespmem:v16+s20+$0x0] =	vst.idx.add.f32.msk @!p0 $0xffff, v10  }
0xbd: {  	v10 =	vld @!p0 [tilespmem:s18+$0x10];
	_ =	sdelay $0x4  }
0xbe: {  	[tilespmem:v17+s20+$0x0] =	vst.idx.add.f32.msk @!p0 $0xffff, v10  }
0xbf: {  	v10 =	vld @!p0 [tilespmem:s18+$0x20];
	_ =	sdelay $0x2  }
.Ltmp7:
0xc0: {  	(pc) =	sbr.rel @p1 .LBB2_9-.Ltmp7, $4  }
0xc1: {  	_ = 	snop  }
0xc2: {  	[tilespmem:v18+s20+$0x0] =	vst.idx.add.f32.msk @!p0 $0xffff, v10  }
0xc3: {  	p2 =	sge.s32 s21, s17;
	v11 =	vld @!p0 [tilespmem:s18+$0x30]  }
0xc4: {  	s22 =	simm.s32 @!p2 $0x80;
	v10 =	vmov @!p2 s21  }
0xc5: {  	_ =	sdelay $0x3  }
0xc6: {  	[tilespmem:v9+s20+$0x0] =	vst.idx.add.f32.msk @!p0 $0xffff, v11  }
0xc7: {  	v9 =	vld.idx.msk @!p2 [tilespmem:v10+s22+$0x0], $0xffff;
	_ =	sdelay $0x3  }
0xc8: {  	p0 =	por p2, p2  }
0xc9: {  	s17 =	sadd.s32 $0x80, s18;
	v10 =	vlaneseq.u32 @!p0;
	v9 =	vshll.u32 @!p0 v9, $0x7  }
0xca: {  	v11 =	vld @!p0 [tilespmem:s17+$0xFFFFFFC0];
	v12 =	vor.u32 @!p0 v10, v9;
	_ =	sdelay $0x3  }
0xcb: {  	s18 =	simm.s32 @!p0 $0x4100  }
0xcc: {  	v13 =	vor.u32 @!p0 $0x10, v10;
	[tilespmem:v12+s18+$0x0] =	vst.idx.add.f32.msk @!p0 $0xffff, v11  }
0xcd: {  	v11 =	vor.u32 @!p0 v13, v9;
	v12 =	vld @!p0 [tilespmem:s17+$0xFFFFFFD0];
	_ =	sdelay $0x4  }
0xce: {  	v13 =	vor.u32 @!p0 $0x20, v10;
	[tilespmem:v11+s18+$0x0] =	vst.idx.add.f32.msk @!p0 $0xffff, v12  }
0xcf: {  	v11 =	vor.u32 @!p0 v13, v9;
	v12 =	vld @!p0 [tilespmem:s17+$0xFFFFFFE0];
	_ =	sdelay $0x4  }
0xd0: {  	v13 =	vor.u32 @!p0 $0x30, v10;
	[tilespmem:v11+s18+$0x0] =	vst.idx.add.f32.msk @!p0 $0xffff, v12  }
0xd1: {  	v11 =	vor.u32 @!p0 v13, v9;
	v12 =	vld @!p0 [tilespmem:s17+$0xFFFFFFF0];
	_ =	sdelay $0x4  }
0xd2: {  	v13 =	vor.u32 @!p0 $0x40, v10;
	[tilespmem:v11+s18+$0x0] =	vst.idx.add.f32.msk @!p0 $0xffff, v12  }
0xd3: {  	v11 =	vor.u32 @!p0 v13, v9;
	v12 =	vld @!p0 [tilespmem:s17+$0x0];
	_ =	sdelay $0x4  }
0xd4: {  	v13 =	vor.u32 @!p0 $0x50, v10;
	[tilespmem:v11+s18+$0x0] =	vst.idx.add.f32.msk @!p0 $0xffff, v12  }
0xd5: {  	v11 =	vor.u32 @!p0 v13, v9;
	v12 =	vld @!p0 [tilespmem:s17+$0x10];
	_ =	sdelay $0x4  }
0xd6: {  	v13 =	vor.u32 @!p0 $0x60, v10;
	[tilespmem:v11+s18+$0x0] =	vst.idx.add.f32.msk @!p0 $0xffff, v12  }
0xd7: {  	v11 =	vor.u32 @!p0 v13, v9;
	v12 =	vld @!p0 [tilespmem:s17+$0x20];
	_ =	sdelay $0x4  }
0xd8: {  	v10 =	vor.u32 @!p0 $0x70, v10;
	[tilespmem:v11+s18+$0x0] =	vst.idx.add.f32.msk @!p0 $0xffff, v12  }
0xd9: {  	v9 =	vor.u32 @!p0 v10, v9;
	v10 =	vld @!p0 [tilespmem:s17+$0x30]  }
.Ltmp8:
0xda: {  	_ = 	snop;
	(pc) =	sbr.rel .LBB2_11-.Ltmp8, $2  }
0xdb: {  	_ =	sdelay $0x2  }
0xdc: {  	[tilespmem:v9+s18+$0x0] =	vst.idx.add.f32.msk @!p0 $0xffff, v10  }
.LBB2_12:
0xdd: {  	_ =	sfence.sel $0x180000  }
0xde: {  	[bflag:$0x0] =	sbarrier.arrive $0xFFFF  }
0xdf: {  	p0 =	sne.s32 s1, $0x0;
	_ =	strace $0x9000004D  }
0xe0: {  	s0 =	sadd.s32 @!p0 $0x100000, s0;
	[bflag:$0x2] =	sbarrier.arrive $0xFFFF  }
0xe1: {  	[sflag:s0] =	ssyncadd.tile.s32 @!p0 $0x1;
	_ =	shalt  }
.Lfunc_end2:
_tile_overlayer_lowered:
.L_overlay_start_2:
0xe2: {  	(tag) =	ssettag $0x2  }
0xe3: {  	s0 =	rddreg [dreg:$0x0];
	s2 =	stileid.u32  }
0xe4: {  	s1 =	rddreg [dreg:$0x1];
	p0 =	sne.s32 s2, $0x0  }
0xe5: {  	s3 =	rddreg [dreg:$0x2];
	[bflag:$0x3] =	sbarrier.arrive $0xFFFF;
	s2 =	simm.s32 @!p0 $0x1C02  }
0xe6: {  	[timem:s3], [sflag:s2] =	dma.local @!p0 [hbm:s0], s1  }
0xe7: {  	s0 =	simm.s32 @!p0 $0x2  }
0xe8: {  	_ =	swait.ge @!p0 [sflag:s0], s1  }
0xe9: {  	s1 =	ssub.s32 @!p0 $0x0, s1;
	[sflag:s0] =	ssyncset.done @!p0 $0x0  }
0xea: {  	[sflag:s0] =	ssyncadd.s32 @!p0 s1  }
0xeb: {  	[bflag:$0x3] =	sbarrier.arrive $0xFFFF  }
0xec: {  	_ =	shalt  }

// kernel: _run.18.cloned.1.call-start
scs
__scs_entry_jumppad:
0x0: {  	(pc) =	sbr.rel $0x88, $3  }
0x1: {  	(tag) =	ssettag $0x0;
	lr =	simm.s32 $0x1  }
0x2: {  	[smem:$0x3F9B] =	sst lr;
	_ =	strace $0xD0000000  }
0x3: {  	_ = 	snop  }
0x4: {  	_ = 	snop  }
0x5: {  	_ = 	snop  }
0x6: {  	_ = 	snop  }
0x7: {  	_ = 	snop  }
__scs_overlays_trampoline_lowered:
0x8: {  	[smem:$0x3FAA] =	sst s0  }
0x9: {  	[smem:$0x3FAB] =	sst s1  }
0xa: {  	[smem:$0x3FAC] =	sst s2  }
0xb: {  	[smem:$0x3FAD] =	sst s3  }
0xc: {  	[smem:$0x3FAE] =	sst s4  }
0xd: {  	[smem:$0x3FAF] =	sst s5  }
0xe: {  	[smem:$0x3FB0] =	sst s6  }
0xf: {  	[smem:$0x3FB1] =	sst s7  }
0x10: {  	[smem:$0x3FB2] =	sst s8  }
0x11: {  	[smem:$0x3FB3] =	sst s9;
	s0 =	simm.s32 @!p0 $0x0  }
0x12: {  	s1 =	sld [smem:$0x3F99];
	s0 =	simm.s32 @p0 $0x1  }
0x13: {  	[smem:$0x3FB4] =	sst s0;
	s0 =	simm.s32 @!p1 $0x0  }
0x14: {  	s2 =	sld [smem:$0x3F98];
	s0 =	simm.s32 @p1 $0x1  }
0x15: {  	[smem:$0x3FB5] =	sst s0;
	s0 =	simm.s32 @!p2 $0x0  }
0x16: {  	s3 =	sld [smem:$0x3FDB];
	s0 =	simm.s32 @p2 $0x1  }
0x17: {  	s4 =	simm.s32 $0x1BF5;
	[smem:$0x3FB7] =	sst s0  }
0x18: {  	s0 =	sld [smem:$0x3F9A];
	_ =	swait.ge [sflag:s4], $0x0  }
0x19: {  	s7 =	sld [smem:$0x3F9B]  }
0x1a: {  	s8 =	sadd.s32 $0xFFFFE003, lr  }
0x1b: {  	s9 =	sadd.s32 $0xFFFFFEF7, lr;
	s5 =	simm.s32 $0xFFFFFFFF;
	p2 =	slt.u32 s8, $0xFFFFF086  }
0x1c: {  	p1 =	slt.u32 s9, $0xF7A;
	s5 =	simm.s32 @!p2 $0x0  }
0x1d: {  	s5 =	simm.s32 @p1 $0x1;
	p0 =	seq.s32 s7, s2  }
0x1e: {  	s7 =	smul.u32 @!p0 $0xF7A, s2;
	p2 =	seq.s32 @!p0 s5, $0x0  }
0x1f: {  	s9 =	smul.u32 $0xF7A, s1;
	s8 =	simm.s32 @!p0 $0x1BF5;
	p2 =	por !p2, p0  }
0x20: {  	[sflag:s8] =	ssyncset.s32 @!p0 $0xFFFFF086;
	s6 =	sadd.s32 @!p0 s3, s7;
	s7 =	simm.s32 @!p0 $0x108  }
0x21: {  	s3 =	sadd.s32 s3, s9;
	s6 =	sadd.s32 @!p0 $0x88, s6;
	s7 =	simm.s32 @p2 $0x1082  }
0x22: {  	[simem:s7], [sflag:s8] =	dma.local @!p0 [hbm:s6], $0xF7A  }
0x23: {  	s9 =	sor.u32 $0xD0000000, s2;
	s6 =	simm.s32 $0x108;
	_ =	swait.ge @!p0 [sflag:s8], $0x0  }
0x24: {  	s3 =	sadd.s32 $0x88, s3;
	s6 =	simm.s32 @!p1 $0x1082;
	[sflag:s4] =	ssyncset.s32 $0xFFFFF086  }
0x25: {  	[simem:s6], [sflag:s4] =	dma.local [hbm:s3], $0xF7A  }
0x26: {  	[smem:$0x3F9B] =	sst s1;
	(tag) =	ssettag s2;
	_ =	strace s9  }
0x27: {  	s1 =	sld [smem:$0x3FAB]  }
0x28: {  	s2 =	sld [smem:$0x3FAC]  }
0x29: {  	s4 =	sld [smem:$0x3FAE]  }
0x2a: {  	p0 =	seq.s32 s5, $0x0;
	s5 =	sld [smem:$0x3FAF]  }
0x2b: {  	s6 =	sld [smem:$0x3FB0]  }
0x2c: {  	s7 =	sld [smem:$0x3FB1]  }
0x2d: {  	s3 =	simm.s32 $0x108;
	s8 =	sld [smem:$0x3FB2]  }
0x2e: {  	s3 =	simm.s32 @!p0 $0x1082;
	s9 =	sld [smem:$0x3FB3]  }
0x2f: {  	lr =	sadd.s32 s0, s3;
	s0 =	sld [smem:$0x3FAA]  }
0x30: {  	s3 =	sld [smem:$0x3FAD]  }
0x31: {  	[smem:$0x3FB6] =	sst s10  }
0x32: {  	s10 =	sld [smem:$0x3FB4];
	_ =	sdelay $0x3  }
0x33: {  	p0 =	seq.s32 s10, $0x1;
	s10 =	sld [smem:$0x3FB6];
	_ =	sdelay $0x3  }
0x34: {  	[smem:$0x3FB6] =	sst s10  }
0x35: {  	s10 =	sld [smem:$0x3FB5];
	_ =	sdelay $0x3  }
0x36: {  	p1 =	seq.s32 s10, $0x1;
	s10 =	sld [smem:$0x3FB6];
	_ =	sdelay $0x3  }
0x37: {  	[smem:$0x3FB6] =	sst s10  }
0x38: {  	s10 =	sld [smem:$0x3FB7]  }
0x39: {  	_ = 	snop;
	(pc) =	sbr.ind lr, $3  }
0x3a: {  	_ = 	snop  }
0x3b: {  	_ = 	snop  }
0x3c: {  	p2 =	seq.s32 s10, $0x1;
	s10 =	sld [smem:$0x3FB6]  }
0x3d: {  	_ =	shalt  }
0x3e: {  	_ =	shalt  }
0x3f: {  	_ =	shalt  }
0x40: {  	_ =	shalt  }
0x41: {  	_ =	shalt  }
0x42: {  	_ =	shalt  }
0x43: {  	_ =	shalt  }
0x44: {  	_ =	shalt  }
0x45: {  	_ =	shalt  }
0x46: {  	_ =	shalt  }
0x47: {  	_ =	shalt  }
0x48: {  	_ =	shalt  }
0x49: {  	_ =	shalt  }
0x4a: {  	_ =	shalt  }
0x4b: {  	_ =	shalt  }
0x4c: {  	_ =	shalt  }
0x4d: {  	_ =	shalt  }
0x4e: {  	_ =	shalt  }
0x4f: {  	_ =	shalt  }
0x50: {  	_ =	shalt  }
0x51: {  	_ =	shalt  }
0x52: {  	_ =	shalt  }
0x53: {  	_ =	shalt  }
0x54: {  	_ =	shalt  }
0x55: {  	_ =	shalt  }
0x56: {  	_ =	shalt  }
0x57: {  	_ =	shalt  }
0x58: {  	_ =	shalt  }
0x59: {  	_ =	shalt  }
0x5a: {  	_ =	shalt  }
0x5b: {  	_ =	shalt  }
0x5c: {  	_ =	shalt  }
0x5d: {  	_ =	shalt  }
0x5e: {  	_ =	shalt  }
0x5f: {  	_ =	shalt  }
0x60: {  	_ =	shalt  }
0x61: {  	_ =	shalt  }
0x62: {  	_ =	shalt  }
0x63: {  	_ =	shalt  }
0x64: {  	_ =	shalt  }
0x65: {  	_ =	shalt  }
0x66: {  	_ =	shalt  }
0x67: {  	_ =	shalt  }
0x68: {  	_ =	shalt  }
0x69: {  	_ =	shalt  }
0x6a: {  	_ =	shalt  }
0x6b: {  	_ =	shalt  }
0x6c: {  	_ =	shalt  }
0x6d: {  	_ =	shalt  }
0x6e: {  	_ =	shalt  }
0x6f: {  	_ =	shalt  }
0x70: {  	_ =	shalt  }
0x71: {  	_ =	shalt  }
0x72: {  	_ =	shalt  }
0x73: {  	_ =	shalt  }
0x74: {  	_ =	shalt  }
0x75: {  	_ =	shalt  }
0x76: {  	_ =	shalt  }
0x77: {  	_ =	shalt  }
0x78: {  	_ =	shalt  }
0x79: {  	_ =	shalt  }
0x7a: {  	_ =	shalt  }
0x7b: {  	_ =	shalt  }
0x7c: {  	_ =	shalt  }
0x7d: {  	_ =	shalt  }
0x7e: {  	_ =	shalt  }
0x7f: {  	_ =	shalt  }
0x80: {  	_ =	shalt  }
0x81: {  	_ =	shalt  }
0x82: {  	_ =	shalt  }
0x83: {  	_ =	shalt  }
0x84: {  	_ =	shalt  }
0x85: {  	_ =	shalt  }
0x86: {  	_ =	shalt  }
0x87: {  	_ =	shalt  }
.Lfunc_end0:
.L_simem_size_0:
called_computation.3_lowered:
.L_overlay_start_0:
0x88: {  	s2 =	sld [smem:$0x3FD9]  }
0x89: {  	s3 =	sld [smem:$0x3FFE];
	_ =	sdelay $0x1  }
0x8a: {  	s1 =	srdreg.scid  }
0x8b: {  	s0 =	sand.u32 $0x1, s1  }
0x8c: {  	s16 =	sshll.u32 s0, $0xA;
	s2 =	sadd.s32 s3, s2  }
0x8d: {  	s2 =	sadd.s32 s2, s16  }
0x8e: {  	[smem:$0x3FC2] =	sst s2  }
0x8f: {  	_ = 	snop  }
0x90: {  	(tm) =	ssettm $0x1  }
0x91: {  	s17 =	sld [smem:$0x3FFB];
	_ =	sdelay $0x3  }
0x92: {  	_ =	strace s17  }
0x93: {  	s2 =	sld [smem:$0x3FFC];
	_ =	sdelay $0x3  }
0x94: {  	_ =	strace s2  }
0x95: {  	s2 =	sld [smem:$0x3FFD];
	_ =	sdelay $0x3  }
0x96: {  	_ =	strace s2  }
0x97: {  	_ =	strace $0x8FFFFFFF  }
0x98: {  	s18 =	sld [smem:$0x3FDB];
	_ =	sdelay $0x1  }
0x99: {  	s19 =	simm.s32 $_scs_section_size  }
0x9a: {  	s4 =	simm.s32 $_size__tile_overlayer_lowered;
	s5 =	simm.s32 $_tile_overlayer_lowered  }
0x9b: {  	s22 =	simm.s32 $0x1BFF;
	s21 =	sshll.u32 s5, $0x1;
	s2 =	sadd.s32 s19, s18  }
0x9c: {  	s6 =	simm.s32 $0x0;
	s20 =	sshll.u32 s4, $0x1;
	s4 =	sadd.s32 s21, s2  }
0x9d: {  	[timem:s6], [sflag:s22] =	dma.local [hbm:s4], s20  }
0x9e: {  	_ =	swait.ge [sflag:s22], s20  }
0x9f: {  	s3 =	ssub.s32 $0x0, s20;
	[sflag:s22] =	ssyncset.done $0x0  }
0xa0: {  	[sflag:s22] =	ssyncadd.s32 s3;
	_ =	sdelay $0x1  }
0xa1: {  	s23 =	simm.s32 $0x1B8B  }
0xa2: {  	_ =	swait.ge [sflag:s23], $0x1  }
0xa3: {  	[sflag:s23] =	ssyncset.done $0x0  }
0xa4: {  	s25 =	simm.s32 $0x1B8E;
	s24 =	sld [smem:$0x3FFE];
	[sflag:s23] =	ssyncadd.s32 $0xFFFFFFFF  }
0xa5: {  	s26 =	simm.s32 $execute0_lowered;
	[smem:$0x3FD2] =	sst s25  }
0xa6: {  	s4 =	sshll.u32 s26, $0x1;
	_ =	strace $0x8000004F;
	[dreg:$0x1] =	wrdreg $0xFFFFFFFF  }
0xa7: {  	s28 =	simm.s32 $_size_execute0_lowered;
	s2 =	sadd.s32 s2, s4;
	[dreg:$0x0] =	wrdreg $0x0  }
0xa8: {  	s4 =	sshll.u32 s28, $0x1;
	[dreg:$0x2] =	wrdreg s2  }
0xa9: {  	[dreg:$0x3] =	wrdreg s4  }
0xaa: {  	[dreg:$0x4] =	wrdreg $0xC0  }
0xab: {  	_ =	task [dreg:s6], $0x5FFFF  }
0xac: {  	[dreg:$0x1] =	wrdreg $0xFFFFFFFF  }
0xad: {  	[dreg:$0x0] =	wrdreg $0x60  }
0xae: {  	[dreg:$0x2] =	wrdreg s24  }
0xaf: {  	[dreg:$0x3] =	wrdreg $0x9  }
0xb0: {  	_ =	task.clear_ibuf [dreg:s6], $0x4FFFF;
	_ =	strace $0x9000004F  }
0xb1: {  	s29 =	simm.s32 $0x9;
	_ =	strace $0x80000051  }
0xb2: {  	_ =	swait.ge [sflag:s29], $0x1  }
0xb3: {  	[sflag:s29] =	ssyncadd.s32 $0xFFFFFFFF  }
0xb4: {  	_ =	strace $0x90000051  }
0xb5: {  	_ =	sfence  }
0xb6: {  	s30 =	sld [smem:$0x0];
	_ =	sdelay $0x2  }
0xb7: {  	s31 =	sshll.u32 s1, $0xD;
	s1 =	sshrl.u32 s1, $0x2  }
0xb8: {  	s3 =	sand.u32 $0x4000, s31;
	s1 =	sadd.s32 s1, s30  }
0xb9: {  	s0 =	sor.u32 s3, s0;
	s1 =	sshll.u32 s1, $0x11  }
0xba: {  	s0 =	sor.u32 s1, s0  }
0xbb: {  	s0 =	sadd.s32 $0x8F2B, s0  }
0xbc: {  	[sflag:s0] =	ssyncadd.remote.s32 $0x1  }
0xbd: {  	_ =	sfence.sel $0xFFFF  }
0xbe: {  	[dreg:$0x0] =	wrdreg $0xFFFFFFFF;
	(pc) =	sbr.abs _section_cstart, $3  }
0xbf: {  	[dreg:$0x1] =	wrdreg $0xFFFFFFFF  }
0xc0: {  	_ =	task.clear_ibuf [dreg:s6], $0x2FFFF;
	_ =	strace $0x9FFFFFFF  }
0xc1: {  	(tm) =	ssettm $0x7FFFFFFF  }
tec
execute0_lowered:
.L_overlay_start_1:
0x0: {  	(tag) =	ssettag $0x1  }
0x1: {  	s6 =	rddreg [dreg:$0x0]  }
0x2: {  	s0 =	rddreg [dreg:$0x1]  }
0x3: {  	s2 =	simm.s32 $0x0;
	s3 =	srdreg.scid;
	s1 =	stileid.u32  }
0x4: {  	s12 =	simm.s32 $0x1;
	s13 =	simm.s32 $0x80;
	s14 =	simm.s32 $0x100  }
0x5: {  	s15 =	simm.s32 $0x4100;
	s16 =	simm.s32 $0x0;
	[smem:$0x7FF] =	sst s2  }
0x6: {  	s7 =	sand.u32 $0x1, s3;
	s3 =	sadd.s32 $0x28C000, s6;
	s4 =	sadd.s32 $0xBA00, s6  }
0x7: {  	s30 =	sshll.u32 s1, $0x1;
	s5 =	sadd.s32 $0x14BC00, s6;
	_ =	strace $0x80000050  }
.Ltmp0:
0x8: {  	s8 =	sor.u32 s7, s30;
	s7 =	ssub.s32 $0x2, s7;
	(pc) =	sbr.rel .LBB2_1-.Ltmp0, $4  }
0x9: {  	v0 =	vlaneseq.u32;
	s9 =	smul.u32 $0x1400, s8;
	s10 =	sshll.u32 s8, $0x1;
	s31 =	sshrl.u32 s7, $0x1  }
0xa: {  	v1 =	vimm.f32 $0.0e+00;
	v2 =	vor.u32 $0x10, v0;
	s10 =	sadd.s32 s10, s6;
	s11 =	ssub.s32 s7, s31;
	s7 =	smul.u32 $0x50010, s8  }
0xb: {  	v3 =	vor.u32 $0x20, v0;
	v4 =	vor.u32 $0x30, v0;
	v5 =	vor.u32 $0x40, v0;
	s9 =	sadd.s32 s9, s6;
	s6 =	sadd.s32 $0x28BE00, s10;
	s10 =	simm.s32 $0xE100  }
0xc: {  	v6 =	vor.u32 $0x50, v0;
	v7 =	vor.u32 $0x60, v0;
	v8 =	vor.u32 $0x70, v0;
	s8 =	sadd.s32 $0x2B4000, s9;
	s9 =	smax.u32 s11, $0x1;
	s11 =	simm.s32 $0x2  }
.LBB2_11:
0xd: {  	s16 =	sadd.s32 $0x1, s16  }
0xe: {  	p0 =	sne.s32 s16, s9  }
.Ltmp1:
0xf: {  	_ = 	snop;
	(pc) =	sbr.rel @!p0 .LBB2_12-.Ltmp1, $4  }
0x10: {  	[hbm4b:s8+s2] =	stream.linear.scatter [tilespmem:s15], [sflag:$0x2], $0xA000, $0x38;
	[tilespmem:$0xE180] =	vst v63  }
0x11: {  	_ =	swait.ge [sflag:s11], $0xA000  }
0x12: {  	[sflag:s11] =	ssyncset.done $0x0  }
0x13: {  	[sflag:s11] =	ssyncadd.s32 $0xFFFF6000  }
.LBB2_1:
0x14: {  	s17 =	simm.s32 $0x40;
	s18 =	simm.s32 $0x0  }
.LBB2_2:
0x15: {  	p0 =	sne.s32 s17, $0x27FC0;
	[tilespmem:s18+$0x4100] =	vst v1;
	s18 =	smov.u32 s17;
	s17 =	sadd.s32 $0x40, s17  }
.Ltmp2:
0x16: {  	(pc) =	sbr.rel @p0 .LBB2_2-.Ltmp2, $2  }
0x17: {  	_ =	sdelay $0x2  }
0x18: {  	s18 =	sshra.s32 s18, $0x2  }
0x19: {  	[tilespmem:s18+$0x4100] =	vst v1;
	s17 =	simm.s32 $0x0  }
0x1a: {  	[tilespmem:s10], [sflag:$0x2] =	stream.linear.gather [hbm4b:s6+s17], $0x10, $0x38;
	[tilespmem:$0xE180] =	vst v63  }
0x1b: {  	_ =	swait.ge [sflag:s11], $0x10  }
0x1c: {  	[sflag:s11] =	ssyncset.done $0x0  }
0x1d: {  	[sflag:s11] =	ssyncadd.s32 $0xFFFFFFF0  }
0x1e: {  	v9 =	vld [tilespmem:$0xE100];
	_ =	sdelay $0x4  }
0x1f: {  	(xrf0) =	vadd.scan.msk.s32 $0xffff, v9;
	_ =	sdelay $0x5  }
0x20: {  	v9, _, _ =	vpop (xrf0)  }
0x21: {  	(v2sf) =	vpush v9, $0xF;
	_ =	sdelay $0xe  }
0x22: {  	s28 =	spop (v2sf)  }
0x23: {  	s19 =	sand.u32 $0xF, s28  }
0x24: {  	s20 =	sshra.s32 s28, $0x1F;
	p0 =	slt.s32 s28, $0x1;
	p1 =	sne.s32 s19, $0x0  }
0x25: {  	s29 =	sshrl.u32 s20, $0x1C;
	p0 =	por !p0, !p1  }
0x26: {  	s19 =	simm.s32 $0x1;
	s18 =	sadd.s32 s29, s28;
	p0 =	por !p0, !p0  }
0x27: {  	s18 =	sshra.s32 s18, $0x4;
	s19 =	simm.s32 @!p0 $0x0  }
0x28: {  	s18 =	ssub.s32 s18, s19  }
0x29: {  	s19 =	sand.u32 $0x7F, s18  }
0x2a: {  	s30 =	sshra.s32 s18, $0x1F;
	p5 =	slt.s32 s18, $0x1;
	p6 =	sne.s32 s19, $0x0  }
0x2b: {  	s31 =	sshrl.u32 s30, $0x19;
	p0 =	por !p5, !p6  }
0x2c: {  	s20 =	simm.s32 $0x1;
	s19 =	sadd.s32 s31, s18;
	p0 =	por !p0, !p0  }
0x2d: {  	s19 =	sshra.s32 s19, $0x7;
	s20 =	simm.s32 @!p0 $0x0  }
0x2e: {  	s19 =	ssub.s32 s19, s20  }
0x2f: {  	p0 =	slt.s32 s19, $0x1  }
.Ltmp3:
0x30: {  	_ = 	snop;
	(pc) =	sbr.rel @p0 .LBB2_7-.Ltmp3, $2  }
0x31: {  	_ =	sdelay $0x2  }
0x32: {  	s20 =	simm.s32 $0x0  }
.LBB2_4:
0x33: {  	s21 =	sshll.u32 s20, $0x7  }
0x34: {  	s21 =	sadd.s32 s7, s21  }
0x35: {  	s21 =	sshrl.u32 s21, $0x3  }
0x36: {  	s22 =	sadd.s32 s4, s21  }
0x37: {  	[tilespmem:s17], [sflag:$0x2] =	stream.linear.gather [hbm4b:s22+s17], $0x80, $0x38;
	[tilespmem:$0xE180] =	vst v63  }
0x38: {  	_ =	swait.ge [sflag:s11], $0x80  }
0x39: {  	[sflag:s11] =	ssyncset.done $0x0  }
0x3a: {  	s21 =	sadd.s32 s5, s21;
	[sflag:s11] =	ssyncadd.s32 $0xFFFFFF80  }
0x3b: {  	[tilespmem:s13], [sflag:$0x2] =	stream.linear.gather [hbm4b:s21+s17], $0x80, $0x38;
	[tilespmem:$0xE180] =	vst v63  }
0x3c: {  	_ =	swait.ge [sflag:s11], $0x80  }
0x3d: {  	[sflag:s11] =	ssyncset.done $0x0  }
0x3e: {  	v9 =	vmov s17;
	[sflag:s11] =	ssyncadd.s32 $0xFFFFFF80  }
0x3f: {  	[tilespmem:s14], [sflag:$0x1] =	stream.indirect.gather [hbm4b:s3+s13], $0x80, s17, s13, $0xb8;
	[tilespmem:$0xE180] =	vst v63  }
0x40: {  	_ =	swait.ge [sflag:s12], $0x4000  }
0x41: {  	[sflag:s12] =	ssyncset.done $0x0  }
0x42: {  	[sflag:s12] =	ssyncadd.s32 $0xFFFFC000  }
0x43: {  	v9 =	vld.idx.msk [tilespmem:v9+s13+$0x0], $0xffff;
	_ =	sdelay $0x4  }
0x44: {  	s21 =	simm.s32 $0x140;
	v9 =	vshll.u32 v9, $0x7  }
0x45: {  	v10 =	vld [tilespmem:s21+$0xFFFFFFC0];
	v11 =	vor.u32 v0, v9;
	_ =	sdelay $0x4  }
0x46: {  	[tilespmem:v11+s15+$0x0] =	vst.idx.add.f32.msk $0xffff, v10  }
0x47: {  	v11 =	vor.u32 v2, v9;
	v10 =	vld [tilespmem:s21+$0xFFFFFFD0];
	_ =	sdelay $0x4  }
0x48: {  	[tilespmem:v11+s15+$0x0] =	vst.idx.add.f32.msk $0xffff, v10  }
0x49: {  	v11 =	vor.u32 v3, v9;
	v10 =	vld [tilespmem:s21+$0xFFFFFFE0];
	_ =	sdelay $0x4  }
0x4a: {  	[tilespmem:v11+s15+$0x0] =	vst.idx.add.f32.msk $0xffff, v10  }
0x4b: {  	v11 =	vor.u32 v4, v9;
	v10 =	vld [tilespmem:s21+$0xFFFFFFF0];
	_ =	sdelay $0x4  }
0x4c: {  	[tilespmem:v11+s15+$0x0] =	vst.idx.add.f32.msk $0xffff, v10  }
0x4d: {  	v11 =	vor.u32 v5, v9;
	v10 =	vld [tilespmem:s21+$0x0];
	_ =	sdelay $0x4  }
0x4e: {  	[tilespmem:v11+s15+$0x0] =	vst.idx.add.f32.msk $0xffff, v10  }
0x4f: {  	v11 =	vor.u32 v6, v9;
	v10 =	vld [tilespmem:s21+$0x10];
	_ =	sdelay $0x4  }
0x50: {  	[tilespmem:v11+s15+$0x0] =	vst.idx.add.f32.msk $0xffff, v10  }
0x51: {  	v11 =	vor.u32 v7, v9;
	v10 =	vld [tilespmem:s21+$0x20];
	_ =	sdelay $0x4  }
0x52: {  	[tilespmem:v11+s15+$0x0] =	vst.idx.add.f32.msk $0xffff, v10  }
0x53: {  	s23 =	simm.s32 $0x1;
	v11 =	vor.u32 v8, v9;
	v10 =	vld [tilespmem:s21+$0x30]  }
0x54: {  	s22 =	simm.s32 $0x2;
	v9 =	vmov s23  }
.LBB2_5:
0x55: {  	_ =	sdelay $0x1  }
0x56: {  	p0 =	sne.s32 s22, $0x7F  }
0x57: {  	s21 =	sadd.s32 $0x80, s21;
	s23 =	smov.u32 s22;
	s22 =	sadd.s32 $0x1, s22;
	[tilespmem:v11+s15+$0x0] =	vst.idx.add.f32.msk $0xffff, v10  }
0x58: {  	v9 =	vld.idx.msk [tilespmem:v9+s13+$0x0], $0xffff;
	_ =	sdelay $0x5  }
0x59: {  	v9 =	vshll.u32 v9, $0x7  }
0x5a: {  	v11 =	vor.u32 v0, v9;
	v10 =	vld [tilespmem:s21+$0xFFFFFFC0];
	_ =	sdelay $0x4  }
0x5b: {  	[tilespmem:v11+s15+$0x0] =	vst.idx.add.f32.msk $0xffff, v10  }
0x5c: {  	v11 =	vor.u32 v2, v9;
	v10 =	vld [tilespmem:s21+$0xFFFFFFD0];
	_ =	sdelay $0x4  }
0x5d: {  	[tilespmem:v11+s15+$0x0] =	vst.idx.add.f32.msk $0xffff, v10  }
0x5e: {  	v11 =	vor.u32 v3, v9;
	v10 =	vld [tilespmem:s21+$0xFFFFFFE0];
	_ =	sdelay $0x4  }
0x5f: {  	[tilespmem:v11+s15+$0x0] =	vst.idx.add.f32.msk $0xffff, v10  }
0x60: {  	v11 =	vor.u32 v4, v9;
	v10 =	vld [tilespmem:s21+$0xFFFFFFF0];
	_ =	sdelay $0x4  }
0x61: {  	[tilespmem:v11+s15+$0x0] =	vst.idx.add.f32.msk $0xffff, v10  }
0x62: {  	v11 =	vor.u32 v5, v9;
	v10 =	vld [tilespmem:s21+$0x0];
	_ =	sdelay $0x4  }
0x63: {  	[tilespmem:v11+s15+$0x0] =	vst.idx.add.f32.msk $0xffff, v10  }
0x64: {  	v11 =	vor.u32 v6, v9;
	v10 =	vld [tilespmem:s21+$0x10];
	_ =	sdelay $0x4  }
0x65: {  	[tilespmem:v11+s15+$0x0] =	vst.idx.add.f32.msk $0xffff, v10  }
0x66: {  	v11 =	vor.u32 v7, v9;
	v10 =	vld [tilespmem:s21+$0x20];
	_ =	sdelay $0x2  }
.Ltmp4:
0x67: {  	(pc) =	sbr.rel @p0 .LBB2_5-.Ltmp4, $4  }
0x68: {  	_ = 	snop  }
0x69: {  	[tilespmem:v11+s15+$0x0] =	vst.idx.add.f32.msk $0xffff, v10  }
0x6a: {  	v11 =	vor.u32 v8, v9;
	v10 =	vld [tilespmem:s21+$0x30]  }
0x6b: {  	v9 =	vmov s23  }
0x6c: {  	_ =	sdelay $0x3  }
0x6d: {  	[tilespmem:v11+s15+$0x0] =	vst.idx.add.f32.msk $0xffff, v10  }
0x6e: {  	v9 =	vld.idx.msk [tilespmem:v9+s13+$0x0], $0xffff;
	_ =	sdelay $0x4  }
0x6f: {  	s21 =	sadd.s32 $0x80, s21;
	v9 =	vshll.u32 v9, $0x7  }
0x70: {  	v10 =	vld [tilespmem:s21+$0xFFFFFFC0];
	v11 =	vor.u32 v0, v9;
	_ =	sdelay $0x4  }
0x71: {  	[tilespmem:v11+s15+$0x0] =	vst.idx.add.f32.msk $0xffff, v10  }
0x72: {  	v11 =	vor.u32 v2, v9;
	v10 =	vld [tilespmem:s21+$0xFFFFFFD0];
	_ =	sdelay $0x4  }
0x73: {  	[tilespmem:v11+s15+$0x0] =	vst.idx.add.f32.msk $0xffff, v10  }
0x74: {  	v11 =	vor.u32 v3, v9;
	v10 =	vld [tilespmem:s21+$0xFFFFFFE0];
	_ =	sdelay $0x4  }
0x75: {  	[tilespmem:v11+s15+$0x0] =	vst.idx.add.f32.msk $0xffff, v10  }
0x76: {  	v11 =	vor.u32 v4, v9;
	v10 =	vld [tilespmem:s21+$0xFFFFFFF0];
	_ =	sdelay $0x4  }
0x77: {  	[tilespmem:v11+s15+$0x0] =	vst.idx.add.f32.msk $0xffff, v10  }
0x78: {  	v11 =	vor.u32 v5, v9;
	v10 =	vld [tilespmem:s21+$0x0];
	_ =	sdelay $0x4  }
0x79: {  	[tilespmem:v11+s15+$0x0] =	vst.idx.add.f32.msk $0xffff, v10  }
0x7a: {  	v11 =	vor.u32 v6, v9;
	v10 =	vld [tilespmem:s21+$0x10];
	_ =	sdelay $0x4  }
0x7b: {  	[tilespmem:v11+s15+$0x0] =	vst.idx.add.f32.msk $0xffff, v10  }
0x7c: {  	v11 =	vor.u32 v7, v9;
	v10 =	vld [tilespmem:s21+$0x20];
	_ =	sdelay $0x4  }
0x7d: {  	s20 =	sadd.s32 $0x1, s20;
	[tilespmem:v11+s15+$0x0] =	vst.idx.add.f32.msk $0xffff, v10  }
0x7e: {  	p0 =	sne.s32 s20, s19;
	v9 =	vor.u32 v8, v9;
	v10 =	vld [tilespmem:s21+$0x30]  }
.Ltmp5:
0x7f: {  	_ = 	snop;
	(pc) =	sbr.rel @p0 .LBB2_4-.Ltmp5, $2  }
0x80: {  	_ =	sdelay $0x2  }
0x81: {  	[tilespmem:v9+s15+$0x0] =	vst.idx.add.f32.msk $0xffff, v10  }
.LBB2_7:
0x82: {  	s19 =	sshll.u32 s19, $0x7  }
0x83: {  	s17 =	ssub.s32 s18, s19  }
0x84: {  	p0 =	slt.s32 s17, $0x1  }
.Ltmp6:
0x85: {  	_ = 	snop;
	(pc) =	sbr.rel @p0 .LBB2_11-.Ltmp6, $1  }
0x86: {  	_ =	sdelay $0x3  }
0x87: {  	s18 =	sadd.s32 s7, s19  }
0x88: {  	s18 =	sshrl.u32 s18, $0x3  }
0x89: {  	s20 =	simm.s32 $0x0;
	s31 =	sadd.s32 s4, s18  }
0x8a: {  	[tilespmem:s20], [sflag:$0x2] =	stream.linear.gather [hbm4b:s31+s20], $0x80, $0x38;
	[tilespmem:$0xE180] =	vst v63  }
0x8b: {  	_ =	swait.ge [sflag:s11], $0x80  }
0x8c: {  	[sflag:s11] =	ssyncset.done $0x0  }
0x8d: {  	s18 =	sadd.s32 s5, s18;
	[sflag:s11] =	ssyncadd.s32 $0xFFFFFF80  }
0x8e: {  	[tilespmem:s13], [sflag:$0x2] =	stream.linear.gather [hbm4b:s18+s20], $0x80, $0x38;
	[tilespmem:$0xE180] =	vst v63  }
0x8f: {  	_ =	swait.ge [sflag:s11], $0x80  }
0x90: {  	p0 =	sle.s32 s17, $0x0;
	[sflag:s11] =	ssyncset.done $0x0  }
0x91: {  	v9 =	vmov @!p0 s20;
	[sflag:s11] =	ssyncadd.s32 $0xFFFFFF80  }
0x92: {  	[tilespmem:s14], [sflag:$0x1] =	stream.indirect.gather [hbm4b:s3+s13], $0x80, s20, s13, $0xb8;
	[tilespmem:$0xE180] =	vst v63  }
0x93: {  	_ =	swait.ge [sflag:s12], $0x4000  }
0x94: {  	[sflag:s12] =	ssyncset.done $0x0  }
0x95: {  	s18 =	simm.s32 @!p0 $0x80;
	[sflag:s12] =	ssyncadd.s32 $0xFFFFC000  }
0x96: {  	v9 =	vld.idx.msk @!p0 [tilespmem:v9+s18+$0x0], $0xffff;
	_ =	sdelay $0x3  }
0x97: {  	p0 =	por p0, p0  }
0x98: {  	s18 =	simm.s32 $0x140;
	v10 =	vlaneseq.u32 @!p0;
	v9 =	vshll.u32 @!p0 v9, $0x7  }
0x99: {  	v11 =	vld @!p0 [tilespmem:s18+$0xFFFFFFC0];
	v12 =	vor.u32 @!p0 v10, v9;
	_ =	sdelay $0x3  }
0x9a: {  	s20 =	simm.s32 @!p0 $0x4100  }
0x9b: {  	v13 =	vor.u32 @!p0 $0x10, v10;
	[tilespmem:v12+s20+$0x0] =	vst.idx.add.f32.msk @!p0 $0xffff, v11  }
0x9c: {  	v11 =	vor.u32 @!p0 v13, v9;
	v12 =	vld @!p0 [tilespmem:s18+$0xFFFFFFD0];
	_ =	sdelay $0x4  }
0x9d: {  	v13 =	vor.u32 @!p0 $0x20, v10;
	[tilespmem:v11+s20+$0x0] =	vst.idx.add.f32.msk @!p0 $0xffff, v12  }
0x9e: {  	v11 =	vor.u32 @!p0 v13, v9;
	v12 =	vld @!p0 [tilespmem:s18+$0xFFFFFFE0];
	_ =	sdelay $0x4  }
0x9f: {  	v13 =	vor.u32 @!p0 $0x30, v10;
	[tilespmem:v11+s20+$0x0] =	vst.idx.add.f32.msk @!p0 $0xffff, v12  }
0xa0: {  	v11 =	vor.u32 @!p0 v13, v9;
	v12 =	vld @!p0 [tilespmem:s18+$0xFFFFFFF0];
	_ =	sdelay $0x4  }
0xa1: {  	v13 =	vor.u32 @!p0 $0x40, v10;
	[tilespmem:v11+s20+$0x0] =	vst.idx.add.f32.msk @!p0 $0xffff, v12  }
0xa2: {  	v11 =	vor.u32 @!p0 v13, v9;
	v12 =	vld @!p0 [tilespmem:s18+$0x0];
	_ =	sdelay $0x4  }
0xa3: {  	v13 =	vor.u32 @!p0 $0x50, v10;
	[tilespmem:v11+s20+$0x0] =	vst.idx.add.f32.msk @!p0 $0xffff, v12  }
0xa4: {  	v11 =	vor.u32 @!p0 v13, v9;
	v12 =	vld @!p0 [tilespmem:s18+$0x10];
	_ =	sdelay $0x4  }
0xa5: {  	v13 =	vor.u32 @!p0 $0x60, v10;
	[tilespmem:v11+s20+$0x0] =	vst.idx.add.f32.msk @!p0 $0xffff, v12  }
0xa6: {  	v11 =	vor.u32 @!p0 v13, v9;
	v12 =	vld @!p0 [tilespmem:s18+$0x20];
	_ =	sdelay $0x4  }
0xa7: {  	v10 =	vor.u32 @!p0 $0x70, v10;
	[tilespmem:v11+s20+$0x0] =	vst.idx.add.f32.msk @!p0 $0xffff, v12  }
0xa8: {  	s21 =	simm.s32 $0x1;
	p2 =	sle.s32 s17, $0x1;
	v9 =	vor.u32 @!p0 v10, v9;
	v11 =	vld @!p0 [tilespmem:s18+$0x30]  }
0xa9: {  	s19 =	simm.s32 $0x2;
	s22 =	simm.s32 @!p2 $0x80;
	v10 =	vmov @!p2 s21  }
.LBB2_9:
0xaa: {  	_ =	sdelay $0x2  }
0xab: {  	s18 =	sadd.s32 $0x80, s18;
	s21 =	smov.u32 s19;
	s19 =	sadd.s32 $0x1, s19;
	[tilespmem:v9+s20+$0x0] =	vst.idx.add.f32.msk @!p0 $0xffff, v11  }
0xac: {  	p1 =	sne.s32 s19, $0x80;
	p0 =	por p2, p2;
	v9 =	vld.idx.msk @!p2 [tilespmem:v10+s22+$0x0], $0xffff;
	_ =	sdelay $0x4  }
0xad: {  	v10 =	vlaneseq.u32 @!p0  }
0xae: {  	v11 =	vor.u32 @!p0 $0x10, v10;
	v12 =	vor.u32 @!p0 $0x20, v10;
	v9 =	vshll.u32 @!p0 v9, $0x7  }
0xaf: {  	v15 =	vor.u32 @!p0 $0x30, v10;
	v14 =	vor.u32 @!p0 v10, v9;
	v11 =	vor.u32 @!p0 v11, v9;
	v13 =	vld @!p0 [tilespmem:s18+$0xFFFFFFC0]  }
0xb0: {  	v16 =	vor.u32 @!p0 $0x40, v10;
	v12 =	vor.u32 @!p0 v12, v9;
	v15 =	vor.u32 @!p0 v15, v9  }
0xb1: {  	v17 =	vor.u32 @!p0 $0x50, v10;
	v18 =	vor.u32 @!p0 $0x60, v10;
	v16 =	vor.u32 @!p0 v16, v9  }
0xb2: {  	v17 =	vor.u32 @!p0 v17, v9;
	v18 =	vor.u32 @!p0 v18, v9;
	v10 =	vor.u32 @!p0 $0x70, v10  }
0xb3: {  	s20 =	simm.s32 @!p0 $0x4100;
	v9 =	vor.u32 @!p0 v10, v9  }
0xb4: {  	[tilespmem:v14+s20+$0x0] =	vst.idx.add.f32.msk @!p0 $0xffff, v13  }
0xb5: {  	v10 =	vld @!p0 [tilespmem:s18+$0xFFFFFFD0];
	_ =	sdelay $0x4  }
0xb6: {  	[tilespmem:v11+s20+$0x0] =	vst.idx.add.f32.msk @!p0 $0xffff, v10  }
0xb7: {  	v10 =	vld @!p0 [tilespmem:s18+$0xFFFFFFE0];
	_ =	sdelay $0x4  }
0xb8: {  	[tilespmem:v12+s20+$0x0] =	vst.idx.add.f32.msk @!p0 $0xffff, v10  }
0xb9: {  	v10 =	vld @!p0 [tilespmem:s18+$0xFFFFFFF0];
	_ =	sdelay $0x4  }
0xba: {  	[tilespmem:v15+s20+$0x0] =	vst.idx.add.f32.msk @!p0 $0xffff, v10  }
0xbb: {  	v10 =	vld @!p0 [tilespmem:s18+$0x0];
	_ =	sdelay $0x4  }
0xbc: {  	[tilespmem:v16+s20+$0x0] =	vst.idx.add.f32.msk @!p0 $0xffff, v10  }
0xbd: {  	v10 =	vld @!p0 [tilespmem:s18+$0x10];
	_ =	sdelay $0x4  }
0xbe: {  	[tilespmem:v17+s20+$0x0] =	vst.idx.add.f32.msk @!p0 $0xffff, v10  }
0xbf: {  	v10 =	vld @!p0 [tilespmem:s18+$0x20];
	_ =	sdelay $0x2  }
.Ltmp7:
0xc0: {  	(pc) =	sbr.rel @p1 .LBB2_9-.Ltmp7, $4  }
0xc1: {  	_ = 	snop  }
0xc2: {  	[tilespmem:v18+s20+$0x0] =	vst.idx.add.f32.msk @!p0 $0xffff, v10  }
0xc3: {  	p2 =	sge.s32 s21, s17;
	v11 =	vld @!p0 [tilespmem:s18+$0x30]  }
0xc4: {  	s22 =	simm.s32 @!p2 $0x80;
	v10 =	vmov @!p2 s21  }
0xc5: {  	_ =	sdelay $0x3  }
0xc6: {  	[tilespmem:v9+s20+$0x0] =	vst.idx.add.f32.msk @!p0 $0xffff, v11  }
0xc7: {  	v9 =	vld.idx.msk @!p2 [tilespmem:v10+s22+$0x0], $0xffff;
	_ =	sdelay $0x3  }
0xc8: {  	p0 =	por p2, p2  }
0xc9: {  	s17 =	sadd.s32 $0x80, s18;
	v10 =	vlaneseq.u32 @!p0;
	v9 =	vshll.u32 @!p0 v9, $0x7  }
0xca: {  	v11 =	vld @!p0 [tilespmem:s17+$0xFFFFFFC0];
	v12 =	vor.u32 @!p0 v10, v9;
	_ =	sdelay $0x3  }
0xcb: {  	s18 =	simm.s32 @!p0 $0x4100  }
0xcc: {  	v13 =	vor.u32 @!p0 $0x10, v10;
	[tilespmem:v12+s18+$0x0] =	vst.idx.add.f32.msk @!p0 $0xffff, v11  }
0xcd: {  	v11 =	vor.u32 @!p0 v13, v9;
	v12 =	vld @!p0 [tilespmem:s17+$0xFFFFFFD0];
	_ =	sdelay $0x4  }
0xce: {  	v13 =	vor.u32 @!p0 $0x20, v10;
	[tilespmem:v11+s18+$0x0] =	vst.idx.add.f32.msk @!p0 $0xffff, v12  }
0xcf: {  	v11 =	vor.u32 @!p0 v13, v9;
	v12 =	vld @!p0 [tilespmem:s17+$0xFFFFFFE0];
	_ =	sdelay $0x4  }
0xd0: {  	v13 =	vor.u32 @!p0 $0x30, v10;
	[tilespmem:v11+s18+$0x0] =	vst.idx.add.f32.msk @!p0 $0xffff, v12  }
0xd1: {  	v11 =	vor.u32 @!p0 v13, v9;
	v12 =	vld @!p0 [tilespmem:s17+$0xFFFFFFF0];
	_ =	sdelay $0x4  }
0xd2: {  	v13 =	vor.u32 @!p0 $0x40, v10;
	[tilespmem:v11+s18+$0x0] =	vst.idx.add.f32.msk @!p0 $0xffff, v12  }
0xd3: {  	v11 =	vor.u32 @!p0 v13, v9;
	v12 =	vld @!p0 [tilespmem:s17+$0x0];
	_ =	sdelay $0x4  }
0xd4: {  	v13 =	vor.u32 @!p0 $0x50, v10;
	[tilespmem:v11+s18+$0x0] =	vst.idx.add.f32.msk @!p0 $0xffff, v12  }
0xd5: {  	v11 =	vor.u32 @!p0 v13, v9;
	v12 =	vld @!p0 [tilespmem:s17+$0x10];
	_ =	sdelay $0x4  }
0xd6: {  	v13 =	vor.u32 @!p0 $0x60, v10;
	[tilespmem:v11+s18+$0x0] =	vst.idx.add.f32.msk @!p0 $0xffff, v12  }
0xd7: {  	v11 =	vor.u32 @!p0 v13, v9;
	v12 =	vld @!p0 [tilespmem:s17+$0x20];
	_ =	sdelay $0x4  }
0xd8: {  	v10 =	vor.u32 @!p0 $0x70, v10;
	[tilespmem:v11+s18+$0x0] =	vst.idx.add.f32.msk @!p0 $0xffff, v12  }
0xd9: {  	v9 =	vor.u32 @!p0 v10, v9;
	v10 =	vld @!p0 [tilespmem:s17+$0x30]  }
.Ltmp8:
0xda: {  	_ = 	snop;
	(pc) =	sbr.rel .LBB2_11-.Ltmp8, $2  }
0xdb: {  	_ =	sdelay $0x2  }
0xdc: {  	[tilespmem:v9+s18+$0x0] =	vst.idx.add.f32.msk @!p0 $0xffff, v10  }
.LBB2_12:
0xdd: {  	_ =	sfence.sel $0x180000  }
0xde: {  	[bflag:$0x0] =	sbarrier.arrive $0xFFFF  }
0xdf: {  	p0 =	sne.s32 s1, $0x0;
	_ =	strace $0x90000050  }
0xe0: {  	s0 =	sadd.s32 @!p0 $0x100000, s0;
	[bflag:$0x2] =	sbarrier.arrive $0xFFFF  }
0xe1: {  	[sflag:s0] =	ssyncadd.tile.s32 @!p0 $0x1;
	_ =	shalt  }
.Lfunc_end2:
_tile_overlayer_lowered:
.L_overlay_start_2:
0xe2: {  	(tag) =	ssettag $0x2  }
0xe3: {  	s0 =	rddreg [dreg:$0x0];
	s2 =	stileid.u32  }
0xe4: {  	s1 =	rddreg [dreg:$0x1];
	p0 =	sne.s32 s2, $0x0  }
0xe5: {  	s3 =	rddreg [dreg:$0x2];
	[bflag:$0x3] =	sbarrier.arrive $0xFFFF;
	s2 =	simm.s32 @!p0 $0x1C02  }
0xe6: {  	[timem:s3], [sflag:s2] =	dma.local @!p0 [hbm:s0], s1  }
0xe7: {  	s0 =	simm.s32 @!p0 $0x2  }
0xe8: {  	_ =	swait.ge @!p0 [sflag:s0], s1  }
0xe9: {  	s1 =	ssub.s32 @!p0 $0x0, s1;
	[sflag:s0] =	ssyncset.done @!p0 $0x0  }
0xea: {  	[sflag:s0] =	ssyncadd.s32 @!p0 s1  }
0xeb: {  	[bflag:$0x3] =	sbarrier.arrive $0xFFFF  }
0xec: {  	_ =	shalt  }

// kernel: _run.9.cloned.1.call-start
scs
__scs_entry_jumppad:
0x0: {  	(pc) =	sbr.rel $0x88, $3  }
0x1: {  	(tag) =	ssettag $0x0;
	lr =	simm.s32 $0x1  }
0x2: {  	[smem:$0x3F9B] =	sst lr;
	_ =	strace $0xD0000000  }
0x3: {  	_ = 	snop  }
0x4: {  	_ = 	snop  }
0x5: {  	_ = 	snop  }
0x6: {  	_ = 	snop  }
0x7: {  	_ = 	snop  }
__scs_overlays_trampoline_lowered:
0x8: {  	[smem:$0x3FAA] =	sst s0  }
0x9: {  	[smem:$0x3FAB] =	sst s1  }
0xa: {  	[smem:$0x3FAC] =	sst s2  }
0xb: {  	[smem:$0x3FAD] =	sst s3  }
0xc: {  	[smem:$0x3FAE] =	sst s4  }
0xd: {  	[smem:$0x3FAF] =	sst s5  }
0xe: {  	[smem:$0x3FB0] =	sst s6  }
0xf: {  	[smem:$0x3FB1] =	sst s7  }
0x10: {  	[smem:$0x3FB2] =	sst s8  }
0x11: {  	[smem:$0x3FB3] =	sst s9;
	s0 =	simm.s32 @!p0 $0x0  }
0x12: {  	s1 =	sld [smem:$0x3F99];
	s0 =	simm.s32 @p0 $0x1  }
0x13: {  	[smem:$0x3FB4] =	sst s0;
	s0 =	simm.s32 @!p1 $0x0  }
0x14: {  	s2 =	sld [smem:$0x3F98];
	s0 =	simm.s32 @p1 $0x1  }
0x15: {  	[smem:$0x3FB5] =	sst s0;
	s0 =	simm.s32 @!p2 $0x0  }
0x16: {  	s3 =	sld [smem:$0x3FDB];
	s0 =	simm.s32 @p2 $0x1  }
0x17: {  	s4 =	simm.s32 $0x1BF5;
	[smem:$0x3FB7] =	sst s0  }
0x18: {  	s0 =	sld [smem:$0x3F9A];
	_ =	swait.ge [sflag:s4], $0x0  }
0x19: {  	s7 =	sld [smem:$0x3F9B]  }
0x1a: {  	s8 =	sadd.s32 $0xFFFFE003, lr  }
0x1b: {  	s9 =	sadd.s32 $0xFFFFFEF7, lr;
	s5 =	simm.s32 $0xFFFFFFFF;
	p2 =	slt.u32 s8, $0xFFFFF086  }
0x1c: {  	p1 =	slt.u32 s9, $0xF7A;
	s5 =	simm.s32 @!p2 $0x0  }
0x1d: {  	s5 =	simm.s32 @p1 $0x1;
	p0 =	seq.s32 s7, s2  }
0x1e: {  	s7 =	smul.u32 @!p0 $0xF7A, s2;
	p2 =	seq.s32 @!p0 s5, $0x0  }
0x1f: {  	s9 =	smul.u32 $0xF7A, s1;
	s8 =	simm.s32 @!p0 $0x1BF5;
	p2 =	por !p2, p0  }
0x20: {  	[sflag:s8] =	ssyncset.s32 @!p0 $0xFFFFF086;
	s6 =	sadd.s32 @!p0 s3, s7;
	s7 =	simm.s32 @!p0 $0x108  }
0x21: {  	s3 =	sadd.s32 s3, s9;
	s6 =	sadd.s32 @!p0 $0x88, s6;
	s7 =	simm.s32 @p2 $0x1082  }
0x22: {  	[simem:s7], [sflag:s8] =	dma.local @!p0 [hbm:s6], $0xF7A  }
0x23: {  	s9 =	sor.u32 $0xD0000000, s2;
	s6 =	simm.s32 $0x108;
	_ =	swait.ge @!p0 [sflag:s8], $0x0  }
0x24: {  	s3 =	sadd.s32 $0x88, s3;
	s6 =	simm.s32 @!p1 $0x1082;
	[sflag:s4] =	ssyncset.s32 $0xFFFFF086  }
0x25: {  	[simem:s6], [sflag:s4] =	dma.local [hbm:s3], $0xF7A  }
0x26: {  	[smem:$0x3F9B] =	sst s1;
	(tag) =	ssettag s2;
	_ =	strace s9  }
0x27: {  	s1 =	sld [smem:$0x3FAB]  }
0x28: {  	s2 =	sld [smem:$0x3FAC]  }
0x29: {  	s4 =	sld [smem:$0x3FAE]  }
0x2a: {  	p0 =	seq.s32 s5, $0x0;
	s5 =	sld [smem:$0x3FAF]  }
0x2b: {  	s6 =	sld [smem:$0x3FB0]  }
0x2c: {  	s7 =	sld [smem:$0x3FB1]  }
0x2d: {  	s3 =	simm.s32 $0x108;
	s8 =	sld [smem:$0x3FB2]  }
0x2e: {  	s3 =	simm.s32 @!p0 $0x1082;
	s9 =	sld [smem:$0x3FB3]  }
0x2f: {  	lr =	sadd.s32 s0, s3;
	s0 =	sld [smem:$0x3FAA]  }
0x30: {  	s3 =	sld [smem:$0x3FAD]  }
0x31: {  	[smem:$0x3FB6] =	sst s10  }
0x32: {  	s10 =	sld [smem:$0x3FB4];
	_ =	sdelay $0x3  }
0x33: {  	p0 =	seq.s32 s10, $0x1;
	s10 =	sld [smem:$0x3FB6];
	_ =	sdelay $0x3  }
0x34: {  	[smem:$0x3FB6] =	sst s10  }
0x35: {  	s10 =	sld [smem:$0x3FB5];
	_ =	sdelay $0x3  }
0x36: {  	p1 =	seq.s32 s10, $0x1;
	s10 =	sld [smem:$0x3FB6];
	_ =	sdelay $0x3  }
0x37: {  	[smem:$0x3FB6] =	sst s10  }
0x38: {  	s10 =	sld [smem:$0x3FB7]  }
0x39: {  	_ = 	snop;
	(pc) =	sbr.ind lr, $3  }
0x3a: {  	_ = 	snop  }
0x3b: {  	_ = 	snop  }
0x3c: {  	p2 =	seq.s32 s10, $0x1;
	s10 =	sld [smem:$0x3FB6]  }
0x3d: {  	_ =	shalt  }
0x3e: {  	_ =	shalt  }
0x3f: {  	_ =	shalt  }
0x40: {  	_ =	shalt  }
0x41: {  	_ =	shalt  }
0x42: {  	_ =	shalt  }
0x43: {  	_ =	shalt  }
0x44: {  	_ =	shalt  }
0x45: {  	_ =	shalt  }
0x46: {  	_ =	shalt  }
0x47: {  	_ =	shalt  }
0x48: {  	_ =	shalt  }
0x49: {  	_ =	shalt  }
0x4a: {  	_ =	shalt  }
0x4b: {  	_ =	shalt  }
0x4c: {  	_ =	shalt  }
0x4d: {  	_ =	shalt  }
0x4e: {  	_ =	shalt  }
0x4f: {  	_ =	shalt  }
0x50: {  	_ =	shalt  }
0x51: {  	_ =	shalt  }
0x52: {  	_ =	shalt  }
0x53: {  	_ =	shalt  }
0x54: {  	_ =	shalt  }
0x55: {  	_ =	shalt  }
0x56: {  	_ =	shalt  }
0x57: {  	_ =	shalt  }
0x58: {  	_ =	shalt  }
0x59: {  	_ =	shalt  }
0x5a: {  	_ =	shalt  }
0x5b: {  	_ =	shalt  }
0x5c: {  	_ =	shalt  }
0x5d: {  	_ =	shalt  }
0x5e: {  	_ =	shalt  }
0x5f: {  	_ =	shalt  }
0x60: {  	_ =	shalt  }
0x61: {  	_ =	shalt  }
0x62: {  	_ =	shalt  }
0x63: {  	_ =	shalt  }
0x64: {  	_ =	shalt  }
0x65: {  	_ =	shalt  }
0x66: {  	_ =	shalt  }
0x67: {  	_ =	shalt  }
0x68: {  	_ =	shalt  }
0x69: {  	_ =	shalt  }
0x6a: {  	_ =	shalt  }
0x6b: {  	_ =	shalt  }
0x6c: {  	_ =	shalt  }
0x6d: {  	_ =	shalt  }
0x6e: {  	_ =	shalt  }
0x6f: {  	_ =	shalt  }
0x70: {  	_ =	shalt  }
0x71: {  	_ =	shalt  }
0x72: {  	_ =	shalt  }
0x73: {  	_ =	shalt  }
0x74: {  	_ =	shalt  }
0x75: {  	_ =	shalt  }
0x76: {  	_ =	shalt  }
0x77: {  	_ =	shalt  }
0x78: {  	_ =	shalt  }
0x79: {  	_ =	shalt  }
0x7a: {  	_ =	shalt  }
0x7b: {  	_ =	shalt  }
0x7c: {  	_ =	shalt  }
0x7d: {  	_ =	shalt  }
0x7e: {  	_ =	shalt  }
0x7f: {  	_ =	shalt  }
0x80: {  	_ =	shalt  }
0x81: {  	_ =	shalt  }
0x82: {  	_ =	shalt  }
0x83: {  	_ =	shalt  }
0x84: {  	_ =	shalt  }
0x85: {  	_ =	shalt  }
0x86: {  	_ =	shalt  }
0x87: {  	_ =	shalt  }
.Lfunc_end0:
.L_simem_size_0:
called_computation_lowered:
.L_overlay_start_0:
0x88: {  	s2 =	sld [smem:$0x3FD9]  }
0x89: {  	s3 =	sld [smem:$0x3FFE];
	_ =	sdelay $0x1  }
0x8a: {  	s1 =	srdreg.scid  }
0x8b: {  	s0 =	sand.u32 $0x1, s1  }
0x8c: {  	s17 =	sshll.u32 s0, $0xA;
	s2 =	sadd.s32 s3, s2  }
0x8d: {  	s2 =	sadd.s32 s2, s17  }
0x8e: {  	[smem:$0x3FC2] =	sst s2  }
0x8f: {  	_ = 	snop  }
0x90: {  	s2 =	sld [smem:$0x3FD0];
	(tm) =	ssettm $0x1  }
0x91: {  	s18 =	sld [smem:$0x3FFB];
	_ =	sdelay $0x3  }
0x92: {  	_ =	strace s18  }
0x93: {  	s3 =	sld [smem:$0x3FFC];
	_ =	sdelay $0x3  }
0x94: {  	_ =	strace s3  }
0x95: {  	s3 =	sld [smem:$0x3FFD];
	_ =	sdelay $0x3  }
0x96: {  	_ =	strace s3  }
0x97: {  	_ =	strace $0x8FFFFFFF  }
0x98: {  	s19 =	sld [smem:$0x3FDB];
	_ =	sdelay $0x1  }
0x99: {  	s4 =	simm.s32 $_scs_section_size  }
0x9a: {  	s5 =	simm.s32 $_size__tile_overlayer_lowered;
	s6 =	simm.s32 $_tile_overlayer_lowered  }
0x9b: {  	s22 =	simm.s32 $0x1BFF;
	s21 =	sshll.u32 s6, $0x1;
	s3 =	sadd.s32 s4, s19  }
0x9c: {  	s7 =	simm.s32 $0x0;
	s20 =	sshll.u32 s5, $0x1;
	s5 =	sadd.s32 s21, s3  }
0x9d: {  	[timem:s7], [sflag:s22] =	dma.local [hbm:s5], s20  }
0x9e: {  	_ =	swait.ge [sflag:s22], s20  }
0x9f: {  	s4 =	ssub.s32 $0x0, s20;
	[sflag:s22] =	ssyncset.done $0x0  }
0xa0: {  	[sflag:s22] =	ssyncadd.s32 s4;
	_ =	sdelay $0x1  }
0xa1: {  	s23 =	simm.s32 $0x1B8B  }
0xa2: {  	_ =	swait.ge [sflag:s23], $0x1  }
0xa3: {  	[sflag:s23] =	ssyncset.done $0x0  }
0xa4: {  	s25 =	simm.s32 $0x1B8E;
	s24 =	sld [smem:$0x3FFE];
	[sflag:s23] =	ssyncadd.s32 $0xFFFFFFFF  }
0xa5: {  	s26 =	simm.s32 $execute0_lowered;
	[smem:$0x3FD2] =	sst s25  }
0xa6: {  	s5 =	sshll.u32 s26, $0x1;
	_ =	strace $0x80000046;
	[dreg:$0x1] =	wrdreg $0xFFFFFFFF  }
0xa7: {  	s28 =	simm.s32 $_size_execute0_lowered;
	s3 =	sadd.s32 s3, s5;
	[dreg:$0x0] =	wrdreg $0x0  }
0xa8: {  	s5 =	sshll.u32 s28, $0x1;
	[dreg:$0x2] =	wrdreg s3  }
0xa9: {  	[dreg:$0x3] =	wrdreg s5  }
0xaa: {  	[dreg:$0x4] =	wrdreg $0xC0  }
0xab: {  	_ =	task [dreg:s7], $0x5FFFF  }
0xac: {  	[dreg:$0x1] =	wrdreg $0xFFFFFFFF  }
0xad: {  	[dreg:$0x0] =	wrdreg $0x60  }
0xae: {  	[dreg:$0x2] =	wrdreg s2  }
0xaf: {  	[dreg:$0x3] =	wrdreg s24  }
0xb0: {  	[dreg:$0x4] =	wrdreg $0x9  }
0xb1: {  	_ =	task.clear_ibuf [dreg:s7], $0x5FFFF;
	_ =	strace $0x90000046  }
0xb2: {  	s29 =	simm.s32 $0x9;
	_ =	strace $0x80000048  }
0xb3: {  	_ =	swait.ge [sflag:s29], $0x1  }
0xb4: {  	[sflag:s29] =	ssyncadd.s32 $0xFFFFFFFF  }
0xb5: {  	_ =	strace $0x90000048  }
0xb6: {  	_ =	sfence  }
0xb7: {  	s30 =	sld [smem:$0x0];
	_ =	sdelay $0x2  }
0xb8: {  	s31 =	sshll.u32 s1, $0xD;
	s1 =	sshrl.u32 s1, $0x2  }
0xb9: {  	s3 =	sand.u32 $0x4000, s31;
	s1 =	sadd.s32 s1, s30  }
0xba: {  	s0 =	sor.u32 s3, s0;
	s1 =	sshll.u32 s1, $0x11  }
0xbb: {  	s0 =	sor.u32 s1, s0  }
0xbc: {  	s0 =	sadd.s32 $0x8F2B, s0  }
0xbd: {  	[sflag:s0] =	ssyncadd.remote.s32 $0x1  }
0xbe: {  	_ =	sfence.sel $0xFFFF  }
0xbf: {  	[dreg:$0x0] =	wrdreg $0xFFFFFFFF;
	(pc) =	sbr.abs _section_cstart, $3  }
0xc0: {  	[dreg:$0x1] =	wrdreg $0xFFFFFFFF  }
0xc1: {  	_ =	task.clear_ibuf [dreg:s7], $0x2FFFF;
	_ =	strace $0x9FFFFFFF  }
0xc2: {  	(tm) =	ssettm $0x7FFFFFFF  }
0xc3: {  	_ =	shalt  }
tec
execute0_lowered:
.L_overlay_start_1:
0x0: {  	(tag) =	ssettag $0x1  }
0x1: {  	s1 =	rddreg [dreg:$0x0]  }
0x2: {  	s7 =	rddreg [dreg:$0x1]  }
0x3: {  	s0 =	rddreg [dreg:$0x2]  }
0x4: {  	s3 =	simm.s32 $0x0;
	s4 =	srdreg.scid;
	s2 =	stileid.u32  }
0x5: {  	s12 =	simm.s32 $0x3080;
	s15 =	simm.s32 $0x0;
	[smem:$0x7FF] =	sst s3  }
0x6: {  	s6 =	sand.u32 $0x1, s4;
	s5 =	sshll.u32 s2, $0x1;
	s4 =	sadd.s32 $0x1C00, s7  }
0x7: {  	_ =	strace $0x80000047;
	s8 =	sor.u32 s6, s5;
	s5 =	sadd.s32 $0xBA00, s7  }
0x8: {  	s9 =	ssub.s32 $0x2, s6;
	s6 =	sadd.s32 $0x14BC00, s7;
	s10 =	sshll.u32 s8, $0x1  }
0x9: {  	s13 =	smul.u32 $0x140, s8;
	s11 =	sshrl.u32 s9, $0x1;
	s10 =	sadd.s32 s10, s7  }
0xa: {  	s9 =	ssub.s32 s9, s11;
	s7 =	smul.u32 $0x50010, s8;
	s11 =	simm.s32 $0x1000  }
0xb: {  	s14 =	sadd.s32 $0x140, s13;
	s8 =	sadd.s32 $0x28BE00, s10;
	s9 =	smax.u32 s9, $0x1  }
0xc: {  	v2 =	vimm.s32 $0x0;
	s10 =	simm.s32 $0x1;
	v0 =	vmov s13;
	s13 =	simm.s32 $0x2000;
	v1 =	vmov s14;
	s14 =	simm.s32 $0x4100  }
.LBB2_1:
0xd: {  	s16 =	simm.s32 $0x40;
	s17 =	simm.s32 $0x0  }
.LBB2_2:
0xe: {  	p0 =	sne.s32 s16, $0x4040;
	[tilespmem:s17+$0x2000] =	vst v2;
	s18 =	smov.u32 s16;
	s16 =	sadd.s32 $0x40, s16  }
.Ltmp0:
0xf: {  	[tilespmem:s17+$0x3080] =	vst v2;
	(pc) =	sbr.rel @p0 .LBB2_2-.Ltmp0, $2  }
0x10: {  	_ =	sdelay $0x2  }
0x11: {  	s17 =	sshra.s32 s18, $0x2  }
0x12: {  	[tilespmem:s17+$0x2000] =	vst v2;
	s16 =	simm.s32 $0x0  }
0x13: {  	[tilespmem:s17+$0x3080] =	vst v2;
	s19 =	simm.s32 $0x0;
	s21 =	simm.s32 $0x0;
	s17 =	simm.s32 $0x0  }
.LBB2_4:
0x14: {  	s18 =	sshll.u32 s17, $0x9  }
0x15: {  	s20 =	sadd.s32 s4, s18  }
0x16: {  	[tilespmem:s16], [sflag:$0x1] =	stream.linear.gather [hbm4b:s20+s16], $0x1000, $0x38;
	[tilespmem:$0x4180] =	vst v63  }
0x17: {  	_ =	swait.ge [sflag:s10], $0x1000  }
0x18: {  	[sflag:s10] =	ssyncset.done $0x0  }
0x19: {  	s18 =	sadd.s32 s1, s18;
	[sflag:s10] =	ssyncadd.s32 $0xFFFFF000  }
0x1a: {  	[tilespmem:s11], [sflag:$0x1] =	stream.linear.gather [hbm4b:s18+s16], $0x1000, $0x38;
	[tilespmem:$0x4180] =	vst v63  }
0x1b: {  	_ =	swait.ge [sflag:s10], $0x1000  }
0x1c: {  	[sflag:s10] =	ssyncset.done $0x0  }
0x1d: {  	s31 =	simm.s32 $0x0;
	[sflag:s10] =	ssyncadd.s32 $0xFFFFF000  }
0x1e: {  	v3 =	vld [tilespmem:s31+$0x0];
	_ =	sdelay $0x4  }
0x1f: {  	vm0 =	vge.s32 v3, v0;
	vm1 =	vlt.s32 v3, v1  }
0x20: {  	vm0 =	vmand vm0, vm1  }
0x21: {  	v4 =	vsel vm0, $0x1, v2  }
0x22: {  	(xrf0) =	vadd.scan.msk.s32 $0xffff, v4;
	_ =	sdelay $0x2  }
0x23: {  	v63 =	vmov s19  }
0x24: {  	v4 =	vadd.s32 $0xFFFFFFFF, v63  }
0x25: {  	v4 =	vbroadcast v4, $0x0  }
0x26: {  	v5, _, _ =	vpop (xrf0)  }
0x27: {  	v4 =	vadd.s32 v5, v4;
	(v2sf) =	vpush v5, $0xF  }
0x28: {  	v4 =	vnsel vm0, $0x1010, v4  }
0x29: {  	v6 =	vld [tilespmem:s31+$0x1000];
	_ =	sdelay $0x2  }
0x2a: {  	v3 =	vsub.s32 v3, v0  }
0x2b: {  	[tilespmem:v4+s12+$0x0] =	vst.idx.msk $0xffff, v3  }
0x2c: {  	s20 =	simm.s32 $0x10;
	s18 =	smov.u32 s21;
	s21 =	simm.s32 $0x80;
	[tilespmem:v4+s13+$0x0] =	vst.idx.msk $0xffff, v6  }
.LBB2_5:
0x2d: {  	p0 =	sne.s32 s21, $0x3FC0;
	v3 =	vld [tilespmem:s20+$0x0];
	_ =	sdelay $0x4  }
0x2e: {  	vm0 =	vge.s32 v3, v0;
	vm1 =	vlt.s32 v3, v1;
	v3 =	vsub.s32 v3, v0  }
0x2f: {  	vm0 =	vmand vm0, vm1  }
0x30: {  	v4 =	vsel vm0, $0x1, v2;
	s22 =	spop (v2sf)  }
0x31: {  	(xrf0) =	vadd.scan.msk.s32 $0xffff, v4;
	s19 =	sadd.s32 s19, s22  }
0x32: {  	v4 =	vmov s19  }
0x33: {  	v4 =	vadd.s32 $0xFFFFFFFF, v4  }
0x34: {  	v4 =	vbroadcast v4, $0x0;
	_ =	sdelay $0x2  }
0x35: {  	v5, _, _ =	vpop (xrf0)  }
0x36: {  	v4 =	vadd.s32 v5, v4;
	(v2sf) =	vpush v5, $0xF  }
0x37: {  	v4 =	vnsel vm0, $0x1010, v4  }
0x38: {  	v5 =	vld [tilespmem:s20+$0x1000]  }
.Ltmp1:
0x39: {  	(pc) =	sbr.rel @p0 .LBB2_5-.Ltmp1, $3  }
0x3a: {  	_ =	sdelay $0x1  }
0x3b: {  	[tilespmem:v4+s12+$0x0] =	vst.idx.msk $0xffff, v3  }
0x3c: {  	s20 =	sshra.s32 s21, $0x2;
	s21 =	sadd.s32 $0x40, s21;
	[tilespmem:v4+s13+$0x0] =	vst.idx.msk $0xffff, v5  }
0x3d: {  	v3 =	vld [tilespmem:s20+$0x0];
	_ =	sdelay $0x4  }
0x3e: {  	vm0 =	vge.s32 v3, v0;
	vm1 =	vlt.s32 v3, v1  }
0x3f: {  	vm0 =	vmand vm0, vm1  }
0x40: {  	v4 =	vsel vm0, $0x1, v2  }
0x41: {  	(xrf0) =	vadd.scan.msk.s32 $0xffff, v4;
	_ =	sdelay $0x5  }
0x42: {  	v4, _, _ =	vpop (xrf0)  }
0x43: {  	s21 =	spop (v2sf);
	(v2sf) =	vpush v4, $0xF  }
0x44: {  	s19 =	sadd.s32 s19, s21  }
0x45: {  	v5 =	vmov s19  }
0x46: {  	v5 =	vadd.s32 $0xFFFFFFFF, v5  }
0x47: {  	v5 =	vbroadcast v5, $0x0;
	_ =	sdelay $0x1  }
0x48: {  	v4 =	vadd.s32 v4, v5  }
0x49: {  	v4 =	vnsel vm0, $0x1010, v4  }
0x4a: {  	v62 =	vld [tilespmem:s20+$0x1000];
	_ =	sdelay $0x2  }
0x4b: {  	s24 =	sadd.s32 s7, s18;
	v3 =	vsub.s32 v3, v0  }
0x4c: {  	s25 =	sshrl.u32 s24, $0x3;
	[tilespmem:v4+s12+$0x0] =	vst.idx.msk $0xffff, v3  }
0x4d: {  	s20 =	sadd.s32 s5, s25;
	[tilespmem:v4+s13+$0x0] =	vst.idx.msk $0xffff, v62  }
0x4e: {  	[hbm4b:s20+s3] =	stream.linear.scatter [tilespmem:s13], [sflag:$0x1], $0x1010, $0x38;
	[tilespmem:$0x4180] =	vst v63  }
0x4f: {  	s26 =	spop (v2sf)  }
0x50: {  	s28 =	sadd.s32 s6, s25;
	_ =	swait.ge [sflag:s10], $0x1010;
	s20 =	sadd.s32 s19, s26  }
0x51: {  	[sflag:s10] =	ssyncset.done $0x0;
	s29 =	sand.u32 $0xF, s20;
	s30 =	sshra.s32 s20, $0x1F  }
0x52: {  	p0 =	slt.s32 s20, $0x1;
	[sflag:s10] =	ssyncadd.s32 $0xFFFFEFF0;
	p1 =	sne.s32 s29, $0x0  }
0x53: {  	[hbm4b:s28+s3] =	stream.linear.scatter [tilespmem:s12], [sflag:$0x1], $0x1010, $0x38;
	[tilespmem:$0x4180] =	vst v63  }
0x54: {  	s31 =	sshrl.u32 s30, $0x1C;
	p0 =	por !p0, !p1  }
0x55: {  	s21 =	simm.s32 $0x1;
	s19 =	sadd.s32 s31, s20;
	p0 =	por !p0, !p0  }
0x56: {  	_ =	swait.ge [sflag:s10], $0x1010;
	s19 =	sshrl.u32 s19, $0x4;
	s21 =	simm.s32 @!p0 $0x0  }
0x57: {  	[sflag:s10] =	ssyncset.done $0x0;
	s19 =	ssub.s32 s19, s21  }
0x58: {  	[sflag:s10] =	ssyncadd.s32 $0xFFFFEFF0;
	s19 =	sshll.u32 s19, $0x4  }
0x59: {  	s17 =	sadd.s32 $0x1, s17;
	v3 =	vld [tilespmem:s19+$0x2000]  }
0x5a: {  	p0 =	sne.s32 s17, $0x4F;
	v63 =	vld [tilespmem:s19+$0x3080]  }
.Ltmp2:
0x5b: {  	_ = 	snop;
	(pc) =	sbr.rel @p0 .LBB2_4-.Ltmp2, $3  }
0x5c: {  	_ =	sdelay $0x1  }
0x5d: {  	[tilespmem:$0x2000] =	vst v3  }
0x5e: {  	s21 =	sadd.s32 s18, s19;
	s19 =	ssub.s32 s20, s19;
	[tilespmem:$0x3080] =	vst v63  }
0x5f: {  	s16 =	sadd.s32 s7, s21  }
0x60: {  	s16 =	sshrl.u32 s16, $0x3  }
0x61: {  	s17 =	sadd.s32 s5, s16  }
0x62: {  	[hbm4b:s17+s3] =	stream.linear.scatter [tilespmem:s13], [sflag:$0x1], $0x1010, $0x38;
	[tilespmem:$0x4180] =	vst v63  }
0x63: {  	_ =	swait.ge [sflag:s10], $0x1010  }
0x64: {  	[sflag:s10] =	ssyncset.done $0x0  }
0x65: {  	s16 =	sadd.s32 s6, s16;
	[sflag:s10] =	ssyncadd.s32 $0xFFFFEFF0  }
0x66: {  	[hbm4b:s16+s3] =	stream.linear.scatter [tilespmem:s12], [sflag:$0x1], $0x1010, $0x38;
	[tilespmem:$0x4180] =	vst v63  }
0x67: {  	_ =	swait.ge [sflag:s10], $0x1010  }
0x68: {  	s31 =	sadd.s32 s18, s20;
	s15 =	sadd.s32 $0x1, s15;
	[sflag:s10] =	ssyncset.done $0x0  }
0x69: {  	v3 =	vmov s31;
	p0 =	sne.s32 s15, s9;
	[sflag:s10] =	ssyncadd.s32 $0xFFFFEFF0  }
.Ltmp3:
0x6a: {  	[tilespmem:$0x4100] =	vst v3;
	(pc) =	sbr.rel @p0 .LBB2_1-.Ltmp3, $4  }
0x6b: {  	[hbm4b:s8+s3] =	stream.linear.scatter [tilespmem:s14], [sflag:$0x1], $0x10, $0x38;
	[tilespmem:$0x4180] =	vst v63  }
0x6c: {  	_ =	swait.ge [sflag:s10], $0x10  }
0x6d: {  	[sflag:s10] =	ssyncset.done $0x0  }
0x6e: {  	[sflag:s10] =	ssyncadd.s32 $0xFFFFFFF0  }
0x6f: {  	_ =	sfence.sel $0x180000  }
0x70: {  	[bflag:$0x0] =	sbarrier.arrive $0xFFFF  }
0x71: {  	p0 =	sne.s32 s2, $0x0;
	_ =	strace $0x90000047  }
0x72: {  	s0 =	sadd.s32 @!p0 $0x100000, s0;
	[bflag:$0x2] =	sbarrier.arrive $0xFFFF  }
0x73: {  	[sflag:s0] =	ssyncadd.tile.s32 @!p0 $0x1;
	_ =	shalt  }
.Lfunc_end2:
_tile_overlayer_lowered:
.L_overlay_start_2:
0x74: {  	(tag) =	ssettag $0x2  }
0x75: {  	s0 =	rddreg [dreg:$0x0];
	s2 =	stileid.u32  }
0x76: {  	s1 =	rddreg [dreg:$0x1];
	p0 =	sne.s32 s2, $0x0  }
0x77: {  	s3 =	rddreg [dreg:$0x2];
	[bflag:$0x3] =	sbarrier.arrive $0xFFFF;
	s2 =	simm.s32 @!p0 $0x1C01  }
0x78: {  	[timem:s3], [sflag:s2] =	dma.local @!p0 [hbm:s0], s1  }
0x79: {  	s0 =	simm.s32 @!p0 $0x1  }
0x7a: {  	_ =	swait.ge @!p0 [sflag:s0], s1  }
0x7b: {  	s1 =	ssub.s32 @!p0 $0x0, s1;
	[sflag:s0] =	ssyncset.done @!p0 $0x0  }
0x7c: {  	[sflag:s0] =	ssyncadd.s32 @!p0 s1  }
0x7d: {  	[bflag:$0x3] =	sbarrier.arrive $0xFFFF  }
0x7e: {  	_ =	shalt  }

</sc_bundles>
